<compile_context>
chip_gen: v7x
topology: tpu7x:2x2x1
jax: 0.10.2.dev20260603
libtpu: 0.0.44.dev20260713+nightly
codegen_flags: <defaults>
</compile_context>

<pallas_src>
import functools

import jax
import jax.numpy as jnp
from jax import lax
from jax.experimental import pallas as pl
from jax.experimental.pallas import tpu as pltpu
from jax.experimental.pallas import tpu_sc as plsc

_TABLE = 1000000
_D = 32
_H = 128
_NC, _NS = 2, 16
_NW = _NC * _NS
_CH = 512
_SUB = 128
_NSUB = _CH // _SUB

_HASH_C = (
    (387584, 8191),
    (242496, 104729),
    (935232, 97593),
)

_QP = 262144
_TBN = 8192
_LASTB = (_TABLE - 1) // _TBN


def _tc_transpose_packed(table_t):

    def body(t0, t1, t2, t3, o_r):
        eye = (lax.broadcasted_iota(jnp.int32, (_H, _H), 0)
               == lax.broadcasted_iota(jnp.int32, (_H, _H), 1)
               ).astype(jnp.float32)
        tall = jnp.concatenate([t[...] for t in (t0, t1, t2, t3)], axis=0)
        o_r[...] = lax.dot_general(
            tall, eye, (((0,), (0,)), ((), ())),
            preferred_element_type=jnp.float32)

    def in_spec(a):
        base = a * (_QP // _TBN)
        return pl.BlockSpec(
            (_D, _TBN),
            lambda i: (jnp.int32(0),
                       jnp.minimum(jnp.int32(base) + i, jnp.int32(_LASTB))))

    return pl.pallas_call(
        body,
        grid=(_QP // _TBN,),
        in_specs=[in_spec(a) for a in range(4)],
        out_specs=pl.BlockSpec((_TBN, 4 * _D), lambda i: (i, jnp.int32(0))),
        out_shape=jax.ShapeDtypeStruct((_QP, 4 * _D), jnp.float32),
    )(table_t, table_t, table_t, table_t)


def _sc_gather_one(ids, prev, table_pk, n, c_hi, c_lo):
    nchunks = n // _CH
    base_per_w = nchunks // _NW
    extra = nchunks % _NW
    mesh = plsc.VectorSubcoreMesh(core_axis_name="c", subcore_axis_name="s")

    @functools.partial(
        pl.kernel,
        out_type=jax.ShapeDtypeStruct((n, _D), jnp.float32),
        mesh=mesh,
        scratch_types=[
            pltpu.VMEM((_CH,), jnp.int32),
            pltpu.VMEM((_CH,), jnp.int32),
            pltpu.VMEM((_CH,), jnp.int32),
            pltpu.VMEM((_CH, _D), jnp.float32),
            pltpu.SemaphoreType.DMA,
        ],
        compiler_params=pltpu.CompilerParams(
            use_tc_tiling_on_sc=False, needs_layout_passes=False),
    )
    def k(ids_h, prev_h, t_h, e_h, ids_v, prev_v, idx_v, rows_v, sem):
        wid = lax.axis_index("s") * _NC + lax.axis_index("c")
        nch = jnp.int32(base_per_w) + (wid < extra).astype(jnp.int32)

        def chunk(c, carry):
            base = (c * jnp.int32(_NW) + wid) * jnp.int32(_CH)
            pltpu.sync_copy(ids_h.at[pl.ds(base, _CH)], ids_v)
            pltpu.sync_copy(prev_h.at[pl.ds(base, _CH)], prev_v)

            def hstep(i, hcarry):
                sl = pl.ds(i * jnp.int32(16), 16)
                cur = ids_v[sl]
                prv = prev_v[sl]
                p_hi = lax.shift_right_logical(prv, jnp.int32(10))
                p_lo = lax.bitwise_and(prv, jnp.int32(1023))
                h = (p_hi * c_hi + p_lo * c_lo + cur) % _TABLE
                m = lax.bitwise_and(h, jnp.int32(_QP - 1))
                a = lax.shift_right_logical(h, jnp.int32(18))
                hp = lax.bitwise_or(lax.shift_left(m, jnp.int32(2)), a)
                u0 = lax.shift_left(
                    lax.bitwise_and(i, jnp.int32(7)), jnp.int32(4))
                qa = lax.shift_right_logical(i, jnp.int32(3))
                slots = ((u0 + lax.broadcasted_iota(jnp.int32, (16,), 0))
                         * jnp.int32(4) + qa)
                plsc.store_scatter(idx_v, [slots], hp)
                return hcarry

            lax.fori_loop(jnp.int32(0), jnp.int32(_CH // 16), hstep,
                          jnp.int32(0))
            cps = [
                pltpu.async_copy(
                    t_h.at[idx_v.at[pl.ds(jnp.int32(s * _SUB), _SUB)]],
                    rows_v.at[pl.ds(jnp.int32(s * _SUB), _SUB)], sem)
                for s in range(_NSUB)
            ]
            for cp in cps:
                cp.wait()
            pltpu.sync_copy(rows_v, e_h.at[pl.ds(base, _CH)])
            return carry

        lax.fori_loop(jnp.int32(0), nch, chunk, jnp.int32(0))

    return k(ids, prev, table_pk)


def _tc_project(e1, e2, e3, w, n):
    bm = 2048
    bp = bm // 4

    def body(e1_r, e2_r, e3_r, w_r, o_r):
        for c in range(4):
            for a in range(4):
                cat = jnp.concatenate(
                    [e_r[pl.ds(c * _SUB, _SUB),
                         pl.ds(a * _D, _D)]
                     for e_r in (e1_r, e2_r, e3_r)], axis=1)
                o_r[pl.ds(c * _CH + a * _SUB, _SUB), :] = lax.dot_general(
                    cat, w_r[...], (((1,), (1,)), ((), ())),
                    preferred_element_type=jnp.float32)

    return pl.pallas_call(
        body,
        grid=(n // bm,),
        in_specs=[
            pl.BlockSpec((bp, 4 * _D), lambda i: (i, jnp.int32(0))),
            pl.BlockSpec((bp, 4 * _D), lambda i: (i, jnp.int32(0))),
            pl.BlockSpec((bp, 4 * _D), lambda i: (i, jnp.int32(0))),
            pl.BlockSpec((_H, 3 * _D), lambda i: (jnp.int32(0), jnp.int32(0))),
        ],
        out_specs=pl.BlockSpec((bm, _H), lambda i: (i, jnp.int32(0))),
        out_shape=jax.ShapeDtypeStruct((n, _H), jnp.float32),
    )(e1.reshape(n // 4, 4 * _D), e2.reshape(n // 4, 4 * _D),
      e3.reshape(n // 4, 4 * _D), w)


def kernel(input_ids, table1, table2, table3, W):
    b, t = input_ids.shape
    n = b * t
    ids32 = input_ids.astype(jnp.int32)
    prev = jnp.concatenate(
        [jnp.zeros((b, 1), jnp.int32), ids32[:, :-1]], axis=1)
    ids_f = ids32.reshape(-1)
    prev_f = prev.reshape(-1)
    es = []
    for tab, (c_hi, c_lo) in zip((table1, table2, table3), _HASH_C):
        t_pk = _tc_transpose_packed(tab.T).reshape(4 * _QP, _D)
        es.append(_sc_gather_one(ids_f, prev_f, t_pk, n, c_hi, c_lo))
    out = _tc_project(es[0], es[1], es[2], W, n)
    return out.reshape(b, t, _H)

# --- scband reference (transcript-rebuilt; emitter-appended) ---
"""Pipeline reference for scband-triple-hash-18167711662616 (READ-ONLY COPY).

The authoritative reference and input builder live on the scoring server;
editing this copy changes nothing except your own understanding.
"""

import jax, jax.numpy as jnp
import numpy as np
jax.config.update("jax_enable_x64", True)

TABLE_SIZE = 1000000
DIM = 32
HIDDEN = 128
B = 1024
T = 200
VOCAB = 100000


def setup_inputs(seed: int = 0) -> dict:
    key = jax.random.key(seed)
    k1, k2, k3, k4, k5 = jax.random.split(key, 5)
    input_ids = jax.random.randint(k1, (B, T), 0, VOCAB, dtype=jnp.int64)
    table1 = jax.random.normal(k2, (TABLE_SIZE, DIM), dtype=jnp.float32)
    table2 = jax.random.normal(k3, (TABLE_SIZE, DIM), dtype=jnp.float32)
    table3 = jax.random.normal(k4, (TABLE_SIZE, DIM), dtype=jnp.float32)
    W = jax.random.normal(k5, (HIDDEN, DIM * 3), dtype=jnp.float32) * 0.05
    return {"input_ids": input_ids, "table1": table1, "table2": table2, "table3": table3, "W": W}


def reference(input_ids, table1, table2, table3, W):
    Bc, Tc = input_ids.shape
    prev = jnp.concatenate([jnp.zeros((Bc, 1), dtype=input_ids.dtype), input_ids[:, :-1]], axis=1)
    idx1 = jnp.abs((prev * 8191 + input_ids) % TABLE_SIZE)
    idx2 = jnp.abs((prev * 104729 + input_ids) % TABLE_SIZE)
    idx3 = jnp.abs((prev * 2097593 + input_ids) % TABLE_SIZE)
    e1 = jnp.take(table1, idx1, axis=0)
    e2 = jnp.take(table2, idx2, axis=0)
    e3 = jnp.take(table3, idx3, axis=0)
    cat = jnp.concatenate([e1, e2, e3], axis=-1)
    return cat @ W.T

if __name__ == "__main__":
    import jax
    _d = setup_inputs()
    print(jax.jit(kernel)(*tuple(_d.values())))

</pallas_src>

<mosaic_0001>
#map = affine_map<(d0, d1) -> (0)>
#map1 = affine_map<(d0, d1) -> (0, 0)>
module attributes {stable_mosaic.version = 14 : i64} {
  func.func @k(%arg0: i32, %arg1: i32, %arg2: memref<204800xi32, #tpu.memory_space<hbm>>, %arg3: memref<204800xi32, #tpu.memory_space<hbm>>, %arg4: memref<1048576x32xf32, #tpu.memory_space<hbm>>, %arg5: memref<204800x32xf32, #tpu.memory_space<hbm>>, %arg6: memref<512xi32, #tpu.memory_space<vmem>>, %arg7: memref<512xi32, #tpu.memory_space<vmem>>, %arg8: memref<512xi32, #tpu.memory_space<vmem>>, %arg9: memref<512x32xf32, #tpu.memory_space<vmem>>, %arg10: memref<!tpu.dma_semaphore, #tpu.memory_space<semaphore_mem>>) attributes {dimension_semantics = [#tpu.dimension_semantics<core_parallel>, #tpu.dimension_semantics<subcore_parallel>], iteration_bounds = array<i64: 2, 16>, scalar_prefetch = 0 : i64, scratch_operands = 5 : i64, tpu.core_type = #tpu.core_type<sc_vector_subcore>, window_params = [{transform_indices = #map}, {transform_indices = #map}, {transform_indices = #map1}, {transform_indices = #map1}]} {
    %mul3A = arith.constant 2 : i32
    %mul3A_0 = arith.muli %arg1, %mul3A : i32
    %add3A = arith.addi %mul3A_0, %arg0 : i32
    %lt3A = arith.constant 16 : i32
    %lt3A_1 = arith.cmpi slt, %add3A, %lt3A : i32
    %convert_element_type3A = arith.extui %lt3A_1 : i1 to i32
    %add3A_2 = arith.constant 12 : i32
    %add3A_3 = arith.addi %add3A_2, %convert_element_type3A : i32
    %while3A = arith.constant 0 : i32
    %while3A_4 = arith.constant 0 : i32
    %while3A_5 = arith.subi %add3A_3, %while3A_4 : i32
    %while3A_6 = arith.addi %while3A_4, %while3A_5 : i32
    %while3A_7 = arith.constant 1 : i32
    %while3A_8 = arith.divsi %while3A_5, %while3A_7 : i32
    %while3A_9 = arith.muli %while3A_8, %while3A_7 : i32
    %while3A_10 = arith.addi %while3A_4, %while3A_9 : i32
    %while3A_11 = arith.constant 1 : i32
    scf.for %while3A_13 = %while3A_4 to %while3A_10 step %while3A_11  : i32 {
      %mul3A_14 = arith.constant 32 : i32
      %mul3A_15 = arith.muli %while3A_13, %mul3A_14 : i32
      %add3A_16 = arith.addi %mul3A_15, %add3A : i32
      %mul3A_17 = arith.constant 512 : i32
      %mul3A_18 = arith.muli %add3A_16, %mul3A_17 : i32
      "tpu.region"() ({
        %run_scoped3A = tpu.sem_alloc : memref<!tpu.dma_semaphore, #tpu.memory_space<semaphore_mem>>
        %dma_start3A_92 = tpu.memref_slice %arg2[%mul3A_18] : memref<204800xi32, #tpu.memory_space<hbm>> -> memref<512xi32, #tpu.memory_space<hbm>>
        %dma_start3A_93 = tpu.memref_slice %arg2[%mul3A_18] : memref<204800xi32, #tpu.memory_space<hbm>> -> memref<512xi32, #tpu.memory_space<hbm>>
        tpu.enqueue_dma source(%dma_start3A_93 : memref<512xi32, #tpu.memory_space<hbm>>) target(%arg6 : memref<512xi32, #tpu.memory_space<vmem>>) target_semaphore(%run_scoped3A : memref<!tpu.dma_semaphore, #tpu.memory_space<semaphore_mem>>)
        %dma_wait3A_94 = tpu.memref_slice %arg2[%mul3A_18] : memref<204800xi32, #tpu.memory_space<hbm>> -> memref<512xi32, #tpu.memory_space<hbm>>
        %dma_wait3A_95 = tpu.memref_slice %arg2[%mul3A_18] : memref<204800xi32, #tpu.memory_space<hbm>> -> memref<512xi32, #tpu.memory_space<hbm>>
        tpu.wait_dma2 semaphore(%run_scoped3A : memref<!tpu.dma_semaphore, #tpu.memory_space<semaphore_mem>>) src(%dma_wait3A_95 : memref<512xi32, #tpu.memory_space<hbm>>) dst(%arg6 : memref<512xi32, #tpu.memory_space<vmem>>)
        tpu.yield
      }) : () -> ()
      "tpu.region"() ({
        %run_scoped3A = tpu.sem_alloc : memref<!tpu.dma_semaphore, #tpu.memory_space<semaphore_mem>>
        %dma_start3A_92 = tpu.memref_slice %arg3[%mul3A_18] : memref<204800xi32, #tpu.memory_space<hbm>> -> memref<512xi32, #tpu.memory_space<hbm>>
        %dma_start3A_93 = tpu.memref_slice %arg3[%mul3A_18] : memref<204800xi32, #tpu.memory_space<hbm>> -> memref<512xi32, #tpu.memory_space<hbm>>
        tpu.enqueue_dma source(%dma_start3A_93 : memref<512xi32, #tpu.memory_space<hbm>>) target(%arg7 : memref<512xi32, #tpu.memory_space<vmem>>) target_semaphore(%run_scoped3A : memref<!tpu.dma_semaphore, #tpu.memory_space<semaphore_mem>>)
        %dma_wait3A_94 = tpu.memref_slice %arg3[%mul3A_18] : memref<204800xi32, #tpu.memory_space<hbm>> -> memref<512xi32, #tpu.memory_space<hbm>>
        %dma_wait3A_95 = tpu.memref_slice %arg3[%mul3A_18] : memref<204800xi32, #tpu.memory_space<hbm>> -> memref<512xi32, #tpu.memory_space<hbm>>
        tpu.wait_dma2 semaphore(%run_scoped3A : memref<!tpu.dma_semaphore, #tpu.memory_space<semaphore_mem>>) src(%dma_wait3A_95 : memref<512xi32, #tpu.memory_space<hbm>>) dst(%arg7 : memref<512xi32, #tpu.memory_space<vmem>>)
        tpu.yield
      }) : () -> ()
      %while3A_19 = arith.constant 0 : i32
      %while3A_20 = arith.constant 0 : i32
      %while3A_21 = arith.constant 32 : i32
      %while3A_22 = arith.subi %while3A_21, %while3A_20 : i32
      %while3A_23 = arith.addi %while3A_20, %while3A_22 : i32
      %while3A_24 = arith.constant 1 : i32
      %while3A_25 = arith.divsi %while3A_22, %while3A_24 : i32
      %while3A_26 = arith.muli %while3A_25, %while3A_24 : i32
      %while3A_27 = arith.addi %while3A_20, %while3A_26 : i32
      %while3A_28 = arith.constant 1 : i32
      scf.for %while3A_92 = %while3A_20 to %while3A_27 step %while3A_28  : i32 {
        %mul3A_93 = arith.constant 16 : i32
        %mul3A_94 = arith.muli %while3A_92, %mul3A_93 : i32
        %get3A = arith.index_cast %mul3A_94 : i32 to index
        %get3A_95 = tpu.vector_load %arg6[%get3A] {strides = array<i32>} : memref<512xi32, #tpu.memory_space<vmem>>, vector<16xi32>,
        %get3A_96 = arith.index_cast %mul3A_94 : i32 to index
        %get3A_97 = tpu.vector_load %arg7[%get3A_96] {strides = array<i32>} : memref<512xi32, #tpu.memory_space<vmem>>, vector<16xi32>,
        %shift_right_logical3A = arith.constant 10 : i32
        %shift_right_logical3A_98 = vector.broadcast %shift_right_logical3A : i32 to vector<16xi32>
        %shift_right_logical3A_99 = arith.shrui %get3A_97, %shift_right_logical3A_98 : vector<16xi32>
        %and3A = arith.constant 1023 : i32
        %and3A_100 = vector.broadcast %and3A : i32 to vector<16xi32>
        %and3A_101 = arith.andi %get3A_97, %and3A_100 : vector<16xi32>
        %mul3A_102 = arith.constant 242496 : i32
        %mul3A_103 = vector.broadcast %mul3A_102 : i32 to vector<16xi32>
        %mul3A_104 = arith.muli %shift_right_logical3A_99, %mul3A_103 : vector<16xi32>
        %mul3A_105 = arith.constant 104729 : i32
        %mul3A_106 = vector.broadcast %mul3A_105 : i32 to vector<16xi32>
        %mul3A_107 = arith.muli %and3A_101, %mul3A_106 : vector<16xi32>
        %add3A_108 = arith.addi %mul3A_104, %mul3A_107 : vector<16xi32>
        %add3A_109 = arith.addi %add3A_108, %get3A_95 : vector<16xi32>
        %jit3A = arith.constant 1000000 : i64
        %convert_element_type3A_110 = arith.trunci %jit3A : i64 to i32
        %eq3A = arith.constant 0 : i32
        %eq3A_111 = arith.cmpi eq, %convert_element_type3A_110, %eq3A : i32
        %jit3A_112 = arith.constant 1 : i32
        %select_n3A = arith.select %eq3A_111, %jit3A_112, %convert_element_type3A_110 : i32
        %rem3A = vector.broadcast %select_n3A : i32 to vector<16xi32>
        %rem3A_113 = arith.remsi %add3A_109, %rem3A : vector<16xi32>
        %ne3A = arith.constant 0 : i32
        %ne3A_114 = vector.broadcast %ne3A : i32 to vector<16xi32>
        %ne3A_115 = arith.cmpi ne, %rem3A_113, %ne3A_114 : vector<16xi32>
        %lt3A_116 = arith.constant 0 : i32
        %lt3A_117 = vector.broadcast %lt3A_116 : i32 to vector<16xi32>
        %lt3A_118 = arith.cmpi slt, %rem3A_113, %lt3A_117 : vector<16xi32>
        %lt3A_119 = arith.constant 0 : i32
        %lt3A_120 = arith.cmpi slt, %select_n3A, %lt3A_119 : i32
        %ne3A_121 = vector.broadcast %lt3A_120 : i1 to vector<16xi1>
        %ne3A_122 = vector.broadcast %ne3A_121 : vector<16xi1> to vector<16xi1>
        %ne3A_123 = arith.xori %lt3A_118, %ne3A_122 : vector<16xi1>
        %and3A_124 = arith.andi %ne3A_123, %ne3A_115 : vector<16xi1>
        %add3A_125 = vector.broadcast %select_n3A : i32 to vector<16xi32>
        %add3A_126 = arith.addi %rem3A_113, %add3A_125 : vector<16xi32>
        %select_n3A_127 = arith.select %and3A_124, %add3A_126, %rem3A_113 : vector<16xi1>, vector<16xi32>
        %and3A_128 = arith.constant 262143 : i32
        %and3A_129 = vector.broadcast %and3A_128 : i32 to vector<16xi32>
        %and3A_130 = arith.andi %select_n3A_127, %and3A_129 : vector<16xi32>
        %shift_right_logical3A_131 = arith.constant 18 : i32
        %shift_right_logical3A_132 = vector.broadcast %shift_right_logical3A_131 : i32 to vector<16xi32>
        %shift_right_logical3A_133 = arith.shrui %select_n3A_127, %shift_right_logical3A_132 : vector<16xi32>
        %shift_left3A = arith.constant 2 : i32
        %shift_left3A_134 = vector.broadcast %shift_left3A : i32 to vector<16xi32>
        %shift_left3A_135 = arith.shli %and3A_130, %shift_left3A_134 : vector<16xi32>
        %or3A = arith.ori %shift_left3A_135, %shift_right_logical3A_133 : vector<16xi32>
        %and3A_136 = arith.constant 7 : i32
        %and3A_137 = arith.andi %while3A_92, %and3A_136 : i32
        %shift_left3A_138 = arith.constant 4 : i32
        %shift_left3A_139 = arith.shli %and3A_137, %shift_left3A_138 : i32
        %shift_right_logical3A_140 = arith.constant 3 : i32
        %shift_right_logical3A_141 = arith.shrui %while3A_92, %shift_right_logical3A_140 : i32
        %iota3A = tpu.iota {dimensions = array<i32: 0>} : vector<16xi32>
        %add3A_142 = vector.broadcast %shift_left3A_139 : i32 to vector<16xi32>
        %add3A_143 = arith.addi %add3A_142, %iota3A : vector<16xi32>
        %mul3A_144 = arith.constant 4 : i32
        %mul3A_145 = vector.broadcast %mul3A_144 : i32 to vector<16xi32>
        %mul3A_146 = arith.muli %add3A_143, %mul3A_145 : vector<16xi32>
        %add3A_147 = vector.broadcast %shift_right_logical3A_141 : i32 to vector<16xi32>
        %add3A_148 = arith.addi %mul3A_146, %add3A_147 : vector<16xi32>
        tpu.vector_store_idx %arg8[%add3A_148], %or3A : memref<512xi32, #tpu.memory_space<vmem>>[vector<16xi32>], vector<16xi32>,
      }
      %while3A_29 = arith.constant 1 : i32
      scf.for %while3A_92 = %while3A_27 to %while3A_23 step %while3A_29  : i32 {
        %mul3A_93 = arith.constant 16 : i32
        %mul3A_94 = arith.muli %while3A_92, %mul3A_93 : i32
        %get3A = arith.index_cast %mul3A_94 : i32 to index
        %get3A_95 = tpu.vector_load %arg6[%get3A] {strides = array<i32>} : memref<512xi32, #tpu.memory_space<vmem>>, vector<16xi32>,
        %get3A_96 = arith.index_cast %mul3A_94 : i32 to index
        %get3A_97 = tpu.vector_load %arg7[%get3A_96] {strides = array<i32>} : memref<512xi32, #tpu.memory_space<vmem>>, vector<16xi32>,
        %shift_right_logical3A = arith.constant 10 : i32
        %shift_right_logical3A_98 = vector.broadcast %shift_right_logical3A : i32 to vector<16xi32>
        %shift_right_logical3A_99 = arith.shrui %get3A_97, %shift_right_logical3A_98 : vector<16xi32>
        %and3A = arith.constant 1023 : i32
        %and3A_100 = vector.broadcast %and3A : i32 to vector<16xi32>
        %and3A_101 = arith.andi %get3A_97, %and3A_100 : vector<16xi32>
        %mul3A_102 = arith.constant 242496 : i32
        %mul3A_103 = vector.broadcast %mul3A_102 : i32 to vector<16xi32>
        %mul3A_104 = arith.muli %shift_right_logical3A_99, %mul3A_103 : vector<16xi32>
        %mul3A_105 = arith.constant 104729 : i32
        %mul3A_106 = vector.broadcast %mul3A_105 : i32 to vector<16xi32>
        %mul3A_107 = arith.muli %and3A_101, %mul3A_106 : vector<16xi32>
        %add3A_108 = arith.addi %mul3A_104, %mul3A_107 : vector<16xi32>
        %add3A_109 = arith.addi %add3A_108, %get3A_95 : vector<16xi32>
        %jit3A = arith.constant 1000000 : i64
        %convert_element_type3A_110 = arith.trunci %jit3A : i64 to i32
        %eq3A = arith.constant 0 : i32
        %eq3A_111 = arith.cmpi eq, %convert_element_type3A_110, %eq3A : i32
        %jit3A_112 = arith.constant 1 : i32
        %select_n3A = arith.select %eq3A_111, %jit3A_112, %convert_element_type3A_110 : i32
        %rem3A = vector.broadcast %select_n3A : i32 to vector<16xi32>
        %rem3A_113 = arith.remsi %add3A_109, %rem3A : vector<16xi32>
        %ne3A = arith.constant 0 : i32
        %ne3A_114 = vector.broadcast %ne3A : i32 to vector<16xi32>
        %ne3A_115 = arith.cmpi ne, %rem3A_113, %ne3A_114 : vector<16xi32>
        %lt3A_116 = arith.constant 0 : i32
        %lt3A_117 = vector.broadcast %lt3A_116 : i32 to vector<16xi32>
        %lt3A_118 = arith.cmpi slt, %rem3A_113, %lt3A_117 : vector<16xi32>
        %lt3A_119 = arith.constant 0 : i32
        %lt3A_120 = arith.cmpi slt, %select_n3A, %lt3A_119 : i32
        %ne3A_121 = vector.broadcast %lt3A_120 : i1 to vector<16xi1>
        %ne3A_122 = vector.broadcast %ne3A_121 : vector<16xi1> to vector<16xi1>
        %ne3A_123 = arith.xori %lt3A_118, %ne3A_122 : vector<16xi1>
        %and3A_124 = arith.andi %ne3A_123, %ne3A_115 : vector<16xi1>
        %add3A_125 = vector.broadcast %select_n3A : i32 to vector<16xi32>
        %add3A_126 = arith.addi %rem3A_113, %add3A_125 : vector<16xi32>
        %select_n3A_127 = arith.select %and3A_124, %add3A_126, %rem3A_113 : vector<16xi1>, vector<16xi32>
        %and3A_128 = arith.constant 262143 : i32
        %and3A_129 = vector.broadcast %and3A_128 : i32 to vector<16xi32>
        %and3A_130 = arith.andi %select_n3A_127, %and3A_129 : vector<16xi32>
        %shift_right_logical3A_131 = arith.constant 18 : i32
        %shift_right_logical3A_132 = vector.broadcast %shift_right_logical3A_131 : i32 to vector<16xi32>
        %shift_right_logical3A_133 = arith.shrui %select_n3A_127, %shift_right_logical3A_132 : vector<16xi32>
        %shift_left3A = arith.constant 2 : i32
        %shift_left3A_134 = vector.broadcast %shift_left3A : i32 to vector<16xi32>
        %shift_left3A_135 = arith.shli %and3A_130, %shift_left3A_134 : vector<16xi32>
        %or3A = arith.ori %shift_left3A_135, %shift_right_logical3A_133 : vector<16xi32>
        %and3A_136 = arith.constant 7 : i32
        %and3A_137 = arith.andi %while3A_92, %and3A_136 : i32
        %shift_left3A_138 = arith.constant 4 : i32
        %shift_left3A_139 = arith.shli %and3A_137, %shift_left3A_138 : i32
        %shift_right_logical3A_140 = arith.constant 3 : i32
        %shift_right_logical3A_141 = arith.shrui %while3A_92, %shift_right_logical3A_140 : i32
        %iota3A = tpu.iota {dimensions = array<i32: 0>} : vector<16xi32>
        %add3A_142 = vector.broadcast %shift_left3A_139 : i32 to vector<16xi32>
        %add3A_143 = arith.addi %add3A_142, %iota3A : vector<16xi32>
        %mul3A_144 = arith.constant 4 : i32
        %mul3A_145 = vector.broadcast %mul3A_144 : i32 to vector<16xi32>
        %mul3A_146 = arith.muli %add3A_143, %mul3A_145 : vector<16xi32>
        %add3A_147 = vector.broadcast %shift_right_logical3A_141 : i32 to vector<16xi32>
        %add3A_148 = arith.addi %mul3A_146, %add3A_147 : vector<16xi32>
        tpu.vector_store_idx %arg8[%add3A_148], %or3A : memref<512xi32, #tpu.memory_space<vmem>>[vector<16xi32>], vector<16xi32>,
      }
      %dma_start3A = arith.constant 0 : i32
      %dma_start3A_30 = arith.constant 0 : i32
      %dma_start3A_31 = arith.constant 0 : i32
      %dma_start3A_32 = tpu.memref_slice %arg9[%dma_start3A_30, %dma_start3A_31] : memref<512x32xf32, #tpu.memory_space<vmem>> -> memref<128x32xf32, #tpu.memory_space<vmem>>
      %dma_start3A_33 = tpu.memref_slice %arg8[%dma_start3A] : memref<512xi32, #tpu.memory_space<vmem>> -> memref<128xi32, #tpu.memory_space<vmem>>
      %dma_start3A_34 = arith.constant 0 : i32
      %dma_start3A_35 = arith.constant 0 : i32
      %dma_start3A_36 = tpu.memref_slice %arg4[%dma_start3A_34, %dma_start3A_35] : memref<1048576x32xf32, #tpu.memory_space<hbm>> -> memref<1048576x32xf32, #tpu.memory_space<hbm>>
      tpu.enqueue_indirect_dma source(%dma_start3A_36 : memref<1048576x32xf32, #tpu.memory_space<hbm>>) target(%dma_start3A_32 : memref<128x32xf32, #tpu.memory_space<vmem>>) offsets(%dma_start3A_33 : memref<128xi32, #tpu.memory_space<vmem>>) semaphore(%arg10 : memref<!tpu.dma_semaphore, #tpu.memory_space<semaphore_mem>>)
      %dma_start3A_37 = arith.constant 128 : i32
      %dma_start3A_38 = arith.constant 128 : i32
      %dma_start3A_39 = arith.constant 0 : i32
      %dma_start3A_40 = tpu.memref_slice %arg9[%dma_start3A_38, %dma_start3A_39] : memref<512x32xf32, #tpu.memory_space<vmem>> -> memref<128x32xf32, #tpu.memory_space<vmem>>
      %dma_start3A_41 = tpu.memref_slice %arg8[%dma_start3A_37] : memref<512xi32, #tpu.memory_space<vmem>> -> memref<128xi32, #tpu.memory_space<vmem>>
      %dma_start3A_42 = arith.constant 0 : i32
      %dma_start3A_43 = arith.constant 0 : i32
      %dma_start3A_44 = tpu.memref_slice %arg4[%dma_start3A_42, %dma_start3A_43] : memref<1048576x32xf32, #tpu.memory_space<hbm>> -> memref<1048576x32xf32, #tpu.memory_space<hbm>>
      tpu.enqueue_indirect_dma source(%dma_start3A_44 : memref<1048576x32xf32, #tpu.memory_space<hbm>>) target(%dma_start3A_40 : memref<128x32xf32, #tpu.memory_space<vmem>>) offsets(%dma_start3A_41 : memref<128xi32, #tpu.memory_space<vmem>>) semaphore(%arg10 : memref<!tpu.dma_semaphore, #tpu.memory_space<semaphore_mem>>)
      %dma_start3A_45 = arith.constant 256 : i32
      %dma_start3A_46 = arith.constant 256 : i32
      %dma_start3A_47 = arith.constant 0 : i32
      %dma_start3A_48 = tpu.memref_slice %arg9[%dma_start3A_46, %dma_start3A_47] : memref<512x32xf32, #tpu.memory_space<vmem>> -> memref<128x32xf32, #tpu.memory_space<vmem>>
      %dma_start3A_49 = tpu.memref_slice %arg8[%dma_start3A_45] : memref<512xi32, #tpu.memory_space<vmem>> -> memref<128xi32, #tpu.memory_space<vmem>>
      %dma_start3A_50 = arith.constant 0 : i32
      %dma_start3A_51 = arith.constant 0 : i32
      %dma_start3A_52 = tpu.memref_slice %arg4[%dma_start3A_50, %dma_start3A_51] : memref<1048576x32xf32, #tpu.memory_space<hbm>> -> memref<1048576x32xf32, #tpu.memory_space<hbm>>
      tpu.enqueue_indirect_dma source(%dma_start3A_52 : memref<1048576x32xf32, #tpu.memory_space<hbm>>) target(%dma_start3A_48 : memref<128x32xf32, #tpu.memory_space<vmem>>) offsets(%dma_start3A_49 : memref<128xi32, #tpu.memory_space<vmem>>) semaphore(%arg10 : memref<!tpu.dma_semaphore, #tpu.memory_space<semaphore_mem>>)
      %dma_start3A_53 = arith.constant 384 : i32
      %dma_start3A_54 = arith.constant 384 : i32
      %dma_start3A_55 = arith.constant 0 : i32
      %dma_start3A_56 = tpu.memref_slice %arg9[%dma_start3A_54, %dma_start3A_55] : memref<512x32xf32, #tpu.memory_space<vmem>> -> memref<128x32xf32, #tpu.memory_space<vmem>>
      %dma_start3A_57 = tpu.memref_slice %arg8[%dma_start3A_53] : memref<512xi32, #tpu.memory_space<vmem>> -> memref<128xi32, #tpu.memory_space<vmem>>
      %dma_start3A_58 = arith.constant 0 : i32
      %dma_start3A_59 = arith.constant 0 : i32
      %dma_start3A_60 = tpu.memref_slice %arg4[%dma_start3A_58, %dma_start3A_59] : memref<1048576x32xf32, #tpu.memory_space<hbm>> -> memref<1048576x32xf32, #tpu.memory_space<hbm>>
      tpu.enqueue_indirect_dma source(%dma_start3A_60 : memref<1048576x32xf32, #tpu.memory_space<hbm>>) target(%dma_start3A_56 : memref<128x32xf32, #tpu.memory_space<vmem>>) offsets(%dma_start3A_57 : memref<128xi32, #tpu.memory_space<vmem>>) semaphore(%arg10 : memref<!tpu.dma_semaphore, #tpu.memory_space<semaphore_mem>>)
      %dma_wait3A = arith.constant 0 : i32
      %dma_wait3A_61 = arith.constant 0 : i32
      %dma_wait3A_62 = arith.constant 0 : i32
      %dma_wait3A_63 = tpu.memref_slice %arg9[%dma_wait3A_61, %dma_wait3A_62] : memref<512x32xf32, #tpu.memory_space<vmem>> -> memref<128x32xf32, #tpu.memory_space<vmem>>
      %dma_wait3A_64 = tpu.memref_slice %arg8[%dma_wait3A] : memref<512xi32, #tpu.memory_space<vmem>> -> memref<128xi32, #tpu.memory_space<vmem>>
      %dma_wait3A_65 = arith.constant 0 : i32
      %dma_wait3A_66 = arith.constant 0 : i32
      %dma_wait3A_67 = tpu.memref_slice %arg4[%dma_wait3A_65, %dma_wait3A_66] : memref<1048576x32xf32, #tpu.memory_space<hbm>> -> memref<1048576x32xf32, #tpu.memory_space<hbm>>
      tpu.wait_indirect_dma semaphore(%arg10 : memref<!tpu.dma_semaphore, #tpu.memory_space<semaphore_mem>>) src(%dma_wait3A_67 : memref<1048576x32xf32, #tpu.memory_space<hbm>>) dst(%dma_wait3A_63 : memref<128x32xf32, #tpu.memory_space<vmem>>)
      %dma_wait3A_68 = arith.constant 128 : i32
      %dma_wait3A_69 = arith.constant 128 : i32
      %dma_wait3A_70 = arith.constant 0 : i32
      %dma_wait3A_71 = tpu.memref_slice %arg9[%dma_wait3A_69, %dma_wait3A_70] : memref<512x32xf32, #tpu.memory_space<vmem>> -> memref<128x32xf32, #tpu.memory_space<vmem>>
      %dma_wait3A_72 = tpu.memref_slice %arg8[%dma_wait3A_68] : memref<512xi32, #tpu.memory_space<vmem>> -> memref<128xi32, #tpu.memory_space<vmem>>
      %dma_wait3A_73 = arith.constant 0 : i32
      %dma_wait3A_74 = arith.constant 0 : i32
      %dma_wait3A_75 = tpu.memref_slice %arg4[%dma_wait3A_73, %dma_wait3A_74] : memref<1048576x32xf32, #tpu.memory_space<hbm>> -> memref<1048576x32xf32, #tpu.memory_space<hbm>>
      tpu.wait_indirect_dma semaphore(%arg10 : memref<!tpu.dma_semaphore, #tpu.memory_space<semaphore_mem>>) src(%dma_wait3A_75 : memref<1048576x32xf32, #tpu.memory_space<hbm>>) dst(%dma_wait3A_71 : memref<128x32xf32, #tpu.memory_space<vmem>>)
      %dma_wait3A_76 = arith.constant 256 : i32
      %dma_wait3A_77 = arith.constant 256 : i32
      %dma_wait3A_78 = arith.constant 0 : i32
      %dma_wait3A_79 = tpu.memref_slice %arg9[%dma_wait3A_77, %dma_wait3A_78] : memref<512x32xf32, #tpu.memory_space<vmem>> -> memref<128x32xf32, #tpu.memory_space<vmem>>
      %dma_wait3A_80 = tpu.memref_slice %arg8[%dma_wait3A_76] : memref<512xi32, #tpu.memory_space<vmem>> -> memref<128xi32, #tpu.memory_space<vmem>>
      %dma_wait3A_81 = arith.constant 0 : i32
      %dma_wait3A_82 = arith.constant 0 : i32
      %dma_wait3A_83 = tpu.memref_slice %arg4[%dma_wait3A_81, %dma_wait3A_82] : memref<1048576x32xf32, #tpu.memory_space<hbm>> -> memref<1048576x32xf32, #tpu.memory_space<hbm>>
      tpu.wait_indirect_dma semaphore(%arg10 : memref<!tpu.dma_semaphore, #tpu.memory_space<semaphore_mem>>) src(%dma_wait3A_83 : memref<1048576x32xf32, #tpu.memory_space<hbm>>) dst(%dma_wait3A_79 : memref<128x32xf32, #tpu.memory_space<vmem>>)
      %dma_wait3A_84 = arith.constant 384 : i32
      %dma_wait3A_85 = arith.constant 384 : i32
      %dma_wait3A_86 = arith.constant 0 : i32
      %dma_wait3A_87 = tpu.memref_slice %arg9[%dma_wait3A_85, %dma_wait3A_86] : memref<512x32xf32, #tpu.memory_space<vmem>> -> memref<128x32xf32, #tpu.memory_space<vmem>>
      %dma_wait3A_88 = tpu.memref_slice %arg8[%dma_wait3A_84] : memref<512xi32, #tpu.memory_space<vmem>> -> memref<128xi32, #tpu.memory_space<vmem>>
      %dma_wait3A_89 = arith.constant 0 : i32
      %dma_wait3A_90 = arith.constant 0 : i32
      %dma_wait3A_91 = tpu.memref_slice %arg4[%dma_wait3A_89, %dma_wait3A_90] : memref<1048576x32xf32, #tpu.memory_space<hbm>> -> memref<1048576x32xf32, #tpu.memory_space<hbm>>
      tpu.wait_indirect_dma semaphore(%arg10 : memref<!tpu.dma_semaphore, #tpu.memory_space<semaphore_mem>>) src(%dma_wait3A_91 : memref<1048576x32xf32, #tpu.memory_space<hbm>>) dst(%dma_wait3A_87 : memref<128x32xf32, #tpu.memory_space<vmem>>)
      "tpu.region"() ({
        %run_scoped3A = tpu.sem_alloc : memref<!tpu.dma_semaphore, #tpu.memory_space<semaphore_mem>>
        %dma_start3A_92 = arith.constant 0 : i32
        %dma_start3A_93 = tpu.memref_slice %arg5[%mul3A_18, %dma_start3A_92] : memref<204800x32xf32, #tpu.memory_space<hbm>> -> memref<512x32xf32, #tpu.memory_space<hbm>>
        %dma_start3A_94 = arith.constant 0 : i32
        %dma_start3A_95 = tpu.memref_slice %arg5[%mul3A_18, %dma_start3A_94] : memref<204800x32xf32, #tpu.memory_space<hbm>> -> memref<512x32xf32, #tpu.memory_space<hbm>>
        tpu.enqueue_dma source(%arg9 : memref<512x32xf32, #tpu.memory_space<vmem>>) target(%dma_start3A_95 : memref<512x32xf32, #tpu.memory_space<hbm>>) target_semaphore(%run_scoped3A : memref<!tpu.dma_semaphore, #tpu.memory_space<semaphore_mem>>)
        %dma_wait3A_96 = arith.constant 0 : i32
        %dma_wait3A_97 = tpu.memref_slice %arg5[%mul3A_18, %dma_wait3A_96] : memref<204800x32xf32, #tpu.memory_space<hbm>> -> memref<512x32xf32, #tpu.memory_space<hbm>>
        %dma_wait3A_98 = arith.constant 0 : i32
        %dma_wait3A_99 = tpu.memref_slice %arg5[%mul3A_18, %dma_wait3A_98] : memref<204800x32xf32, #tpu.memory_space<hbm>> -> memref<512x32xf32, #tpu.memory_space<hbm>>
        tpu.wait_dma2 semaphore(%run_scoped3A : memref<!tpu.dma_semaphore, #tpu.memory_space<semaphore_mem>>) src(%arg9 : memref<512x32xf32, #tpu.memory_space<vmem>>) dst(%dma_wait3A_99 : memref<512x32xf32, #tpu.memory_space<hbm>>)
        tpu.yield
      }) : () -> ()
    }
    %while3A_12 = arith.constant 1 : i32
    scf.for %while3A_13 = %while3A_10 to %while3A_6 step %while3A_12  : i32 {
      %mul3A_14 = arith.constant 32 : i32
      %mul3A_15 = arith.muli %while3A_13, %mul3A_14 : i32
      %add3A_16 = arith.addi %mul3A_15, %add3A : i32
      %mul3A_17 = arith.constant 512 : i32
      %mul3A_18 = arith.muli %add3A_16, %mul3A_17 : i32
      "tpu.region"() ({
        %run_scoped3A = tpu.sem_alloc : memref<!tpu.dma_semaphore, #tpu.memory_space<semaphore_mem>>
        %dma_start3A_92 = tpu.memref_slice %arg2[%mul3A_18] : memref<204800xi32, #tpu.memory_space<hbm>> -> memref<512xi32, #tpu.memory_space<hbm>>
        %dma_start3A_93 = tpu.memref_slice %arg2[%mul3A_18] : memref<204800xi32, #tpu.memory_space<hbm>> -> memref<512xi32, #tpu.memory_space<hbm>>
        tpu.enqueue_dma source(%dma_start3A_93 : memref<512xi32, #tpu.memory_space<hbm>>) target(%arg6 : memref<512xi32, #tpu.memory_space<vmem>>) target_semaphore(%run_scoped3A : memref<!tpu.dma_semaphore, #tpu.memory_space<semaphore_mem>>)
        %dma_wait3A_94 = tpu.memref_slice %arg2[%mul3A_18] : memref<204800xi32, #tpu.memory_space<hbm>> -> memref<512xi32, #tpu.memory_space<hbm>>
        %dma_wait3A_95 = tpu.memref_slice %arg2[%mul3A_18] : memref<204800xi32, #tpu.memory_space<hbm>> -> memref<512xi32, #tpu.memory_space<hbm>>
        tpu.wait_dma2 semaphore(%run_scoped3A : memref<!tpu.dma_semaphore, #tpu.memory_space<semaphore_mem>>) src(%dma_wait3A_95 : memref<512xi32, #tpu.memory_space<hbm>>) dst(%arg6 : memref<512xi32, #tpu.memory_space<vmem>>)
        tpu.yield
      }) : () -> ()
      "tpu.region"() ({
        %run_scoped3A = tpu.sem_alloc : memref<!tpu.dma_semaphore, #tpu.memory_space<semaphore_mem>>
        %dma_start3A_92 = tpu.memref_slice %arg3[%mul3A_18] : memref<204800xi32, #tpu.memory_space<hbm>> -> memref<512xi32, #tpu.memory_space<hbm>>
        %dma_start3A_93 = tpu.memref_slice %arg3[%mul3A_18] : memref<204800xi32, #tpu.memory_space<hbm>> -> memref<512xi32, #tpu.memory_space<hbm>>
        tpu.enqueue_dma source(%dma_start3A_93 : memref<512xi32, #tpu.memory_space<hbm>>) target(%arg7 : memref<512xi32, #tpu.memory_space<vmem>>) target_semaphore(%run_scoped3A : memref<!tpu.dma_semaphore, #tpu.memory_space<semaphore_mem>>)
        %dma_wait3A_94 = tpu.memref_slice %arg3[%mul3A_18] : memref<204800xi32, #tpu.memory_space<hbm>> -> memref<512xi32, #tpu.memory_space<hbm>>
        %dma_wait3A_95 = tpu.memref_slice %arg3[%mul3A_18] : memref<204800xi32, #tpu.memory_space<hbm>> -> memref<512xi32, #tpu.memory_space<hbm>>
        tpu.wait_dma2 semaphore(%run_scoped3A : memref<!tpu.dma_semaphore, #tpu.memory_space<semaphore_mem>>) src(%dma_wait3A_95 : memref<512xi32, #tpu.memory_space<hbm>>) dst(%arg7 : memref<512xi32, #tpu.memory_space<vmem>>)
        tpu.yield
      }) : () -> ()
      %while3A_19 = arith.constant 0 : i32
      %while3A_20 = arith.constant 0 : i32
      %while3A_21 = arith.constant 32 : i32
      %while3A_22 = arith.subi %while3A_21, %while3A_20 : i32
      %while3A_23 = arith.addi %while3A_20, %while3A_22 : i32
      %while3A_24 = arith.constant 1 : i32
      %while3A_25 = arith.divsi %while3A_22, %while3A_24 : i32
      %while3A_26 = arith.muli %while3A_25, %while3A_24 : i32
      %while3A_27 = arith.addi %while3A_20, %while3A_26 : i32
      %while3A_28 = arith.constant 1 : i32
      scf.for %while3A_92 = %while3A_20 to %while3A_27 step %while3A_28  : i32 {
        %mul3A_93 = arith.constant 16 : i32
        %mul3A_94 = arith.muli %while3A_92, %mul3A_93 : i32
        %get3A = arith.index_cast %mul3A_94 : i32 to index
        %get3A_95 = tpu.vector_load %arg6[%get3A] {strides = array<i32>} : memref<512xi32, #tpu.memory_space<vmem>>, vector<16xi32>,
        %get3A_96 = arith.index_cast %mul3A_94 : i32 to index
        %get3A_97 = tpu.vector_load %arg7[%get3A_96] {strides = array<i32>} : memref<512xi32, #tpu.memory_space<vmem>>, vector<16xi32>,
        %shift_right_logical3A = arith.constant 10 : i32
        %shift_right_logical3A_98 = vector.broadcast %shift_right_logical3A : i32 to vector<16xi32>
        %shift_right_logical3A_99 = arith.shrui %get3A_97, %shift_right_logical3A_98 : vector<16xi32>
        %and3A = arith.constant 1023 : i32
        %and3A_100 = vector.broadcast %and3A : i32 to vector<16xi32>
        %and3A_101 = arith.andi %get3A_97, %and3A_100 : vector<16xi32>
        %mul3A_102 = arith.constant 242496 : i32
        %mul3A_103 = vector.broadcast %mul3A_102 : i32 to vector<16xi32>
        %mul3A_104 = arith.muli %shift_right_logical3A_99, %mul3A_103 : vector<16xi32>
        %mul3A_105 = arith.constant 104729 : i32
        %mul3A_106 = vector.broadcast %mul3A_105 : i32 to vector<16xi32>
        %mul3A_107 = arith.muli %and3A_101, %mul3A_106 : vector<16xi32>
        %add3A_108 = arith.addi %mul3A_104, %mul3A_107 : vector<16xi32>
        %add3A_109 = arith.addi %add3A_108, %get3A_95 : vector<16xi32>
        %jit3A = arith.constant 1000000 : i64
        %convert_element_type3A_110 = arith.trunci %jit3A : i64 to i32
        %eq3A = arith.constant 0 : i32
        %eq3A_111 = arith.cmpi eq, %convert_element_type3A_110, %eq3A : i32
        %jit3A_112 = arith.constant 1 : i32
        %select_n3A = arith.select %eq3A_111, %jit3A_112, %convert_element_type3A_110 : i32
        %rem3A = vector.broadcast %select_n3A : i32 to vector<16xi32>
        %rem3A_113 = arith.remsi %add3A_109, %rem3A : vector<16xi32>
        %ne3A = arith.constant 0 : i32
        %ne3A_114 = vector.broadcast %ne3A : i32 to vector<16xi32>
        %ne3A_115 = arith.cmpi ne, %rem3A_113, %ne3A_114 : vector<16xi32>
        %lt3A_116 = arith.constant 0 : i32
        %lt3A_117 = vector.broadcast %lt3A_116 : i32 to vector<16xi32>
        %lt3A_118 = arith.cmpi slt, %rem3A_113, %lt3A_117 : vector<16xi32>
        %lt3A_119 = arith.constant 0 : i32
        %lt3A_120 = arith.cmpi slt, %select_n3A, %lt3A_119 : i32
        %ne3A_121 = vector.broadcast %lt3A_120 : i1 to vector<16xi1>
        %ne3A_122 = vector.broadcast %ne3A_121 : vector<16xi1> to vector<16xi1>
        %ne3A_123 = arith.xori %lt3A_118, %ne3A_122 : vector<16xi1>
        %and3A_124 = arith.andi %ne3A_123, %ne3A_115 : vector<16xi1>
        %add3A_125 = vector.broadcast %select_n3A : i32 to vector<16xi32>
        %add3A_126 = arith.addi %rem3A_113, %add3A_125 : vector<16xi32>
        %select_n3A_127 = arith.select %and3A_124, %add3A_126, %rem3A_113 : vector<16xi1>, vector<16xi32>
        %and3A_128 = arith.constant 262143 : i32
        %and3A_129 = vector.broadcast %and3A_128 : i32 to vector<16xi32>
        %and3A_130 = arith.andi %select_n3A_127, %and3A_129 : vector<16xi32>
        %shift_right_logical3A_131 = arith.constant 18 : i32
        %shift_right_logical3A_132 = vector.broadcast %shift_right_logical3A_131 : i32 to vector<16xi32>
        %shift_right_logical3A_133 = arith.shrui %select_n3A_127, %shift_right_logical3A_132 : vector<16xi32>
        %shift_left3A = arith.constant 2 : i32
        %shift_left3A_134 = vector.broadcast %shift_left3A : i32 to vector<16xi32>
        %shift_left3A_135 = arith.shli %and3A_130, %shift_left3A_134 : vector<16xi32>
        %or3A = arith.ori %shift_left3A_135, %shift_right_logical3A_133 : vector<16xi32>
        %and3A_136 = arith.constant 7 : i32
        %and3A_137 = arith.andi %while3A_92, %and3A_136 : i32
        %shift_left3A_138 = arith.constant 4 : i32
        %shift_left3A_139 = arith.shli %and3A_137, %shift_left3A_138 : i32
        %shift_right_logical3A_140 = arith.constant 3 : i32
        %shift_right_logical3A_141 = arith.shrui %while3A_92, %shift_right_logical3A_140 : i32
        %iota3A = tpu.iota {dimensions = array<i32: 0>} : vector<16xi32>
        %add3A_142 = vector.broadcast %shift_left3A_139 : i32 to vector<16xi32>
        %add3A_143 = arith.addi %add3A_142, %iota3A : vector<16xi32>
        %mul3A_144 = arith.constant 4 : i32
        %mul3A_145 = vector.broadcast %mul3A_144 : i32 to vector<16xi32>
        %mul3A_146 = arith.muli %add3A_143, %mul3A_145 : vector<16xi32>
        %add3A_147 = vector.broadcast %shift_right_logical3A_141 : i32 to vector<16xi32>
        %add3A_148 = arith.addi %mul3A_146, %add3A_147 : vector<16xi32>
        tpu.vector_store_idx %arg8[%add3A_148], %or3A : memref<512xi32, #tpu.memory_space<vmem>>[vector<16xi32>], vector<16xi32>,
      }
      %while3A_29 = arith.constant 1 : i32
      scf.for %while3A_92 = %while3A_27 to %while3A_23 step %while3A_29  : i32 {
        %mul3A_93 = arith.constant 16 : i32
        %mul3A_94 = arith.muli %while3A_92, %mul3A_93 : i32
        %get3A = arith.index_cast %mul3A_94 : i32 to index
        %get3A_95 = tpu.vector_load %arg6[%get3A] {strides = array<i32>} : memref<512xi32, #tpu.memory_space<vmem>>, vector<16xi32>,
        %get3A_96 = arith.index_cast %mul3A_94 : i32 to index
        %get3A_97 = tpu.vector_load %arg7[%get3A_96] {strides = array<i32>} : memref<512xi32, #tpu.memory_space<vmem>>, vector<16xi32>,
        %shift_right_logical3A = arith.constant 10 : i32
        %shift_right_logical3A_98 = vector.broadcast %shift_right_logical3A : i32 to vector<16xi32>
        %shift_right_logical3A_99 = arith.shrui %get3A_97, %shift_right_logical3A_98 : vector<16xi32>
        %and3A = arith.constant 1023 : i32
        %and3A_100 = vector.broadcast %and3A : i32 to vector<16xi32>
        %and3A_101 = arith.andi %get3A_97, %and3A_100 : vector<16xi32>
        %mul3A_102 = arith.constant 242496 : i32
        %mul3A_103 = vector.broadcast %mul3A_102 : i32 to vector<16xi32>
        %mul3A_104 = arith.muli %shift_right_logical3A_99, %mul3A_103 : vector<16xi32>
        %mul3A_105 = arith.constant 104729 : i32
        %mul3A_106 = vector.broadcast %mul3A_105 : i32 to vector<16xi32>
        %mul3A_107 = arith.muli %and3A_101, %mul3A_106 : vector<16xi32>
        %add3A_108 = arith.addi %mul3A_104, %mul3A_107 : vector<16xi32>
        %add3A_109 = arith.addi %add3A_108, %get3A_95 : vector<16xi32>
        %jit3A = arith.constant 1000000 : i64
        %convert_element_type3A_110 = arith.trunci %jit3A : i64 to i32
        %eq3A = arith.constant 0 : i32
        %eq3A_111 = arith.cmpi eq, %convert_element_type3A_110, %eq3A : i32
        %jit3A_112 = arith.constant 1 : i32
        %select_n3A = arith.select %eq3A_111, %jit3A_112, %convert_element_type3A_110 : i32
        %rem3A = vector.broadcast %select_n3A : i32 to vector<16xi32>
        %rem3A_113 = arith.remsi %add3A_109, %rem3A : vector<16xi32>
        %ne3A = arith.constant 0 : i32
        %ne3A_114 = vector.broadcast %ne3A : i32 to vector<16xi32>
        %ne3A_115 = arith.cmpi ne, %rem3A_113, %ne3A_114 : vector<16xi32>
        %lt3A_116 = arith.constant 0 : i32
        %lt3A_117 = vector.broadcast %lt3A_116 : i32 to vector<16xi32>
        %lt3A_118 = arith.cmpi slt, %rem3A_113, %lt3A_117 : vector<16xi32>
        %lt3A_119 = arith.constant 0 : i32
        %lt3A_120 = arith.cmpi slt, %select_n3A, %lt3A_119 : i32
        %ne3A_121 = vector.broadcast %lt3A_120 : i1 to vector<16xi1>
        %ne3A_122 = vector.broadcast %ne3A_121 : vector<16xi1> to vector<16xi1>
        %ne3A_123 = arith.xori %lt3A_118, %ne3A_122 : vector<16xi1>
        %and3A_124 = arith.andi %ne3A_123, %ne3A_115 : vector<16xi1>
        %add3A_125 = vector.broadcast %select_n3A : i32 to vector<16xi32>
        %add3A_126 = arith.addi %rem3A_113, %add3A_125 : vector<16xi32>
        %select_n3A_127 = arith.select %and3A_124, %add3A_126, %rem3A_113 : vector<16xi1>, vector<16xi32>
        %and3A_128 = arith.constant 262143 : i32
        %and3A_129 = vector.broadcast %and3A_128 : i32 to vector<16xi32>
        %and3A_130 = arith.andi %select_n3A_127, %and3A_129 : vector<16xi32>
        %shift_right_logical3A_131 = arith.constant 18 : i32
        %shift_right_logical3A_132 = vector.broadcast %shift_right_logical3A_131 : i32 to vector<16xi32>
        %shift_right_logical3A_133 = arith.shrui %select_n3A_127, %shift_right_logical3A_132 : vector<16xi32>
        %shift_left3A = arith.constant 2 : i32
        %shift_left3A_134 = vector.broadcast %shift_left3A : i32 to vector<16xi32>
        %shift_left3A_135 = arith.shli %and3A_130, %shift_left3A_134 : vector<16xi32>
        %or3A = arith.ori %shift_left3A_135, %shift_right_logical3A_133 : vector<16xi32>
        %and3A_136 = arith.constant 7 : i32
        %and3A_137 = arith.andi %while3A_92, %and3A_136 : i32
        %shift_left3A_138 = arith.constant 4 : i32
        %shift_left3A_139 = arith.shli %and3A_137, %shift_left3A_138 : i32
        %shift_right_logical3A_140 = arith.constant 3 : i32
        %shift_right_logical3A_141 = arith.shrui %while3A_92, %shift_right_logical3A_140 : i32
        %iota3A = tpu.iota {dimensions = array<i32: 0>} : vector<16xi32>
        %add3A_142 = vector.broadcast %shift_left3A_139 : i32 to vector<16xi32>
        %add3A_143 = arith.addi %add3A_142, %iota3A : vector<16xi32>
        %mul3A_144 = arith.constant 4 : i32
        %mul3A_145 = vector.broadcast %mul3A_144 : i32 to vector<16xi32>
        %mul3A_146 = arith.muli %add3A_143, %mul3A_145 : vector<16xi32>
        %add3A_147 = vector.broadcast %shift_right_logical3A_141 : i32 to vector<16xi32>
        %add3A_148 = arith.addi %mul3A_146, %add3A_147 : vector<16xi32>
        tpu.vector_store_idx %arg8[%add3A_148], %or3A : memref<512xi32, #tpu.memory_space<vmem>>[vector<16xi32>], vector<16xi32>,
      }
      %dma_start3A = arith.constant 0 : i32
      %dma_start3A_30 = arith.constant 0 : i32
      %dma_start3A_31 = arith.constant 0 : i32
      %dma_start3A_32 = tpu.memref_slice %arg9[%dma_start3A_30, %dma_start3A_31] : memref<512x32xf32, #tpu.memory_space<vmem>> -> memref<128x32xf32, #tpu.memory_space<vmem>>
      %dma_start3A_33 = tpu.memref_slice %arg8[%dma_start3A] : memref<512xi32, #tpu.memory_space<vmem>> -> memref<128xi32, #tpu.memory_space<vmem>>
      %dma_start3A_34 = arith.constant 0 : i32
      %dma_start3A_35 = arith.constant 0 : i32
      %dma_start3A_36 = tpu.memref_slice %arg4[%dma_start3A_34, %dma_start3A_35] : memref<1048576x32xf32, #tpu.memory_space<hbm>> -> memref<1048576x32xf32, #tpu.memory_space<hbm>>
      tpu.enqueue_indirect_dma source(%dma_start3A_36 : memref<1048576x32xf32, #tpu.memory_space<hbm>>) target(%dma_start3A_32 : memref<128x32xf32, #tpu.memory_space<vmem>>) offsets(%dma_start3A_33 : memref<128xi32, #tpu.memory_space<vmem>>) semaphore(%arg10 : memref<!tpu.dma_semaphore, #tpu.memory_space<semaphore_mem>>)
      %dma_start3A_37 = arith.constant 128 : i32
      %dma_start3A_38 = arith.constant 128 : i32
      %dma_start3A_39 = arith.constant 0 : i32
      %dma_start3A_40 = tpu.memref_slice %arg9[%dma_start3A_38, %dma_start3A_39] : memref<512x32xf32, #tpu.memory_space<vmem>> -> memref<128x32xf32, #tpu.memory_space<vmem>>
      %dma_start3A_41 = tpu.memref_slice %arg8[%dma_start3A_37] : memref<512xi32, #tpu.memory_space<vmem>> -> memref<128xi32, #tpu.memory_space<vmem>>
      %dma_start3A_42 = arith.constant 0 : i32
      %dma_start3A_43 = arith.constant 0 : i32
      %dma_start3A_44 = tpu.memref_slice %arg4[%dma_start3A_42, %dma_start3A_43] : memref<1048576x32xf32, #tpu.memory_space<hbm>> -> memref<1048576x32xf32, #tpu.memory_space<hbm>>
      tpu.enqueue_indirect_dma source(%dma_start3A_44 : memref<1048576x32xf32, #tpu.memory_space<hbm>>) target(%dma_start3A_40 : memref<128x32xf32, #tpu.memory_space<vmem>>) offsets(%dma_start3A_41 : memref<128xi32, #tpu.memory_space<vmem>>) semaphore(%arg10 : memref<!tpu.dma_semaphore, #tpu.memory_space<semaphore_mem>>)
      %dma_start3A_45 = arith.constant 256 : i32
      %dma_start3A_46 = arith.constant 256 : i32
      %dma_start3A_47 = arith.constant 0 : i32
      %dma_start3A_48 = tpu.memref_slice %arg9[%dma_start3A_46, %dma_start3A_47] : memref<512x32xf32, #tpu.memory_space<vmem>> -> memref<128x32xf32, #tpu.memory_space<vmem>>
      %dma_start3A_49 = tpu.memref_slice %arg8[%dma_start3A_45] : memref<512xi32, #tpu.memory_space<vmem>> -> memref<128xi32, #tpu.memory_space<vmem>>
      %dma_start3A_50 = arith.constant 0 : i32
      %dma_start3A_51 = arith.constant 0 : i32
      %dma_start3A_52 = tpu.memref_slice %arg4[%dma_start3A_50, %dma_start3A_51] : memref<1048576x32xf32, #tpu.memory_space<hbm>> -> memref<1048576x32xf32, #tpu.memory_space<hbm>>
      tpu.enqueue_indirect_dma source(%dma_start3A_52 : memref<1048576x32xf32, #tpu.memory_space<hbm>>) target(%dma_start3A_48 : memref<128x32xf32, #tpu.memory_space<vmem>>) offsets(%dma_start3A_49 : memref<128xi32, #tpu.memory_space<vmem>>) semaphore(%arg10 : memref<!tpu.dma_semaphore, #tpu.memory_space<semaphore_mem>>)
      %dma_start3A_53 = arith.constant 384 : i32
      %dma_start3A_54 = arith.constant 384 : i32
      %dma_start3A_55 = arith.constant 0 : i32
      %dma_start3A_56 = tpu.memref_slice %arg9[%dma_start3A_54, %dma_start3A_55] : memref<512x32xf32, #tpu.memory_space<vmem>> -> memref<128x32xf32, #tpu.memory_space<vmem>>
      %dma_start3A_57 = tpu.memref_slice %arg8[%dma_start3A_53] : memref<512xi32, #tpu.memory_space<vmem>> -> memref<128xi32, #tpu.memory_space<vmem>>
      %dma_start3A_58 = arith.constant 0 : i32
      %dma_start3A_59 = arith.constant 0 : i32
      %dma_start3A_60 = tpu.memref_slice %arg4[%dma_start3A_58, %dma_start3A_59] : memref<1048576x32xf32, #tpu.memory_space<hbm>> -> memref<1048576x32xf32, #tpu.memory_space<hbm>>
      tpu.enqueue_indirect_dma source(%dma_start3A_60 : memref<1048576x32xf32, #tpu.memory_space<hbm>>) target(%dma_start3A_56 : memref<128x32xf32, #tpu.memory_space<vmem>>) offsets(%dma_start3A_57 : memref<128xi32, #tpu.memory_space<vmem>>) semaphore(%arg10 : memref<!tpu.dma_semaphore, #tpu.memory_space<semaphore_mem>>)
      %dma_wait3A = arith.constant 0 : i32
      %dma_wait3A_61 = arith.constant 0 : i32
      %dma_wait3A_62 = arith.constant 0 : i32
      %dma_wait3A_63 = tpu.memref_slice %arg9[%dma_wait3A_61, %dma_wait3A_62] : memref<512x32xf32, #tpu.memory_space<vmem>> -> memref<128x32xf32, #tpu.memory_space<vmem>>
      %dma_wait3A_64 = tpu.memref_slice %arg8[%dma_wait3A] : memref<512xi32, #tpu.memory_space<vmem>> -> memref<128xi32, #tpu.memory_space<vmem>>
      %dma_wait3A_65 = arith.constant 0 : i32
      %dma_wait3A_66 = arith.constant 0 : i32
      %dma_wait3A_67 = tpu.memref_slice %arg4[%dma_wait3A_65, %dma_wait3A_66] : memref<1048576x32xf32, #tpu.memory_space<hbm>> -> memref<1048576x32xf32, #tpu.memory_space<hbm>>
      tpu.wait_indirect_dma semaphore(%arg10 : memref<!tpu.dma_semaphore, #tpu.memory_space<semaphore_mem>>) src(%dma_wait3A_67 : memref<1048576x32xf32, #tpu.memory_space<hbm>>) dst(%dma_wait3A_63 : memref<128x32xf32, #tpu.memory_space<vmem>>)
      %dma_wait3A_68 = arith.constant 128 : i32
      %dma_wait3A_69 = arith.constant 128 : i32
      %dma_wait3A_70 = arith.constant 0 : i32
      %dma_wait3A_71 = tpu.memref_slice %arg9[%dma_wait3A_69, %dma_wait3A_70] : memref<512x32xf32, #tpu.memory_space<vmem>> -> memref<128x32xf32, #tpu.memory_space<vmem>>
      %dma_wait3A_72 = tpu.memref_slice %arg8[%dma_wait3A_68] : memref<512xi32, #tpu.memory_space<vmem>> -> memref<128xi32, #tpu.memory_space<vmem>>
      %dma_wait3A_73 = arith.constant 0 : i32
      %dma_wait3A_74 = arith.constant 0 : i32
      %dma_wait3A_75 = tpu.memref_slice %arg4[%dma_wait3A_73, %dma_wait3A_74] : memref<1048576x32xf32, #tpu.memory_space<hbm>> -> memref<1048576x32xf32, #tpu.memory_space<hbm>>
      tpu.wait_indirect_dma semaphore(%arg10 : memref<!tpu.dma_semaphore, #tpu.memory_space<semaphore_mem>>) src(%dma_wait3A_75 : memref<1048576x32xf32, #tpu.memory_space<hbm>>) dst(%dma_wait3A_71 : memref<128x32xf32, #tpu.memory_space<vmem>>)
      %dma_wait3A_76 = arith.constant 256 : i32
      %dma_wait3A_77 = arith.constant 256 : i32
      %dma_wait3A_78 = arith.constant 0 : i32
      %dma_wait3A_79 = tpu.memref_slice %arg9[%dma_wait3A_77, %dma_wait3A_78] : memref<512x32xf32, #tpu.memory_space<vmem>> -> memref<128x32xf32, #tpu.memory_space<vmem>>
      %dma_wait3A_80 = tpu.memref_slice %arg8[%dma_wait3A_76] : memref<512xi32, #tpu.memory_space<vmem>> -> memref<128xi32, #tpu.memory_space<vmem>>
      %dma_wait3A_81 = arith.constant 0 : i32
      %dma_wait3A_82 = arith.constant 0 : i32
      %dma_wait3A_83 = tpu.memref_slice %arg4[%dma_wait3A_81, %dma_wait3A_82] : memref<1048576x32xf32, #tpu.memory_space<hbm>> -> memref<1048576x32xf32, #tpu.memory_space<hbm>>
      tpu.wait_indirect_dma semaphore(%arg10 : memref<!tpu.dma_semaphore, #tpu.memory_space<semaphore_mem>>) src(%dma_wait3A_83 : memref<1048576x32xf32, #tpu.memory_space<hbm>>) dst(%dma_wait3A_79 : memref<128x32xf32, #tpu.memory_space<vmem>>)
      %dma_wait3A_84 = arith.constant 384 : i32
      %dma_wait3A_85 = arith.constant 384 : i32
      %dma_wait3A_86 = arith.constant 0 : i32
      %dma_wait3A_87 = tpu.memref_slice %arg9[%dma_wait3A_85, %dma_wait3A_86] : memref<512x32xf32, #tpu.memory_space<vmem>> -> memref<128x32xf32, #tpu.memory_space<vmem>>
      %dma_wait3A_88 = tpu.memref_slice %arg8[%dma_wait3A_84] : memref<512xi32, #tpu.memory_space<vmem>> -> memref<128xi32, #tpu.memory_space<vmem>>
      %dma_wait3A_89 = arith.constant 0 : i32
      %dma_wait3A_90 = arith.constant 0 : i32
      %dma_wait3A_91 = tpu.memref_slice %arg4[%dma_wait3A_89, %dma_wait3A_90] : memref<1048576x32xf32, #tpu.memory_space<hbm>> -> memref<1048576x32xf32, #tpu.memory_space<hbm>>
      tpu.wait_indirect_dma semaphore(%arg10 : memref<!tpu.dma_semaphore, #tpu.memory_space<semaphore_mem>>) src(%dma_wait3A_91 : memref<1048576x32xf32, #tpu.memory_space<hbm>>) dst(%dma_wait3A_87 : memref<128x32xf32, #tpu.memory_space<vmem>>)
      "tpu.region"() ({
        %run_scoped3A = tpu.sem_alloc : memref<!tpu.dma_semaphore, #tpu.memory_space<semaphore_mem>>
        %dma_start3A_92 = arith.constant 0 : i32
        %dma_start3A_93 = tpu.memref_slice %arg5[%mul3A_18, %dma_start3A_92] : memref<204800x32xf32, #tpu.memory_space<hbm>> -> memref<512x32xf32, #tpu.memory_space<hbm>>
        %dma_start3A_94 = arith.constant 0 : i32
        %dma_start3A_95 = tpu.memref_slice %arg5[%mul3A_18, %dma_start3A_94] : memref<204800x32xf32, #tpu.memory_space<hbm>> -> memref<512x32xf32, #tpu.memory_space<hbm>>
        tpu.enqueue_dma source(%arg9 : memref<512x32xf32, #tpu.memory_space<vmem>>) target(%dma_start3A_95 : memref<512x32xf32, #tpu.memory_space<hbm>>) target_semaphore(%run_scoped3A : memref<!tpu.dma_semaphore, #tpu.memory_space<semaphore_mem>>)
        %dma_wait3A_96 = arith.constant 0 : i32
        %dma_wait3A_97 = tpu.memref_slice %arg5[%mul3A_18, %dma_wait3A_96] : memref<204800x32xf32, #tpu.memory_space<hbm>> -> memref<512x32xf32, #tpu.memory_space<hbm>>
        %dma_wait3A_98 = arith.constant 0 : i32
        %dma_wait3A_99 = tpu.memref_slice %arg5[%mul3A_18, %dma_wait3A_98] : memref<204800x32xf32, #tpu.memory_space<hbm>> -> memref<512x32xf32, #tpu.memory_space<hbm>>
        tpu.wait_dma2 semaphore(%run_scoped3A : memref<!tpu.dma_semaphore, #tpu.memory_space<semaphore_mem>>) src(%arg9 : memref<512x32xf32, #tpu.memory_space<vmem>>) dst(%dma_wait3A_99 : memref<512x32xf32, #tpu.memory_space<hbm>>)
        tpu.yield
      }) : () -> ()
    }
    return
  }
}

#map = affine_map<(d0, d1) -> (0)>
#map1 = affine_map<(d0, d1) -> (0, 0)>
module attributes {stable_mosaic.version = 14 : i64} {
  func.func @k(%arg0: i32, %arg1: i32, %arg2: memref<204800xi32, #tpu.memory_space<hbm>>, %arg3: memref<204800xi32, #tpu.memory_space<hbm>>, %arg4: memref<1048576x32xf32, #tpu.memory_space<hbm>>, %arg5: memref<204800x32xf32, #tpu.memory_space<hbm>>, %arg6: memref<512xi32, #tpu.memory_space<vmem>>, %arg7: memref<512xi32, #tpu.memory_space<vmem>>, %arg8: memref<512xi32, #tpu.memory_space<vmem>>, %arg9: memref<512x32xf32, #tpu.memory_space<vmem>>, %arg10: memref<!tpu.dma_semaphore, #tpu.memory_space<semaphore_mem>>) attributes {dimension_semantics = [#tpu.dimension_semantics<core_parallel>, #tpu.dimension_semantics<subcore_parallel>], iteration_bounds = array<i64: 2, 16>, scalar_prefetch = 0 : i64, scratch_operands = 5 : i64, tpu.core_type = #tpu.core_type<sc_vector_subcore>, window_params = [{transform_indices = #map}, {transform_indices = #map}, {transform_indices = #map1}, {transform_indices = #map1}]} {
    %mul3A = arith.constant 2 : i32
    %mul3A_0 = arith.muli %arg1, %mul3A : i32
    %add3A = arith.addi %mul3A_0, %arg0 : i32
    %lt3A = arith.constant 16 : i32
    %lt3A_1 = arith.cmpi slt, %add3A, %lt3A : i32
    %convert_element_type3A = arith.extui %lt3A_1 : i1 to i32
    %add3A_2 = arith.constant 12 : i32
    %add3A_3 = arith.addi %add3A_2, %convert_element_type3A : i32
    %while3A = arith.constant 0 : i32
    %while3A_4 = arith.constant 0 : i32
    %while3A_5 = arith.subi %add3A_3, %while3A_4 : i32
    %while3A_6 = arith.addi %while3A_4, %while3A_5 : i32
    %while3A_7 = arith.constant 1 : i32
    %while3A_8 = arith.divsi %while3A_5, %while3A_7 : i32
    %while3A_9 = arith.muli %while3A_8, %while3A_7 : i32
    %while3A_10 = arith.addi %while3A_4, %while3A_9 : i32
    %while3A_11 = arith.constant 1 : i32
    scf.for %while3A_13 = %while3A_4 to %while3A_10 step %while3A_11  : i32 {
      %mul3A_14 = arith.constant 32 : i32
      %mul3A_15 = arith.muli %while3A_13, %mul3A_14 : i32
      %add3A_16 = arith.addi %mul3A_15, %add3A : i32
      %mul3A_17 = arith.constant 512 : i32
      %mul3A_18 = arith.muli %add3A_16, %mul3A_17 : i32
      "tpu.region"() ({
        %run_scoped3A = tpu.sem_alloc : memref<!tpu.dma_semaphore, #tpu.memory_space<semaphore_mem>>
        %dma_start3A_92 = tpu.memref_slice %arg2[%mul3A_18] : memref<204800xi32, #tpu.memory_space<hbm>> -> memref<512xi32, #tpu.memory_space<hbm>>
        %dma_start3A_93 = tpu.memref_slice %arg2[%mul3A_18] : memref<204800xi32, #tpu.memory_space<hbm>> -> memref<512xi32, #tpu.memory_space<hbm>>
        tpu.enqueue_dma source(%dma_start3A_93 : memref<512xi32, #tpu.memory_space<hbm>>) target(%arg6 : memref<512xi32, #tpu.memory_space<vmem>>) target_semaphore(%run_scoped3A : memref<!tpu.dma_semaphore, #tpu.memory_space<semaphore_mem>>)
        %dma_wait3A_94 = tpu.memref_slice %arg2[%mul3A_18] : memref<204800xi32, #tpu.memory_space<hbm>> -> memref<512xi32, #tpu.memory_space<hbm>>
        %dma_wait3A_95 = tpu.memref_slice %arg2[%mul3A_18] : memref<204800xi32, #tpu.memory_space<hbm>> -> memref<512xi32, #tpu.memory_space<hbm>>
        tpu.wait_dma2 semaphore(%run_scoped3A : memref<!tpu.dma_semaphore, #tpu.memory_space<semaphore_mem>>) src(%dma_wait3A_95 : memref<512xi32, #tpu.memory_space<hbm>>) dst(%arg6 : memref<512xi32, #tpu.memory_space<vmem>>)
        tpu.yield
      }) : () -> ()
      "tpu.region"() ({
        %run_scoped3A = tpu.sem_alloc : memref<!tpu.dma_semaphore, #tpu.memory_space<semaphore_mem>>
        %dma_start3A_92 = tpu.memref_slice %arg3[%mul3A_18] : memref<204800xi32, #tpu.memory_space<hbm>> -> memref<512xi32, #tpu.memory_space<hbm>>
        %dma_start3A_93 = tpu.memref_slice %arg3[%mul3A_18] : memref<204800xi32, #tpu.memory_space<hbm>> -> memref<512xi32, #tpu.memory_space<hbm>>
        tpu.enqueue_dma source(%dma_start3A_93 : memref<512xi32, #tpu.memory_space<hbm>>) target(%arg7 : memref<512xi32, #tpu.memory_space<vmem>>) target_semaphore(%run_scoped3A : memref<!tpu.dma_semaphore, #tpu.memory_space<semaphore_mem>>)
        %dma_wait3A_94 = tpu.memref_slice %arg3[%mul3A_18] : memref<204800xi32, #tpu.memory_space<hbm>> -> memref<512xi32, #tpu.memory_space<hbm>>
        %dma_wait3A_95 = tpu.memref_slice %arg3[%mul3A_18] : memref<204800xi32, #tpu.memory_space<hbm>> -> memref<512xi32, #tpu.memory_space<hbm>>
        tpu.wait_dma2 semaphore(%run_scoped3A : memref<!tpu.dma_semaphore, #tpu.memory_space<semaphore_mem>>) src(%dma_wait3A_95 : memref<512xi32, #tpu.memory_space<hbm>>) dst(%arg7 : memref<512xi32, #tpu.memory_space<vmem>>)
        tpu.yield
      }) : () -> ()
      %while3A_19 = arith.constant 0 : i32
      %while3A_20 = arith.constant 0 : i32
      %while3A_21 = arith.constant 32 : i32
      %while3A_22 = arith.subi %while3A_21, %while3A_20 : i32
      %while3A_23 = arith.addi %while3A_20, %while3A_22 : i32
      %while3A_24 = arith.constant 1 : i32
      %while3A_25 = arith.divsi %while3A_22, %while3A_24 : i32
      %while3A_26 = arith.muli %while3A_25, %while3A_24 : i32
      %while3A_27 = arith.addi %while3A_20, %while3A_26 : i32
      %while3A_28 = arith.constant 1 : i32
      scf.for %while3A_92 = %while3A_20 to %while3A_27 step %while3A_28  : i32 {
        %mul3A_93 = arith.constant 16 : i32
        %mul3A_94 = arith.muli %while3A_92, %mul3A_93 : i32
        %get3A = arith.index_cast %mul3A_94 : i32 to index
        %get3A_95 = tpu.vector_load %arg6[%get3A] {strides = array<i32>} : memref<512xi32, #tpu.memory_space<vmem>>, vector<16xi32>,
        %get3A_96 = arith.index_cast %mul3A_94 : i32 to index
        %get3A_97 = tpu.vector_load %arg7[%get3A_96] {strides = array<i32>} : memref<512xi32, #tpu.memory_space<vmem>>, vector<16xi32>,
        %shift_right_logical3A = arith.constant 10 : i32
        %shift_right_logical3A_98 = vector.broadcast %shift_right_logical3A : i32 to vector<16xi32>
        %shift_right_logical3A_99 = arith.shrui %get3A_97, %shift_right_logical3A_98 : vector<16xi32>
        %and3A = arith.constant 1023 : i32
        %and3A_100 = vector.broadcast %and3A : i32 to vector<16xi32>
        %and3A_101 = arith.andi %get3A_97, %and3A_100 : vector<16xi32>
        %mul3A_102 = arith.constant 935232 : i32
        %mul3A_103 = vector.broadcast %mul3A_102 : i32 to vector<16xi32>
        %mul3A_104 = arith.muli %shift_right_logical3A_99, %mul3A_103 : vector<16xi32>
        %mul3A_105 = arith.constant 97593 : i32
        %mul3A_106 = vector.broadcast %mul3A_105 : i32 to vector<16xi32>
        %mul3A_107 = arith.muli %and3A_101, %mul3A_106 : vector<16xi32>
        %add3A_108 = arith.addi %mul3A_104, %mul3A_107 : vector<16xi32>
        %add3A_109 = arith.addi %add3A_108, %get3A_95 : vector<16xi32>
        %jit3A = arith.constant 1000000 : i64
        %convert_element_type3A_110 = arith.trunci %jit3A : i64 to i32
        %eq3A = arith.constant 0 : i32
        %eq3A_111 = arith.cmpi eq, %convert_element_type3A_110, %eq3A : i32
        %jit3A_112 = arith.constant 1 : i32
        %select_n3A = arith.select %eq3A_111, %jit3A_112, %convert_element_type3A_110 : i32
        %rem3A = vector.broadcast %select_n3A : i32 to vector<16xi32>
        %rem3A_113 = arith.remsi %add3A_109, %rem3A : vector<16xi32>
        %ne3A = arith.constant 0 : i32
        %ne3A_114 = vector.broadcast %ne3A : i32 to vector<16xi32>
        %ne3A_115 = arith.cmpi ne, %rem3A_113, %ne3A_114 : vector<16xi32>
        %lt3A_116 = arith.constant 0 : i32
        %lt3A_117 = vector.broadcast %lt3A_116 : i32 to vector<16xi32>
        %lt3A_118 = arith.cmpi slt, %rem3A_113, %lt3A_117 : vector<16xi32>
        %lt3A_119 = arith.constant 0 : i32
        %lt3A_120 = arith.cmpi slt, %select_n3A, %lt3A_119 : i32
        %ne3A_121 = vector.broadcast %lt3A_120 : i1 to vector<16xi1>
        %ne3A_122 = vector.broadcast %ne3A_121 : vector<16xi1> to vector<16xi1>
        %ne3A_123 = arith.xori %lt3A_118, %ne3A_122 : vector<16xi1>
        %and3A_124 = arith.andi %ne3A_123, %ne3A_115 : vector<16xi1>
        %add3A_125 = vector.broadcast %select_n3A : i32 to vector<16xi32>
        %add3A_126 = arith.addi %rem3A_113, %add3A_125 : vector<16xi32>
        %select_n3A_127 = arith.select %and3A_124, %add3A_126, %rem3A_113 : vector<16xi1>, vector<16xi32>
        %and3A_128 = arith.constant 262143 : i32
        %and3A_129 = vector.broadcast %and3A_128 : i32 to vector<16xi32>
        %and3A_130 = arith.andi %select_n3A_127, %and3A_129 : vector<16xi32>
        %shift_right_logical3A_131 = arith.constant 18 : i32
        %shift_right_logical3A_132 = vector.broadcast %shift_right_logical3A_131 : i32 to vector<16xi32>
        %shift_right_logical3A_133 = arith.shrui %select_n3A_127, %shift_right_logical3A_132 : vector<16xi32>
        %shift_left3A = arith.constant 2 : i32
        %shift_left3A_134 = vector.broadcast %shift_left3A : i32 to vector<16xi32>
        %shift_left3A_135 = arith.shli %and3A_130, %shift_left3A_134 : vector<16xi32>
        %or3A = arith.ori %shift_left3A_135, %shift_right_logical3A_133 : vector<16xi32>
        %and3A_136 = arith.constant 7 : i32
        %and3A_137 = arith.andi %while3A_92, %and3A_136 : i32
        %shift_left3A_138 = arith.constant 4 : i32
        %shift_left3A_139 = arith.shli %and3A_137, %shift_left3A_138 : i32
        %shift_right_logical3A_140 = arith.constant 3 : i32
        %shift_right_logical3A_141 = arith.shrui %while3A_92, %shift_right_logical3A_140 : i32
        %iota3A = tpu.iota {dimensions = array<i32: 0>} : vector<16xi32>
        %add3A_142 = vector.broadcast %shift_left3A_139 : i32 to vector<16xi32>
        %add3A_143 = arith.addi %add3A_142, %iota3A : vector<16xi32>
        %mul3A_144 = arith.constant 4 : i32
        %mul3A_145 = vector.broadcast %mul3A_144 : i32 to vector<16xi32>
        %mul3A_146 = arith.muli %add3A_143, %mul3A_145 : vector<16xi32>
        %add3A_147 = vector.broadcast %shift_right_logical3A_141 : i32 to vector<16xi32>
        %add3A_148 = arith.addi %mul3A_146, %add3A_147 : vector<16xi32>
        tpu.vector_store_idx %arg8[%add3A_148], %or3A : memref<512xi32, #tpu.memory_space<vmem>>[vector<16xi32>], vector<16xi32>,
      }
      %while3A_29 = arith.constant 1 : i32
      scf.for %while3A_92 = %while3A_27 to %while3A_23 step %while3A_29  : i32 {
        %mul3A_93 = arith.constant 16 : i32
        %mul3A_94 = arith.muli %while3A_92, %mul3A_93 : i32
        %get3A = arith.index_cast %mul3A_94 : i32 to index
        %get3A_95 = tpu.vector_load %arg6[%get3A] {strides = array<i32>} : memref<512xi32, #tpu.memory_space<vmem>>, vector<16xi32>,
        %get3A_96 = arith.index_cast %mul3A_94 : i32 to index
        %get3A_97 = tpu.vector_load %arg7[%get3A_96] {strides = array<i32>} : memref<512xi32, #tpu.memory_space<vmem>>, vector<16xi32>,
        %shift_right_logical3A = arith.constant 10 : i32
        %shift_right_logical3A_98 = vector.broadcast %shift_right_logical3A : i32 to vector<16xi32>
        %shift_right_logical3A_99 = arith.shrui %get3A_97, %shift_right_logical3A_98 : vector<16xi32>
        %and3A = arith.constant 1023 : i32
        %and3A_100 = vector.broadcast %and3A : i32 to vector<16xi32>
        %and3A_101 = arith.andi %get3A_97, %and3A_100 : vector<16xi32>
        %mul3A_102 = arith.constant 935232 : i32
        %mul3A_103 = vector.broadcast %mul3A_102 : i32 to vector<16xi32>
        %mul3A_104 = arith.muli %shift_right_logical3A_99, %mul3A_103 : vector<16xi32>
        %mul3A_105 = arith.constant 97593 : i32
        %mul3A_106 = vector.broadcast %mul3A_105 : i32 to vector<16xi32>
        %mul3A_107 = arith.muli %and3A_101, %mul3A_106 : vector<16xi32>
        %add3A_108 = arith.addi %mul3A_104, %mul3A_107 : vector<16xi32>
        %add3A_109 = arith.addi %add3A_108, %get3A_95 : vector<16xi32>
        %jit3A = arith.constant 1000000 : i64
        %convert_element_type3A_110 = arith.trunci %jit3A : i64 to i32
        %eq3A = arith.constant 0 : i32
        %eq3A_111 = arith.cmpi eq, %convert_element_type3A_110, %eq3A : i32
        %jit3A_112 = arith.constant 1 : i32
        %select_n3A = arith.select %eq3A_111, %jit3A_112, %convert_element_type3A_110 : i32
        %rem3A = vector.broadcast %select_n3A : i32 to vector<16xi32>
        %rem3A_113 = arith.remsi %add3A_109, %rem3A : vector<16xi32>
        %ne3A = arith.constant 0 : i32
        %ne3A_114 = vector.broadcast %ne3A : i32 to vector<16xi32>
        %ne3A_115 = arith.cmpi ne, %rem3A_113, %ne3A_114 : vector<16xi32>
        %lt3A_116 = arith.constant 0 : i32
        %lt3A_117 = vector.broadcast %lt3A_116 : i32 to vector<16xi32>
        %lt3A_118 = arith.cmpi slt, %rem3A_113, %lt3A_117 : vector<16xi32>
        %lt3A_119 = arith.constant 0 : i32
        %lt3A_120 = arith.cmpi slt, %select_n3A, %lt3A_119 : i32
        %ne3A_121 = vector.broadcast %lt3A_120 : i1 to vector<16xi1>
        %ne3A_122 = vector.broadcast %ne3A_121 : vector<16xi1> to vector<16xi1>
        %ne3A_123 = arith.xori %lt3A_118, %ne3A_122 : vector<16xi1>
        %and3A_124 = arith.andi %ne3A_123, %ne3A_115 : vector<16xi1>
        %add3A_125 = vector.broadcast %select_n3A : i32 to vector<16xi32>
        %add3A_126 = arith.addi %rem3A_113, %add3A_125 : vector<16xi32>
        %select_n3A_127 = arith.select %and3A_124, %add3A_126, %rem3A_113 : vector<16xi1>, vector<16xi32>
        %and3A_128 = arith.constant 262143 : i32
        %and3A_129 = vector.broadcast %and3A_128 : i32 to vector<16xi32>
        %and3A_130 = arith.andi %select_n3A_127, %and3A_129 : vector<16xi32>
        %shift_right_logical3A_131 = arith.constant 18 : i32
        %shift_right_logical3A_132 = vector.broadcast %shift_right_logical3A_131 : i32 to vector<16xi32>
        %shift_right_logical3A_133 = arith.shrui %select_n3A_127, %shift_right_logical3A_132 : vector<16xi32>
        %shift_left3A = arith.constant 2 : i32
        %shift_left3A_134 = vector.broadcast %shift_left3A : i32 to vector<16xi32>
        %shift_left3A_135 = arith.shli %and3A_130, %shift_left3A_134 : vector<16xi32>
        %or3A = arith.ori %shift_left3A_135, %shift_right_logical3A_133 : vector<16xi32>
        %and3A_136 = arith.constant 7 : i32
        %and3A_137 = arith.andi %while3A_92, %and3A_136 : i32
        %shift_left3A_138 = arith.constant 4 : i32
        %shift_left3A_139 = arith.shli %and3A_137, %shift_left3A_138 : i32
        %shift_right_logical3A_140 = arith.constant 3 : i32
        %shift_right_logical3A_141 = arith.shrui %while3A_92, %shift_right_logical3A_140 : i32
        %iota3A = tpu.iota {dimensions = array<i32: 0>} : vector<16xi32>
        %add3A_142 = vector.broadcast %shift_left3A_139 : i32 to vector<16xi32>
        %add3A_143 = arith.addi %add3A_142, %iota3A : vector<16xi32>
        %mul3A_144 = arith.constant 4 : i32
        %mul3A_145 = vector.broadcast %mul3A_144 : i32 to vector<16xi32>
        %mul3A_146 = arith.muli %add3A_143, %mul3A_145 : vector<16xi32>
        %add3A_147 = vector.broadcast %shift_right_logical3A_141 : i32 to vector<16xi32>
        %add3A_148 = arith.addi %mul3A_146, %add3A_147 : vector<16xi32>
        tpu.vector_store_idx %arg8[%add3A_148], %or3A : memref<512xi32, #tpu.memory_space<vmem>>[vector<16xi32>], vector<16xi32>,
      }
      %dma_start3A = arith.constant 0 : i32
      %dma_start3A_30 = arith.constant 0 : i32
      %dma_start3A_31 = arith.constant 0 : i32
      %dma_start3A_32 = tpu.memref_slice %arg9[%dma_start3A_30, %dma_start3A_31] : memref<512x32xf32, #tpu.memory_space<vmem>> -> memref<128x32xf32, #tpu.memory_space<vmem>>
      %dma_start3A_33 = tpu.memref_slice %arg8[%dma_start3A] : memref<512xi32, #tpu.memory_space<vmem>> -> memref<128xi32, #tpu.memory_space<vmem>>
      %dma_start3A_34 = arith.constant 0 : i32
      %dma_start3A_35 = arith.constant 0 : i32
      %dma_start3A_36 = tpu.memref_slice %arg4[%dma_start3A_34, %dma_start3A_35] : memref<1048576x32xf32, #tpu.memory_space<hbm>> -> memref<1048576x32xf32, #tpu.memory_space<hbm>>
      tpu.enqueue_indirect_dma source(%dma_start3A_36 : memref<1048576x32xf32, #tpu.memory_space<hbm>>) target(%dma_start3A_32 : memref<128x32xf32, #tpu.memory_space<vmem>>) offsets(%dma_start3A_33 : memref<128xi32, #tpu.memory_space<vmem>>) semaphore(%arg10 : memref<!tpu.dma_semaphore, #tpu.memory_space<semaphore_mem>>)
      %dma_start3A_37 = arith.constant 128 : i32
      %dma_start3A_38 = arith.constant 128 : i32
      %dma_start3A_39 = arith.constant 0 : i32
      %dma_start3A_40 = tpu.memref_slice %arg9[%dma_start3A_38, %dma_start3A_39] : memref<512x32xf32, #tpu.memory_space<vmem>> -> memref<128x32xf32, #tpu.memory_space<vmem>>
      %dma_start3A_41 = tpu.memref_slice %arg8[%dma_start3A_37] : memref<512xi32, #tpu.memory_space<vmem>> -> memref<128xi32, #tpu.memory_space<vmem>>
      %dma_start3A_42 = arith.constant 0 : i32
      %dma_start3A_43 = arith.constant 0 : i32
      %dma_start3A_44 = tpu.memref_slice %arg4[%dma_start3A_42, %dma_start3A_43] : memref<1048576x32xf32, #tpu.memory_space<hbm>> -> memref<1048576x32xf32, #tpu.memory_space<hbm>>
      tpu.enqueue_indirect_dma source(%dma_start3A_44 : memref<1048576x32xf32, #tpu.memory_space<hbm>>) target(%dma_start3A_40 : memref<128x32xf32, #tpu.memory_space<vmem>>) offsets(%dma_start3A_41 : memref<128xi32, #tpu.memory_space<vmem>>) semaphore(%arg10 : memref<!tpu.dma_semaphore, #tpu.memory_space<semaphore_mem>>)
      %dma_start3A_45 = arith.constant 256 : i32
      %dma_start3A_46 = arith.constant 256 : i32
      %dma_start3A_47 = arith.constant 0 : i32
      %dma_start3A_48 = tpu.memref_slice %arg9[%dma_start3A_46, %dma_start3A_47] : memref<512x32xf32, #tpu.memory_space<vmem>> -> memref<128x32xf32, #tpu.memory_space<vmem>>
      %dma_start3A_49 = tpu.memref_slice %arg8[%dma_start3A_45] : memref<512xi32, #tpu.memory_space<vmem>> -> memref<128xi32, #tpu.memory_space<vmem>>
      %dma_start3A_50 = arith.constant 0 : i32
      %dma_start3A_51 = arith.constant 0 : i32
      %dma_start3A_52 = tpu.memref_slice %arg4[%dma_start3A_50, %dma_start3A_51] : memref<1048576x32xf32, #tpu.memory_space<hbm>> -> memref<1048576x32xf32, #tpu.memory_space<hbm>>
      tpu.enqueue_indirect_dma source(%dma_start3A_52 : memref<1048576x32xf32, #tpu.memory_space<hbm>>) target(%dma_start3A_48 : memref<128x32xf32, #tpu.memory_space<vmem>>) offsets(%dma_start3A_49 : memref<128xi32, #tpu.memory_space<vmem>>) semaphore(%arg10 : memref<!tpu.dma_semaphore, #tpu.memory_space<semaphore_mem>>)
      %dma_start3A_53 = arith.constant 384 : i32
      %dma_start3A_54 = arith.constant 384 : i32
      %dma_start3A_55 = arith.constant 0 : i32
      %dma_start3A_56 = tpu.memref_slice %arg9[%dma_start3A_54, %dma_start3A_55] : memref<512x32xf32, #tpu.memory_space<vmem>> -> memref<128x32xf32, #tpu.memory_space<vmem>>
      %dma_start3A_57 = tpu.memref_slice %arg8[%dma_start3A_53] : memref<512xi32, #tpu.memory_space<vmem>> -> memref<128xi32, #tpu.memory_space<vmem>>
      %dma_start3A_58 = arith.constant 0 : i32
      %dma_start3A_59 = arith.constant 0 : i32
      %dma_start3A_60 = tpu.memref_slice %arg4[%dma_start3A_58, %dma_start3A_59] : memref<1048576x32xf32, #tpu.memory_space<hbm>> -> memref<1048576x32xf32, #tpu.memory_space<hbm>>
      tpu.enqueue_indirect_dma source(%dma_start3A_60 : memref<1048576x32xf32, #tpu.memory_space<hbm>>) target(%dma_start3A_56 : memref<128x32xf32, #tpu.memory_space<vmem>>) offsets(%dma_start3A_57 : memref<128xi32, #tpu.memory_space<vmem>>) semaphore(%arg10 : memref<!tpu.dma_semaphore, #tpu.memory_space<semaphore_mem>>)
      %dma_wait3A = arith.constant 0 : i32
      %dma_wait3A_61 = arith.constant 0 : i32
      %dma_wait3A_62 = arith.constant 0 : i32
      %dma_wait3A_63 = tpu.memref_slice %arg9[%dma_wait3A_61, %dma_wait3A_62] : memref<512x32xf32, #tpu.memory_space<vmem>> -> memref<128x32xf32, #tpu.memory_space<vmem>>
      %dma_wait3A_64 = tpu.memref_slice %arg8[%dma_wait3A] : memref<512xi32, #tpu.memory_space<vmem>> -> memref<128xi32, #tpu.memory_space<vmem>>
      %dma_wait3A_65 = arith.constant 0 : i32
      %dma_wait3A_66 = arith.constant 0 : i32
      %dma_wait3A_67 = tpu.memref_slice %arg4[%dma_wait3A_65, %dma_wait3A_66] : memref<1048576x32xf32, #tpu.memory_space<hbm>> -> memref<1048576x32xf32, #tpu.memory_space<hbm>>
      tpu.wait_indirect_dma semaphore(%arg10 : memref<!tpu.dma_semaphore, #tpu.memory_space<semaphore_mem>>) src(%dma_wait3A_67 : memref<1048576x32xf32, #tpu.memory_space<hbm>>) dst(%dma_wait3A_63 : memref<128x32xf32, #tpu.memory_space<vmem>>)
      %dma_wait3A_68 = arith.constant 128 : i32
      %dma_wait3A_69 = arith.constant 128 : i32
      %dma_wait3A_70 = arith.constant 0 : i32
      %dma_wait3A_71 = tpu.memref_slice %arg9[%dma_wait3A_69, %dma_wait3A_70] : memref<512x32xf32, #tpu.memory_space<vmem>> -> memref<128x32xf32, #tpu.memory_space<vmem>>
      %dma_wait3A_72 = tpu.memref_slice %arg8[%dma_wait3A_68] : memref<512xi32, #tpu.memory_space<vmem>> -> memref<128xi32, #tpu.memory_space<vmem>>
      %dma_wait3A_73 = arith.constant 0 : i32
      %dma_wait3A_74 = arith.constant 0 : i32
      %dma_wait3A_75 = tpu.memref_slice %arg4[%dma_wait3A_73, %dma_wait3A_74] : memref<1048576x32xf32, #tpu.memory_space<hbm>> -> memref<1048576x32xf32, #tpu.memory_space<hbm>>
      tpu.wait_indirect_dma semaphore(%arg10 : memref<!tpu.dma_semaphore, #tpu.memory_space<semaphore_mem>>) src(%dma_wait3A_75 : memref<1048576x32xf32, #tpu.memory_space<hbm>>) dst(%dma_wait3A_71 : memref<128x32xf32, #tpu.memory_space<vmem>>)
      %dma_wait3A_76 = arith.constant 256 : i32
      %dma_wait3A_77 = arith.constant 256 : i32
      %dma_wait3A_78 = arith.constant 0 : i32
      %dma_wait3A_79 = tpu.memref_slice %arg9[%dma_wait3A_77, %dma_wait3A_78] : memref<512x32xf32, #tpu.memory_space<vmem>> -> memref<128x32xf32, #tpu.memory_space<vmem>>
      %dma_wait3A_80 = tpu.memref_slice %arg8[%dma_wait3A_76] : memref<512xi32, #tpu.memory_space<vmem>> -> memref<128xi32, #tpu.memory_space<vmem>>
      %dma_wait3A_81 = arith.constant 0 : i32
      %dma_wait3A_82 = arith.constant 0 : i32
      %dma_wait3A_83 = tpu.memref_slice %arg4[%dma_wait3A_81, %dma_wait3A_82] : memref<1048576x32xf32, #tpu.memory_space<hbm>> -> memref<1048576x32xf32, #tpu.memory_space<hbm>>
      tpu.wait_indirect_dma semaphore(%arg10 : memref<!tpu.dma_semaphore, #tpu.memory_space<semaphore_mem>>) src(%dma_wait3A_83 : memref<1048576x32xf32, #tpu.memory_space<hbm>>) dst(%dma_wait3A_79 : memref<128x32xf32, #tpu.memory_space<vmem>>)
      %dma_wait3A_84 = arith.constant 384 : i32
      %dma_wait3A_85 = arith.constant 384 : i32
      %dma_wait3A_86 = arith.constant 0 : i32
      %dma_wait3A_87 = tpu.memref_slice %arg9[%dma_wait3A_85, %dma_wait3A_86] : memref<512x32xf32, #tpu.memory_space<vmem>> -> memref<128x32xf32, #tpu.memory_space<vmem>>
      %dma_wait3A_88 = tpu.memref_slice %arg8[%dma_wait3A_84] : memref<512xi32, #tpu.memory_space<vmem>> -> memref<128xi32, #tpu.memory_space<vmem>>
      %dma_wait3A_89 = arith.constant 0 : i32
      %dma_wait3A_90 = arith.constant 0 : i32
      %dma_wait3A_91 = tpu.memref_slice %arg4[%dma_wait3A_89, %dma_wait3A_90] : memref<1048576x32xf32, #tpu.memory_space<hbm>> -> memref<1048576x32xf32, #tpu.memory_space<hbm>>
      tpu.wait_indirect_dma semaphore(%arg10 : memref<!tpu.dma_semaphore, #tpu.memory_space<semaphore_mem>>) src(%dma_wait3A_91 : memref<1048576x32xf32, #tpu.memory_space<hbm>>) dst(%dma_wait3A_87 : memref<128x32xf32, #tpu.memory_space<vmem>>)
      "tpu.region"() ({
        %run_scoped3A = tpu.sem_alloc : memref<!tpu.dma_semaphore, #tpu.memory_space<semaphore_mem>>
        %dma_start3A_92 = arith.constant 0 : i32
        %dma_start3A_93 = tpu.memref_slice %arg5[%mul3A_18, %dma_start3A_92] : memref<204800x32xf32, #tpu.memory_space<hbm>> -> memref<512x32xf32, #tpu.memory_space<hbm>>
        %dma_start3A_94 = arith.constant 0 : i32
        %dma_start3A_95 = tpu.memref_slice %arg5[%mul3A_18, %dma_start3A_94] : memref<204800x32xf32, #tpu.memory_space<hbm>> -> memref<512x32xf32, #tpu.memory_space<hbm>>
        tpu.enqueue_dma source(%arg9 : memref<512x32xf32, #tpu.memory_space<vmem>>) target(%dma_start3A_95 : memref<512x32xf32, #tpu.memory_space<hbm>>) target_semaphore(%run_scoped3A : memref<!tpu.dma_semaphore, #tpu.memory_space<semaphore_mem>>)
        %dma_wait3A_96 = arith.constant 0 : i32
        %dma_wait3A_97 = tpu.memref_slice %arg5[%mul3A_18, %dma_wait3A_96] : memref<204800x32xf32, #tpu.memory_space<hbm>> -> memref<512x32xf32, #tpu.memory_space<hbm>>
        %dma_wait3A_98 = arith.constant 0 : i32
        %dma_wait3A_99 = tpu.memref_slice %arg5[%mul3A_18, %dma_wait3A_98] : memref<204800x32xf32, #tpu.memory_space<hbm>> -> memref<512x32xf32, #tpu.memory_space<hbm>>
        tpu.wait_dma2 semaphore(%run_scoped3A : memref<!tpu.dma_semaphore, #tpu.memory_space<semaphore_mem>>) src(%arg9 : memref<512x32xf32, #tpu.memory_space<vmem>>) dst(%dma_wait3A_99 : memref<512x32xf32, #tpu.memory_space<hbm>>)
        tpu.yield
      }) : () -> ()
    }
    %while3A_12 = arith.constant 1 : i32
    scf.for %while3A_13 = %while3A_10 to %while3A_6 step %while3A_12  : i32 {
      %mul3A_14 = arith.constant 32 : i32
      %mul3A_15 = arith.muli %while3A_13, %mul3A_14 : i32
      %add3A_16 = arith.addi %mul3A_15, %add3A : i32
      %mul3A_17 = arith.constant 512 : i32
      %mul3A_18 = arith.muli %add3A_16, %mul3A_17 : i32
      "tpu.region"() ({
        %run_scoped3A = tpu.sem_alloc : memref<!tpu.dma_semaphore, #tpu.memory_space<semaphore_mem>>
        %dma_start3A_92 = tpu.memref_slice %arg2[%mul3A_18] : memref<204800xi32, #tpu.memory_space<hbm>> -> memref<512xi32, #tpu.memory_space<hbm>>
        %dma_start3A_93 = tpu.memref_slice %arg2[%mul3A_18] : memref<204800xi32, #tpu.memory_space<hbm>> -> memref<512xi32, #tpu.memory_space<hbm>>
        tpu.enqueue_dma source(%dma_start3A_93 : memref<512xi32, #tpu.memory_space<hbm>>) target(%arg6 : memref<512xi32, #tpu.memory_space<vmem>>) target_semaphore(%run_scoped3A : memref<!tpu.dma_semaphore, #tpu.memory_space<semaphore_mem>>)
        %dma_wait3A_94 = tpu.memref_slice %arg2[%mul3A_18] : memref<204800xi32, #tpu.memory_space<hbm>> -> memref<512xi32, #tpu.memory_space<hbm>>
        %dma_wait3A_95 = tpu.memref_slice %arg2[%mul3A_18] : memref<204800xi32, #tpu.memory_space<hbm>> -> memref<512xi32, #tpu.memory_space<hbm>>
        tpu.wait_dma2 semaphore(%run_scoped3A : memref<!tpu.dma_semaphore, #tpu.memory_space<semaphore_mem>>) src(%dma_wait3A_95 : memref<512xi32, #tpu.memory_space<hbm>>) dst(%arg6 : memref<512xi32, #tpu.memory_space<vmem>>)
        tpu.yield
      }) : () -> ()
      "tpu.region"() ({
        %run_scoped3A = tpu.sem_alloc : memref<!tpu.dma_semaphore, #tpu.memory_space<semaphore_mem>>
        %dma_start3A_92 = tpu.memref_slice %arg3[%mul3A_18] : memref<204800xi32, #tpu.memory_space<hbm>> -> memref<512xi32, #tpu.memory_space<hbm>>
        %dma_start3A_93 = tpu.memref_slice %arg3[%mul3A_18] : memref<204800xi32, #tpu.memory_space<hbm>> -> memref<512xi32, #tpu.memory_space<hbm>>
        tpu.enqueue_dma source(%dma_start3A_93 : memref<512xi32, #tpu.memory_space<hbm>>) target(%arg7 : memref<512xi32, #tpu.memory_space<vmem>>) target_semaphore(%run_scoped3A : memref<!tpu.dma_semaphore, #tpu.memory_space<semaphore_mem>>)
        %dma_wait3A_94 = tpu.memref_slice %arg3[%mul3A_18] : memref<204800xi32, #tpu.memory_space<hbm>> -> memref<512xi32, #tpu.memory_space<hbm>>
        %dma_wait3A_95 = tpu.memref_slice %arg3[%mul3A_18] : memref<204800xi32, #tpu.memory_space<hbm>> -> memref<512xi32, #tpu.memory_space<hbm>>
        tpu.wait_dma2 semaphore(%run_scoped3A : memref<!tpu.dma_semaphore, #tpu.memory_space<semaphore_mem>>) src(%dma_wait3A_95 : memref<512xi32, #tpu.memory_space<hbm>>) dst(%arg7 : memref<512xi32, #tpu.memory_space<vmem>>)
        tpu.yield
      }) : () -> ()
      %while3A_19 = arith.constant 0 : i32
      %while3A_20 = arith.constant 0 : i32
      %while3A_21 = arith.constant 32 : i32
      %while3A_22 = arith.subi %while3A_21, %while3A_20 : i32
      %while3A_23 = arith.addi %while3A_20, %while3A_22 : i32
      %while3A_24 = arith.constant 1 : i32
      %while3A_25 = arith.divsi %while3A_22, %while3A_24 : i32
      %while3A_26 = arith.muli %while3A_25, %while3A_24 : i32
      %while3A_27 = arith.addi %while3A_20, %while3A_26 : i32
      %while3A_28 = arith.constant 1 : i32
      scf.for %while3A_92 = %while3A_20 to %while3A_27 step %while3A_28  : i32 {
        %mul3A_93 = arith.constant 16 : i32
        %mul3A_94 = arith.muli %while3A_92, %mul3A_93 : i32
        %get3A = arith.index_cast %mul3A_94 : i32 to index
        %get3A_95 = tpu.vector_load %arg6[%get3A] {strides = array<i32>} : memref<512xi32, #tpu.memory_space<vmem>>, vector<16xi32>,
        %get3A_96 = arith.index_cast %mul3A_94 : i32 to index
        %get3A_97 = tpu.vector_load %arg7[%get3A_96] {strides = array<i32>} : memref<512xi32, #tpu.memory_space<vmem>>, vector<16xi32>,
        %shift_right_logical3A = arith.constant 10 : i32
        %shift_right_logical3A_98 = vector.broadcast %shift_right_logical3A : i32 to vector<16xi32>
        %shift_right_logical3A_99 = arith.shrui %get3A_97, %shift_right_logical3A_98 : vector<16xi32>
        %and3A = arith.constant 1023 : i32
        %and3A_100 = vector.broadcast %and3A : i32 to vector<16xi32>
        %and3A_101 = arith.andi %get3A_97, %and3A_100 : vector<16xi32>
        %mul3A_102 = arith.constant 935232 : i32
        %mul3A_103 = vector.broadcast %mul3A_102 : i32 to vector<16xi32>
        %mul3A_104 = arith.muli %shift_right_logical3A_99, %mul3A_103 : vector<16xi32>
        %mul3A_105 = arith.constant 97593 : i32
        %mul3A_106 = vector.broadcast %mul3A_105 : i32 to vector<16xi32>
        %mul3A_107 = arith.muli %and3A_101, %mul3A_106 : vector<16xi32>
        %add3A_108 = arith.addi %mul3A_104, %mul3A_107 : vector<16xi32>
        %add3A_109 = arith.addi %add3A_108, %get3A_95 : vector<16xi32>
        %jit3A = arith.constant 1000000 : i64
        %convert_element_type3A_110 = arith.trunci %jit3A : i64 to i32
        %eq3A = arith.constant 0 : i32
        %eq3A_111 = arith.cmpi eq, %convert_element_type3A_110, %eq3A : i32
        %jit3A_112 = arith.constant 1 : i32
        %select_n3A = arith.select %eq3A_111, %jit3A_112, %convert_element_type3A_110 : i32
        %rem3A = vector.broadcast %select_n3A : i32 to vector<16xi32>
        %rem3A_113 = arith.remsi %add3A_109, %rem3A : vector<16xi32>
        %ne3A = arith.constant 0 : i32
        %ne3A_114 = vector.broadcast %ne3A : i32 to vector<16xi32>
        %ne3A_115 = arith.cmpi ne, %rem3A_113, %ne3A_114 : vector<16xi32>
        %lt3A_116 = arith.constant 0 : i32
        %lt3A_117 = vector.broadcast %lt3A_116 : i32 to vector<16xi32>
        %lt3A_118 = arith.cmpi slt, %rem3A_113, %lt3A_117 : vector<16xi32>
        %lt3A_119 = arith.constant 0 : i32
        %lt3A_120 = arith.cmpi slt, %select_n3A, %lt3A_119 : i32
        %ne3A_121 = vector.broadcast %lt3A_120 : i1 to vector<16xi1>
        %ne3A_122 = vector.broadcast %ne3A_121 : vector<16xi1> to vector<16xi1>
        %ne3A_123 = arith.xori %lt3A_118, %ne3A_122 : vector<16xi1>
        %and3A_124 = arith.andi %ne3A_123, %ne3A_115 : vector<16xi1>
        %add3A_125 = vector.broadcast %select_n3A : i32 to vector<16xi32>
        %add3A_126 = arith.addi %rem3A_113, %add3A_125 : vector<16xi32>
        %select_n3A_127 = arith.select %and3A_124, %add3A_126, %rem3A_113 : vector<16xi1>, vector<16xi32>
        %and3A_128 = arith.constant 262143 : i32
        %and3A_129 = vector.broadcast %and3A_128 : i32 to vector<16xi32>
        %and3A_130 = arith.andi %select_n3A_127, %and3A_129 : vector<16xi32>
        %shift_right_logical3A_131 = arith.constant 18 : i32
        %shift_right_logical3A_132 = vector.broadcast %shift_right_logical3A_131 : i32 to vector<16xi32>
        %shift_right_logical3A_133 = arith.shrui %select_n3A_127, %shift_right_logical3A_132 : vector<16xi32>
        %shift_left3A = arith.constant 2 : i32
        %shift_left3A_134 = vector.broadcast %shift_left3A : i32 to vector<16xi32>
        %shift_left3A_135 = arith.shli %and3A_130, %shift_left3A_134 : vector<16xi32>
        %or3A = arith.ori %shift_left3A_135, %shift_right_logical3A_133 : vector<16xi32>
        %and3A_136 = arith.constant 7 : i32
        %and3A_137 = arith.andi %while3A_92, %and3A_136 : i32
        %shift_left3A_138 = arith.constant 4 : i32
        %shift_left3A_139 = arith.shli %and3A_137, %shift_left3A_138 : i32
        %shift_right_logical3A_140 = arith.constant 3 : i32
        %shift_right_logical3A_141 = arith.shrui %while3A_92, %shift_right_logical3A_140 : i32
        %iota3A = tpu.iota {dimensions = array<i32: 0>} : vector<16xi32>
        %add3A_142 = vector.broadcast %shift_left3A_139 : i32 to vector<16xi32>
        %add3A_143 = arith.addi %add3A_142, %iota3A : vector<16xi32>
        %mul3A_144 = arith.constant 4 : i32
        %mul3A_145 = vector.broadcast %mul3A_144 : i32 to vector<16xi32>
        %mul3A_146 = arith.muli %add3A_143, %mul3A_145 : vector<16xi32>
        %add3A_147 = vector.broadcast %shift_right_logical3A_141 : i32 to vector<16xi32>
        %add3A_148 = arith.addi %mul3A_146, %add3A_147 : vector<16xi32>
        tpu.vector_store_idx %arg8[%add3A_148], %or3A : memref<512xi32, #tpu.memory_space<vmem>>[vector<16xi32>], vector<16xi32>,
      }
      %while3A_29 = arith.constant 1 : i32
      scf.for %while3A_92 = %while3A_27 to %while3A_23 step %while3A_29  : i32 {
        %mul3A_93 = arith.constant 16 : i32
        %mul3A_94 = arith.muli %while3A_92, %mul3A_93 : i32
        %get3A = arith.index_cast %mul3A_94 : i32 to index
        %get3A_95 = tpu.vector_load %arg6[%get3A] {strides = array<i32>} : memref<512xi32, #tpu.memory_space<vmem>>, vector<16xi32>,
        %get3A_96 = arith.index_cast %mul3A_94 : i32 to index
        %get3A_97 = tpu.vector_load %arg7[%get3A_96] {strides = array<i32>} : memref<512xi32, #tpu.memory_space<vmem>>, vector<16xi32>,
        %shift_right_logical3A = arith.constant 10 : i32
        %shift_right_logical3A_98 = vector.broadcast %shift_right_logical3A : i32 to vector<16xi32>
        %shift_right_logical3A_99 = arith.shrui %get3A_97, %shift_right_logical3A_98 : vector<16xi32>
        %and3A = arith.constant 1023 : i32
        %and3A_100 = vector.broadcast %and3A : i32 to vector<16xi32>
        %and3A_101 = arith.andi %get3A_97, %and3A_100 : vector<16xi32>
        %mul3A_102 = arith.constant 935232 : i32
        %mul3A_103 = vector.broadcast %mul3A_102 : i32 to vector<16xi32>
        %mul3A_104 = arith.muli %shift_right_logical3A_99, %mul3A_103 : vector<16xi32>
        %mul3A_105 = arith.constant 97593 : i32
        %mul3A_106 = vector.broadcast %mul3A_105 : i32 to vector<16xi32>
        %mul3A_107 = arith.muli %and3A_101, %mul3A_106 : vector<16xi32>
        %add3A_108 = arith.addi %mul3A_104, %mul3A_107 : vector<16xi32>
        %add3A_109 = arith.addi %add3A_108, %get3A_95 : vector<16xi32>
        %jit3A = arith.constant 1000000 : i64
        %convert_element_type3A_110 = arith.trunci %jit3A : i64 to i32
        %eq3A = arith.constant 0 : i32
        %eq3A_111 = arith.cmpi eq, %convert_element_type3A_110, %eq3A : i32
        %jit3A_112 = arith.constant 1 : i32
        %select_n3A = arith.select %eq3A_111, %jit3A_112, %convert_element_type3A_110 : i32
        %rem3A = vector.broadcast %select_n3A : i32 to vector<16xi32>
        %rem3A_113 = arith.remsi %add3A_109, %rem3A : vector<16xi32>
        %ne3A = arith.constant 0 : i32
        %ne3A_114 = vector.broadcast %ne3A : i32 to vector<16xi32>
        %ne3A_115 = arith.cmpi ne, %rem3A_113, %ne3A_114 : vector<16xi32>
        %lt3A_116 = arith.constant 0 : i32
        %lt3A_117 = vector.broadcast %lt3A_116 : i32 to vector<16xi32>
        %lt3A_118 = arith.cmpi slt, %rem3A_113, %lt3A_117 : vector<16xi32>
        %lt3A_119 = arith.constant 0 : i32
        %lt3A_120 = arith.cmpi slt, %select_n3A, %lt3A_119 : i32
        %ne3A_121 = vector.broadcast %lt3A_120 : i1 to vector<16xi1>
        %ne3A_122 = vector.broadcast %ne3A_121 : vector<16xi1> to vector<16xi1>
        %ne3A_123 = arith.xori %lt3A_118, %ne3A_122 : vector<16xi1>
        %and3A_124 = arith.andi %ne3A_123, %ne3A_115 : vector<16xi1>
        %add3A_125 = vector.broadcast %select_n3A : i32 to vector<16xi32>
        %add3A_126 = arith.addi %rem3A_113, %add3A_125 : vector<16xi32>
        %select_n3A_127 = arith.select %and3A_124, %add3A_126, %rem3A_113 : vector<16xi1>, vector<16xi32>
        %and3A_128 = arith.constant 262143 : i32
        %and3A_129 = vector.broadcast %and3A_128 : i32 to vector<16xi32>
        %and3A_130 = arith.andi %select_n3A_127, %and3A_129 : vector<16xi32>
        %shift_right_logical3A_131 = arith.constant 18 : i32
        %shift_right_logical3A_132 = vector.broadcast %shift_right_logical3A_131 : i32 to vector<16xi32>
        %shift_right_logical3A_133 = arith.shrui %select_n3A_127, %shift_right_logical3A_132 : vector<16xi32>
        %shift_left3A = arith.constant 2 : i32
        %shift_left3A_134 = vector.broadcast %shift_left3A : i32 to vector<16xi32>
        %shift_left3A_135 = arith.shli %and3A_130, %shift_left3A_134 : vector<16xi32>
        %or3A = arith.ori %shift_left3A_135, %shift_right_logical3A_133 : vector<16xi32>
        %and3A_136 = arith.constant 7 : i32
        %and3A_137 = arith.andi %while3A_92, %and3A_136 : i32
        %shift_left3A_138 = arith.constant 4 : i32
        %shift_left3A_139 = arith.shli %and3A_137, %shift_left3A_138 : i32
        %shift_right_logical3A_140 = arith.constant 3 : i32
        %shift_right_logical3A_141 = arith.shrui %while3A_92, %shift_right_logical3A_140 : i32
        %iota3A = tpu.iota {dimensions = array<i32: 0>} : vector<16xi32>
        %add3A_142 = vector.broadcast %shift_left3A_139 : i32 to vector<16xi32>
        %add3A_143 = arith.addi %add3A_142, %iota3A : vector<16xi32>
        %mul3A_144 = arith.constant 4 : i32
        %mul3A_145 = vector.broadcast %mul3A_144 : i32 to vector<16xi32>
        %mul3A_146 = arith.muli %add3A_143, %mul3A_145 : vector<16xi32>
        %add3A_147 = vector.broadcast %shift_right_logical3A_141 : i32 to vector<16xi32>
        %add3A_148 = arith.addi %mul3A_146, %add3A_147 : vector<16xi32>
        tpu.vector_store_idx %arg8[%add3A_148], %or3A : memref<512xi32, #tpu.memory_space<vmem>>[vector<16xi32>], vector<16xi32>,
      }
      %dma_start3A = arith.constant 0 : i32
      %dma_start3A_30 = arith.constant 0 : i32
      %dma_start3A_31 = arith.constant 0 : i32
      %dma_start3A_32 = tpu.memref_slice %arg9[%dma_start3A_30, %dma_start3A_31] : memref<512x32xf32, #tpu.memory_space<vmem>> -> memref<128x32xf32, #tpu.memory_space<vmem>>
      %dma_start3A_33 = tpu.memref_slice %arg8[%dma_start3A] : memref<512xi32, #tpu.memory_space<vmem>> -> memref<128xi32, #tpu.memory_space<vmem>>
      %dma_start3A_34 = arith.constant 0 : i32
      %dma_start3A_35 = arith.constant 0 : i32
      %dma_start3A_36 = tpu.memref_slice %arg4[%dma_start3A_34, %dma_start3A_35] : memref<1048576x32xf32, #tpu.memory_space<hbm>> -> memref<1048576x32xf32, #tpu.memory_space<hbm>>
      tpu.enqueue_indirect_dma source(%dma_start3A_36 : memref<1048576x32xf32, #tpu.memory_space<hbm>>) target(%dma_start3A_32 : memref<128x32xf32, #tpu.memory_space<vmem>>) offsets(%dma_start3A_33 : memref<128xi32, #tpu.memory_space<vmem>>) semaphore(%arg10 : memref<!tpu.dma_semaphore, #tpu.memory_space<semaphore_mem>>)
      %dma_start3A_37 = arith.constant 128 : i32
      %dma_start3A_38 = arith.constant 128 : i32
      %dma_start3A_39 = arith.constant 0 : i32
      %dma_start3A_40 = tpu.memref_slice %arg9[%dma_start3A_38, %dma_start3A_39] : memref<512x32xf32, #tpu.memory_space<vmem>> -> memref<128x32xf32, #tpu.memory_space<vmem>>
      %dma_start3A_41 = tpu.memref_slice %arg8[%dma_start3A_37] : memref<512xi32, #tpu.memory_space<vmem>> -> memref<128xi32, #tpu.memory_space<vmem>>
      %dma_start3A_42 = arith.constant 0 : i32
      %dma_start3A_43 = arith.constant 0 : i32
      %dma_start3A_44 = tpu.memref_slice %arg4[%dma_start3A_42, %dma_start3A_43] : memref<1048576x32xf32, #tpu.memory_space<hbm>> -> memref<1048576x32xf32, #tpu.memory_space<hbm>>
      tpu.enqueue_indirect_dma source(%dma_start3A_44 : memref<1048576x32xf32, #tpu.memory_space<hbm>>) target(%dma_start3A_40 : memref<128x32xf32, #tpu.memory_space<vmem>>) offsets(%dma_start3A_41 : memref<128xi32, #tpu.memory_space<vmem>>) semaphore(%arg10 : memref<!tpu.dma_semaphore, #tpu.memory_space<semaphore_mem>>)
      %dma_start3A_45 = arith.constant 256 : i32
      %dma_start3A_46 = arith.constant 256 : i32
      %dma_start3A_47 = arith.constant 0 : i32
      %dma_start3A_48 = tpu.memref_slice %arg9[%dma_start3A_46, %dma_start3A_47] : memref<512x32xf32, #tpu.memory_space<vmem>> -> memref<128x32xf32, #tpu.memory_space<vmem>>
      %dma_start3A_49 = tpu.memref_slice %arg8[%dma_start3A_45] : memref<512xi32, #tpu.memory_space<vmem>> -> memref<128xi32, #tpu.memory_space<vmem>>
      %dma_start3A_50 = arith.constant 0 : i32
      %dma_start3A_51 = arith.constant 0 : i32
      %dma_start3A_52 = tpu.memref_slice %arg4[%dma_start3A_50, %dma_start3A_51] : memref<1048576x32xf32, #tpu.memory_space<hbm>> -> memref<1048576x32xf32, #tpu.memory_space<hbm>>
      tpu.enqueue_indirect_dma source(%dma_start3A_52 : memref<1048576x32xf32, #tpu.memory_space<hbm>>) target(%dma_start3A_48 : memref<128x32xf32, #tpu.memory_space<vmem>>) offsets(%dma_start3A_49 : memref<128xi32, #tpu.memory_space<vmem>>) semaphore(%arg10 : memref<!tpu.dma_semaphore, #tpu.memory_space<semaphore_mem>>)
      %dma_start3A_53 = arith.constant 384 : i32
      %dma_start3A_54 = arith.constant 384 : i32
      %dma_start3A_55 = arith.constant 0 : i32
      %dma_start3A_56 = tpu.memref_slice %arg9[%dma_start3A_54, %dma_start3A_55] : memref<512x32xf32, #tpu.memory_space<vmem>> -> memref<128x32xf32, #tpu.memory_space<vmem>>
      %dma_start3A_57 = tpu.memref_slice %arg8[%dma_start3A_53] : memref<512xi32, #tpu.memory_space<vmem>> -> memref<128xi32, #tpu.memory_space<vmem>>
      %dma_start3A_58 = arith.constant 0 : i32
      %dma_start3A_59 = arith.constant 0 : i32
      %dma_start3A_60 = tpu.memref_slice %arg4[%dma_start3A_58, %dma_start3A_59] : memref<1048576x32xf32, #tpu.memory_space<hbm>> -> memref<1048576x32xf32, #tpu.memory_space<hbm>>
      tpu.enqueue_indirect_dma source(%dma_start3A_60 : memref<1048576x32xf32, #tpu.memory_space<hbm>>) target(%dma_start3A_56 : memref<128x32xf32, #tpu.memory_space<vmem>>) offsets(%dma_start3A_57 : memref<128xi32, #tpu.memory_space<vmem>>) semaphore(%arg10 : memref<!tpu.dma_semaphore, #tpu.memory_space<semaphore_mem>>)
      %dma_wait3A = arith.constant 0 : i32
      %dma_wait3A_61 = arith.constant 0 : i32
      %dma_wait3A_62 = arith.constant 0 : i32
      %dma_wait3A_63 = tpu.memref_slice %arg9[%dma_wait3A_61, %dma_wait3A_62] : memref<512x32xf32, #tpu.memory_space<vmem>> -> memref<128x32xf32, #tpu.memory_space<vmem>>
      %dma_wait3A_64 = tpu.memref_slice %arg8[%dma_wait3A] : memref<512xi32, #tpu.memory_space<vmem>> -> memref<128xi32, #tpu.memory_space<vmem>>
      %dma_wait3A_65 = arith.constant 0 : i32
      %dma_wait3A_66 = arith.constant 0 : i32
      %dma_wait3A_67 = tpu.memref_slice %arg4[%dma_wait3A_65, %dma_wait3A_66] : memref<1048576x32xf32, #tpu.memory_space<hbm>> -> memref<1048576x32xf32, #tpu.memory_space<hbm>>
      tpu.wait_indirect_dma semaphore(%arg10 : memref<!tpu.dma_semaphore, #tpu.memory_space<semaphore_mem>>) src(%dma_wait3A_67 : memref<1048576x32xf32, #tpu.memory_space<hbm>>) dst(%dma_wait3A_63 : memref<128x32xf32, #tpu.memory_space<vmem>>)
      %dma_wait3A_68 = arith.constant 128 : i32
      %dma_wait3A_69 = arith.constant 128 : i32
      %dma_wait3A_70 = arith.constant 0 : i32
      %dma_wait3A_71 = tpu.memref_slice %arg9[%dma_wait3A_69, %dma_wait3A_70] : memref<512x32xf32, #tpu.memory_space<vmem>> -> memref<128x32xf32, #tpu.memory_space<vmem>>
      %dma_wait3A_72 = tpu.memref_slice %arg8[%dma_wait3A_68] : memref<512xi32, #tpu.memory_space<vmem>> -> memref<128xi32, #tpu.memory_space<vmem>>
      %dma_wait3A_73 = arith.constant 0 : i32
      %dma_wait3A_74 = arith.constant 0 : i32
      %dma_wait3A_75 = tpu.memref_slice %arg4[%dma_wait3A_73, %dma_wait3A_74] : memref<1048576x32xf32, #tpu.memory_space<hbm>> -> memref<1048576x32xf32, #tpu.memory_space<hbm>>
      tpu.wait_indirect_dma semaphore(%arg10 : memref<!tpu.dma_semaphore, #tpu.memory_space<semaphore_mem>>) src(%dma_wait3A_75 : memref<1048576x32xf32, #tpu.memory_space<hbm>>) dst(%dma_wait3A_71 : memref<128x32xf32, #tpu.memory_space<vmem>>)
      %dma_wait3A_76 = arith.constant 256 : i32
      %dma_wait3A_77 = arith.constant 256 : i32
      %dma_wait3A_78 = arith.constant 0 : i32
      %dma_wait3A_79 = tpu.memref_slice %arg9[%dma_wait3A_77, %dma_wait3A_78] : memref<512x32xf32, #tpu.memory_space<vmem>> -> memref<128x32xf32, #tpu.memory_space<vmem>>
      %dma_wait3A_80 = tpu.memref_slice %arg8[%dma_wait3A_76] : memref<512xi32, #tpu.memory_space<vmem>> -> memref<128xi32, #tpu.memory_space<vmem>>
      %dma_wait3A_81 = arith.constant 0 : i32
      %dma_wait3A_82 = arith.constant 0 : i32
      %dma_wait3A_83 = tpu.memref_slice %arg4[%dma_wait3A_81, %dma_wait3A_82] : memref<1048576x32xf32, #tpu.memory_space<hbm>> -> memref<1048576x32xf32, #tpu.memory_space<hbm>>
      tpu.wait_indirect_dma semaphore(%arg10 : memref<!tpu.dma_semaphore, #tpu.memory_space<semaphore_mem>>) src(%dma_wait3A_83 : memref<1048576x32xf32, #tpu.memory_space<hbm>>) dst(%dma_wait3A_79 : memref<128x32xf32, #tpu.memory_space<vmem>>)
      %dma_wait3A_84 = arith.constant 384 : i32
      %dma_wait3A_85 = arith.constant 384 : i32
      %dma_wait3A_86 = arith.constant 0 : i32
      %dma_wait3A_87 = tpu.memref_slice %arg9[%dma_wait3A_85, %dma_wait3A_86] : memref<512x32xf32, #tpu.memory_space<vmem>> -> memref<128x32xf32, #tpu.memory_space<vmem>>
      %dma_wait3A_88 = tpu.memref_slice %arg8[%dma_wait3A_84] : memref<512xi32, #tpu.memory_space<vmem>> -> memref<128xi32, #tpu.memory_space<vmem>>
      %dma_wait3A_89 = arith.constant 0 : i32
      %dma_wait3A_90 = arith.constant 0 : i32
      %dma_wait3A_91 = tpu.memref_slice %arg4[%dma_wait3A_89, %dma_wait3A_90] : memref<1048576x32xf32, #tpu.memory_space<hbm>> -> memref<1048576x32xf32, #tpu.memory_space<hbm>>
      tpu.wait_indirect_dma semaphore(%arg10 : memref<!tpu.dma_semaphore, #tpu.memory_space<semaphore_mem>>) src(%dma_wait3A_91 : memref<1048576x32xf32, #tpu.memory_space<hbm>>) dst(%dma_wait3A_87 : memref<128x32xf32, #tpu.memory_space<vmem>>)
      "tpu.region"() ({
        %run_scoped3A = tpu.sem_alloc : memref<!tpu.dma_semaphore, #tpu.memory_space<semaphore_mem>>
        %dma_start3A_92 = arith.constant 0 : i32
        %dma_start3A_93 = tpu.memref_slice %arg5[%mul3A_18, %dma_start3A_92] : memref<204800x32xf32, #tpu.memory_space<hbm>> -> memref<512x32xf32, #tpu.memory_space<hbm>>
        %dma_start3A_94 = arith.constant 0 : i32
        %dma_start3A_95 = tpu.memref_slice %arg5[%mul3A_18, %dma_start3A_94] : memref<204800x32xf32, #tpu.memory_space<hbm>> -> memref<512x32xf32, #tpu.memory_space<hbm>>
        tpu.enqueue_dma source(%arg9 : memref<512x32xf32, #tpu.memory_space<vmem>>) target(%dma_start3A_95 : memref<512x32xf32, #tpu.memory_space<hbm>>) target_semaphore(%run_scoped3A : memref<!tpu.dma_semaphore, #tpu.memory_space<semaphore_mem>>)
        %dma_wait3A_96 = arith.constant 0 : i32
        %dma_wait3A_97 = tpu.memref_slice %arg5[%mul3A_18, %dma_wait3A_96] : memref<204800x32xf32, #tpu.memory_space<hbm>> -> memref<512x32xf32, #tpu.memory_space<hbm>>
        %dma_wait3A_98 = arith.constant 0 : i32
        %dma_wait3A_99 = tpu.memref_slice %arg5[%mul3A_18, %dma_wait3A_98] : memref<204800x32xf32, #tpu.memory_space<hbm>> -> memref<512x32xf32, #tpu.memory_space<hbm>>
        tpu.wait_dma2 semaphore(%run_scoped3A : memref<!tpu.dma_semaphore, #tpu.memory_space<semaphore_mem>>) src(%arg9 : memref<512x32xf32, #tpu.memory_space<vmem>>) dst(%dma_wait3A_99 : memref<512x32xf32, #tpu.memory_space<hbm>>)
        tpu.yield
      }) : () -> ()
    }
    return
  }
}

#map = affine_map<(d0, d1) -> (0)>
#map1 = affine_map<(d0, d1) -> (0, 0)>
module attributes {stable_mosaic.version = 14 : i64} {
  func.func @k(%arg0: i32, %arg1: i32, %arg2: memref<204800xi32, #tpu.memory_space<hbm>>, %arg3: memref<204800xi32, #tpu.memory_space<hbm>>, %arg4: memref<1048576x32xf32, #tpu.memory_space<hbm>>, %arg5: memref<204800x32xf32, #tpu.memory_space<hbm>>, %arg6: memref<512xi32, #tpu.memory_space<vmem>>, %arg7: memref<512xi32, #tpu.memory_space<vmem>>, %arg8: memref<512xi32, #tpu.memory_space<vmem>>, %arg9: memref<512x32xf32, #tpu.memory_space<vmem>>, %arg10: memref<!tpu.dma_semaphore, #tpu.memory_space<semaphore_mem>>) attributes {dimension_semantics = [#tpu.dimension_semantics<core_parallel>, #tpu.dimension_semantics<subcore_parallel>], iteration_bounds = array<i64: 2, 16>, scalar_prefetch = 0 : i64, scratch_operands = 5 : i64, tpu.core_type = #tpu.core_type<sc_vector_subcore>, window_params = [{transform_indices = #map}, {transform_indices = #map}, {transform_indices = #map1}, {transform_indices = #map1}]} {
    %mul3A = arith.constant 2 : i32
    %mul3A_0 = arith.muli %arg1, %mul3A : i32
    %add3A = arith.addi %mul3A_0, %arg0 : i32
    %lt3A = arith.constant 16 : i32
    %lt3A_1 = arith.cmpi slt, %add3A, %lt3A : i32
    %convert_element_type3A = arith.extui %lt3A_1 : i1 to i32
    %add3A_2 = arith.constant 12 : i32
    %add3A_3 = arith.addi %add3A_2, %convert_element_type3A : i32
    %while3A = arith.constant 0 : i32
    %while3A_4 = arith.constant 0 : i32
    %while3A_5 = arith.subi %add3A_3, %while3A_4 : i32
    %while3A_6 = arith.addi %while3A_4, %while3A_5 : i32
    %while3A_7 = arith.constant 1 : i32
    %while3A_8 = arith.divsi %while3A_5, %while3A_7 : i32
    %while3A_9 = arith.muli %while3A_8, %while3A_7 : i32
    %while3A_10 = arith.addi %while3A_4, %while3A_9 : i32
    %while3A_11 = arith.constant 1 : i32
    scf.for %while3A_13 = %while3A_4 to %while3A_10 step %while3A_11  : i32 {
      %mul3A_14 = arith.constant 32 : i32
      %mul3A_15 = arith.muli %while3A_13, %mul3A_14 : i32
      %add3A_16 = arith.addi %mul3A_15, %add3A : i32
      %mul3A_17 = arith.constant 512 : i32
      %mul3A_18 = arith.muli %add3A_16, %mul3A_17 : i32
      "tpu.region"() ({
        %run_scoped3A = tpu.sem_alloc : memref<!tpu.dma_semaphore, #tpu.memory_space<semaphore_mem>>
        %dma_start3A_92 = tpu.memref_slice %arg2[%mul3A_18] : memref<204800xi32, #tpu.memory_space<hbm>> -> memref<512xi32, #tpu.memory_space<hbm>>
        %dma_start3A_93 = tpu.memref_slice %arg2[%mul3A_18] : memref<204800xi32, #tpu.memory_space<hbm>> -> memref<512xi32, #tpu.memory_space<hbm>>
        tpu.enqueue_dma source(%dma_start3A_93 : memref<512xi32, #tpu.memory_space<hbm>>) target(%arg6 : memref<512xi32, #tpu.memory_space<vmem>>) target_semaphore(%run_scoped3A : memref<!tpu.dma_semaphore, #tpu.memory_space<semaphore_mem>>)
        %dma_wait3A_94 = tpu.memref_slice %arg2[%mul3A_18] : memref<204800xi32, #tpu.memory_space<hbm>> -> memref<512xi32, #tpu.memory_space<hbm>>
        %dma_wait3A_95 = tpu.memref_slice %arg2[%mul3A_18] : memref<204800xi32, #tpu.memory_space<hbm>> -> memref<512xi32, #tpu.memory_space<hbm>>
        tpu.wait_dma2 semaphore(%run_scoped3A : memref<!tpu.dma_semaphore, #tpu.memory_space<semaphore_mem>>) src(%dma_wait3A_95 : memref<512xi32, #tpu.memory_space<hbm>>) dst(%arg6 : memref<512xi32, #tpu.memory_space<vmem>>)
        tpu.yield
      }) : () -> ()
      "tpu.region"() ({
        %run_scoped3A = tpu.sem_alloc : memref<!tpu.dma_semaphore, #tpu.memory_space<semaphore_mem>>
        %dma_start3A_92 = tpu.memref_slice %arg3[%mul3A_18] : memref<204800xi32, #tpu.memory_space<hbm>> -> memref<512xi32, #tpu.memory_space<hbm>>
        %dma_start3A_93 = tpu.memref_slice %arg3[%mul3A_18] : memref<204800xi32, #tpu.memory_space<hbm>> -> memref<512xi32, #tpu.memory_space<hbm>>
        tpu.enqueue_dma source(%dma_start3A_93 : memref<512xi32, #tpu.memory_space<hbm>>) target(%arg7 : memref<512xi32, #tpu.memory_space<vmem>>) target_semaphore(%run_scoped3A : memref<!tpu.dma_semaphore, #tpu.memory_space<semaphore_mem>>)
        %dma_wait3A_94 = tpu.memref_slice %arg3[%mul3A_18] : memref<204800xi32, #tpu.memory_space<hbm>> -> memref<512xi32, #tpu.memory_space<hbm>>
        %dma_wait3A_95 = tpu.memref_slice %arg3[%mul3A_18] : memref<204800xi32, #tpu.memory_space<hbm>> -> memref<512xi32, #tpu.memory_space<hbm>>
        tpu.wait_dma2 semaphore(%run_scoped3A : memref<!tpu.dma_semaphore, #tpu.memory_space<semaphore_mem>>) src(%dma_wait3A_95 : memref<512xi32, #tpu.memory_space<hbm>>) dst(%arg7 : memref<512xi32, #tpu.memory_space<vmem>>)
        tpu.yield
      }) : () -> ()
      %while3A_19 = arith.constant 0 : i32
      %while3A_20 = arith.constant 0 : i32
      %while3A_21 = arith.constant 32 : i32
      %while3A_22 = arith.subi %while3A_21, %while3A_20 : i32
      %while3A_23 = arith.addi %while3A_20, %while3A_22 : i32
      %while3A_24 = arith.constant 1 : i32
      %while3A_25 = arith.divsi %while3A_22, %while3A_24 : i32
      %while3A_26 = arith.muli %while3A_25, %while3A_24 : i32
      %while3A_27 = arith.addi %while3A_20, %while3A_26 : i32
      %while3A_28 = arith.constant 1 : i32
      scf.for %while3A_92 = %while3A_20 to %while3A_27 step %while3A_28  : i32 {
        %mul3A_93 = arith.constant 16 : i32
        %mul3A_94 = arith.muli %while3A_92, %mul3A_93 : i32
        %get3A = arith.index_cast %mul3A_94 : i32 to index
        %get3A_95 = tpu.vector_load %arg6[%get3A] {strides = array<i32>} : memref<512xi32, #tpu.memory_space<vmem>>, vector<16xi32>,
        %get3A_96 = arith.index_cast %mul3A_94 : i32 to index
        %get3A_97 = tpu.vector_load %arg7[%get3A_96] {strides = array<i32>} : memref<512xi32, #tpu.memory_space<vmem>>, vector<16xi32>,
        %shift_right_logical3A = arith.constant 10 : i32
        %shift_right_logical3A_98 = vector.broadcast %shift_right_logical3A : i32 to vector<16xi32>
        %shift_right_logical3A_99 = arith.shrui %get3A_97, %shift_right_logical3A_98 : vector<16xi32>
        %and3A = arith.constant 1023 : i32
        %and3A_100 = vector.broadcast %and3A : i32 to vector<16xi32>
        %and3A_101 = arith.andi %get3A_97, %and3A_100 : vector<16xi32>
        %mul3A_102 = arith.constant 387584 : i32
        %mul3A_103 = vector.broadcast %mul3A_102 : i32 to vector<16xi32>
        %mul3A_104 = arith.muli %shift_right_logical3A_99, %mul3A_103 : vector<16xi32>
        %mul3A_105 = arith.constant 8191 : i32
        %mul3A_106 = vector.broadcast %mul3A_105 : i32 to vector<16xi32>
        %mul3A_107 = arith.muli %and3A_101, %mul3A_106 : vector<16xi32>
        %add3A_108 = arith.addi %mul3A_104, %mul3A_107 : vector<16xi32>
        %add3A_109 = arith.addi %add3A_108, %get3A_95 : vector<16xi32>
        %jit3A = arith.constant 1000000 : i64
        %convert_element_type3A_110 = arith.trunci %jit3A : i64 to i32
        %eq3A = arith.constant 0 : i32
        %eq3A_111 = arith.cmpi eq, %convert_element_type3A_110, %eq3A : i32
        %jit3A_112 = arith.constant 1 : i32
        %select_n3A = arith.select %eq3A_111, %jit3A_112, %convert_element_type3A_110 : i32
        %rem3A = vector.broadcast %select_n3A : i32 to vector<16xi32>
        %rem3A_113 = arith.remsi %add3A_109, %rem3A : vector<16xi32>
        %ne3A = arith.constant 0 : i32
        %ne3A_114 = vector.broadcast %ne3A : i32 to vector<16xi32>
        %ne3A_115 = arith.cmpi ne, %rem3A_113, %ne3A_114 : vector<16xi32>
        %lt3A_116 = arith.constant 0 : i32
        %lt3A_117 = vector.broadcast %lt3A_116 : i32 to vector<16xi32>
        %lt3A_118 = arith.cmpi slt, %rem3A_113, %lt3A_117 : vector<16xi32>
        %lt3A_119 = arith.constant 0 : i32
        %lt3A_120 = arith.cmpi slt, %select_n3A, %lt3A_119 : i32
        %ne3A_121 = vector.broadcast %lt3A_120 : i1 to vector<16xi1>
        %ne3A_122 = vector.broadcast %ne3A_121 : vector<16xi1> to vector<16xi1>
        %ne3A_123 = arith.xori %lt3A_118, %ne3A_122 : vector<16xi1>
        %and3A_124 = arith.andi %ne3A_123, %ne3A_115 : vector<16xi1>
        %add3A_125 = vector.broadcast %select_n3A : i32 to vector<16xi32>
        %add3A_126 = arith.addi %rem3A_113, %add3A_125 : vector<16xi32>
        %select_n3A_127 = arith.select %and3A_124, %add3A_126, %rem3A_113 : vector<16xi1>, vector<16xi32>
        %and3A_128 = arith.constant 262143 : i32
        %and3A_129 = vector.broadcast %and3A_128 : i32 to vector<16xi32>
        %and3A_130 = arith.andi %select_n3A_127, %and3A_129 : vector<16xi32>
        %shift_right_logical3A_131 = arith.constant 18 : i32
        %shift_right_logical3A_132 = vector.broadcast %shift_right_logical3A_131 : i32 to vector<16xi32>
        %shift_right_logical3A_133 = arith.shrui %select_n3A_127, %shift_right_logical3A_132 : vector<16xi32>
        %shift_left3A = arith.constant 2 : i32
        %shift_left3A_134 = vector.broadcast %shift_left3A : i32 to vector<16xi32>
        %shift_left3A_135 = arith.shli %and3A_130, %shift_left3A_134 : vector<16xi32>
        %or3A = arith.ori %shift_left3A_135, %shift_right_logical3A_133 : vector<16xi32>
        %and3A_136 = arith.constant 7 : i32
        %and3A_137 = arith.andi %while3A_92, %and3A_136 : i32
        %shift_left3A_138 = arith.constant 4 : i32
        %shift_left3A_139 = arith.shli %and3A_137, %shift_left3A_138 : i32
        %shift_right_logical3A_140 = arith.constant 3 : i32
        %shift_right_logical3A_141 = arith.shrui %while3A_92, %shift_right_logical3A_140 : i32
        %iota3A = tpu.iota {dimensions = array<i32: 0>} : vector<16xi32>
        %add3A_142 = vector.broadcast %shift_left3A_139 : i32 to vector<16xi32>
        %add3A_143 = arith.addi %add3A_142, %iota3A : vector<16xi32>
        %mul3A_144 = arith.constant 4 : i32
        %mul3A_145 = vector.broadcast %mul3A_144 : i32 to vector<16xi32>
        %mul3A_146 = arith.muli %add3A_143, %mul3A_145 : vector<16xi32>
        %add3A_147 = vector.broadcast %shift_right_logical3A_141 : i32 to vector<16xi32>
        %add3A_148 = arith.addi %mul3A_146, %add3A_147 : vector<16xi32>
        tpu.vector_store_idx %arg8[%add3A_148], %or3A : memref<512xi32, #tpu.memory_space<vmem>>[vector<16xi32>], vector<16xi32>,
      }
      %while3A_29 = arith.constant 1 : i32
      scf.for %while3A_92 = %while3A_27 to %while3A_23 step %while3A_29  : i32 {
        %mul3A_93 = arith.constant 16 : i32
        %mul3A_94 = arith.muli %while3A_92, %mul3A_93 : i32
        %get3A = arith.index_cast %mul3A_94 : i32 to index
        %get3A_95 = tpu.vector_load %arg6[%get3A] {strides = array<i32>} : memref<512xi32, #tpu.memory_space<vmem>>, vector<16xi32>,
        %get3A_96 = arith.index_cast %mul3A_94 : i32 to index
        %get3A_97 = tpu.vector_load %arg7[%get3A_96] {strides = array<i32>} : memref<512xi32, #tpu.memory_space<vmem>>, vector<16xi32>,
        %shift_right_logical3A = arith.constant 10 : i32
        %shift_right_logical3A_98 = vector.broadcast %shift_right_logical3A : i32 to vector<16xi32>
        %shift_right_logical3A_99 = arith.shrui %get3A_97, %shift_right_logical3A_98 : vector<16xi32>
        %and3A = arith.constant 1023 : i32
        %and3A_100 = vector.broadcast %and3A : i32 to vector<16xi32>
        %and3A_101 = arith.andi %get3A_97, %and3A_100 : vector<16xi32>
        %mul3A_102 = arith.constant 387584 : i32
        %mul3A_103 = vector.broadcast %mul3A_102 : i32 to vector<16xi32>
        %mul3A_104 = arith.muli %shift_right_logical3A_99, %mul3A_103 : vector<16xi32>
        %mul3A_105 = arith.constant 8191 : i32
        %mul3A_106 = vector.broadcast %mul3A_105 : i32 to vector<16xi32>
        %mul3A_107 = arith.muli %and3A_101, %mul3A_106 : vector<16xi32>
        %add3A_108 = arith.addi %mul3A_104, %mul3A_107 : vector<16xi32>
        %add3A_109 = arith.addi %add3A_108, %get3A_95 : vector<16xi32>
        %jit3A = arith.constant 1000000 : i64
        %convert_element_type3A_110 = arith.trunci %jit3A : i64 to i32
        %eq3A = arith.constant 0 : i32
        %eq3A_111 = arith.cmpi eq, %convert_element_type3A_110, %eq3A : i32
        %jit3A_112 = arith.constant 1 : i32
        %select_n3A = arith.select %eq3A_111, %jit3A_112, %convert_element_type3A_110 : i32
        %rem3A = vector.broadcast %select_n3A : i32 to vector<16xi32>
        %rem3A_113 = arith.remsi %add3A_109, %rem3A : vector<16xi32>
        %ne3A = arith.constant 0 : i32
        %ne3A_114 = vector.broadcast %ne3A : i32 to vector<16xi32>
        %ne3A_115 = arith.cmpi ne, %rem3A_113, %ne3A_114 : vector<16xi32>
        %lt3A_116 = arith.constant 0 : i32
        %lt3A_117 = vector.broadcast %lt3A_116 : i32 to vector<16xi32>
        %lt3A_118 = arith.cmpi slt, %rem3A_113, %lt3A_117 : vector<16xi32>
        %lt3A_119 = arith.constant 0 : i32
        %lt3A_120 = arith.cmpi slt, %select_n3A, %lt3A_119 : i32
        %ne3A_121 = vector.broadcast %lt3A_120 : i1 to vector<16xi1>
        %ne3A_122 = vector.broadcast %ne3A_121 : vector<16xi1> to vector<16xi1>
        %ne3A_123 = arith.xori %lt3A_118, %ne3A_122 : vector<16xi1>
        %and3A_124 = arith.andi %ne3A_123, %ne3A_115 : vector<16xi1>
        %add3A_125 = vector.broadcast %select_n3A : i32 to vector<16xi32>
        %add3A_126 = arith.addi %rem3A_113, %add3A_125 : vector<16xi32>
        %select_n3A_127 = arith.select %and3A_124, %add3A_126, %rem3A_113 : vector<16xi1>, vector<16xi32>
        %and3A_128 = arith.constant 262143 : i32
        %and3A_129 = vector.broadcast %and3A_128 : i32 to vector<16xi32>
        %and3A_130 = arith.andi %select_n3A_127, %and3A_129 : vector<16xi32>
        %shift_right_logical3A_131 = arith.constant 18 : i32
        %shift_right_logical3A_132 = vector.broadcast %shift_right_logical3A_131 : i32 to vector<16xi32>
        %shift_right_logical3A_133 = arith.shrui %select_n3A_127, %shift_right_logical3A_132 : vector<16xi32>
        %shift_left3A = arith.constant 2 : i32
        %shift_left3A_134 = vector.broadcast %shift_left3A : i32 to vector<16xi32>
        %shift_left3A_135 = arith.shli %and3A_130, %shift_left3A_134 : vector<16xi32>
        %or3A = arith.ori %shift_left3A_135, %shift_right_logical3A_133 : vector<16xi32>
        %and3A_136 = arith.constant 7 : i32
        %and3A_137 = arith.andi %while3A_92, %and3A_136 : i32
        %shift_left3A_138 = arith.constant 4 : i32
        %shift_left3A_139 = arith.shli %and3A_137, %shift_left3A_138 : i32
        %shift_right_logical3A_140 = arith.constant 3 : i32
        %shift_right_logical3A_141 = arith.shrui %while3A_92, %shift_right_logical3A_140 : i32
        %iota3A = tpu.iota {dimensions = array<i32: 0>} : vector<16xi32>
        %add3A_142 = vector.broadcast %shift_left3A_139 : i32 to vector<16xi32>
        %add3A_143 = arith.addi %add3A_142, %iota3A : vector<16xi32>
        %mul3A_144 = arith.constant 4 : i32
        %mul3A_145 = vector.broadcast %mul3A_144 : i32 to vector<16xi32>
        %mul3A_146 = arith.muli %add3A_143, %mul3A_145 : vector<16xi32>
        %add3A_147 = vector.broadcast %shift_right_logical3A_141 : i32 to vector<16xi32>
        %add3A_148 = arith.addi %mul3A_146, %add3A_147 : vector<16xi32>
        tpu.vector_store_idx %arg8[%add3A_148], %or3A : memref<512xi32, #tpu.memory_space<vmem>>[vector<16xi32>], vector<16xi32>,
      }
      %dma_start3A = arith.constant 0 : i32
      %dma_start3A_30 = arith.constant 0 : i32
      %dma_start3A_31 = arith.constant 0 : i32
      %dma_start3A_32 = tpu.memref_slice %arg9[%dma_start3A_30, %dma_start3A_31] : memref<512x32xf32, #tpu.memory_space<vmem>> -> memref<128x32xf32, #tpu.memory_space<vmem>>
      %dma_start3A_33 = tpu.memref_slice %arg8[%dma_start3A] : memref<512xi32, #tpu.memory_space<vmem>> -> memref<128xi32, #tpu.memory_space<vmem>>
      %dma_start3A_34 = arith.constant 0 : i32
      %dma_start3A_35 = arith.constant 0 : i32
      %dma_start3A_36 = tpu.memref_slice %arg4[%dma_start3A_34, %dma_start3A_35] : memref<1048576x32xf32, #tpu.memory_space<hbm>> -> memref<1048576x32xf32, #tpu.memory_space<hbm>>
      tpu.enqueue_indirect_dma source(%dma_start3A_36 : memref<1048576x32xf32, #tpu.memory_space<hbm>>) target(%dma_start3A_32 : memref<128x32xf32, #tpu.memory_space<vmem>>) offsets(%dma_start3A_33 : memref<128xi32, #tpu.memory_space<vmem>>) semaphore(%arg10 : memref<!tpu.dma_semaphore, #tpu.memory_space<semaphore_mem>>)
      %dma_start3A_37 = arith.constant 128 : i32
      %dma_start3A_38 = arith.constant 128 : i32
      %dma_start3A_39 = arith.constant 0 : i32
      %dma_start3A_40 = tpu.memref_slice %arg9[%dma_start3A_38, %dma_start3A_39] : memref<512x32xf32, #tpu.memory_space<vmem>> -> memref<128x32xf32, #tpu.memory_space<vmem>>
      %dma_start3A_41 = tpu.memref_slice %arg8[%dma_start3A_37] : memref<512xi32, #tpu.memory_space<vmem>> -> memref<128xi32, #tpu.memory_space<vmem>>
      %dma_start3A_42 = arith.constant 0 : i32
      %dma_start3A_43 = arith.constant 0 : i32
      %dma_start3A_44 = tpu.memref_slice %arg4[%dma_start3A_42, %dma_start3A_43] : memref<1048576x32xf32, #tpu.memory_space<hbm>> -> memref<1048576x32xf32, #tpu.memory_space<hbm>>
      tpu.enqueue_indirect_dma source(%dma_start3A_44 : memref<1048576x32xf32, #tpu.memory_space<hbm>>) target(%dma_start3A_40 : memref<128x32xf32, #tpu.memory_space<vmem>>) offsets(%dma_start3A_41 : memref<128xi32, #tpu.memory_space<vmem>>) semaphore(%arg10 : memref<!tpu.dma_semaphore, #tpu.memory_space<semaphore_mem>>)
      %dma_start3A_45 = arith.constant 256 : i32
      %dma_start3A_46 = arith.constant 256 : i32
      %dma_start3A_47 = arith.constant 0 : i32
      %dma_start3A_48 = tpu.memref_slice %arg9[%dma_start3A_46, %dma_start3A_47] : memref<512x32xf32, #tpu.memory_space<vmem>> -> memref<128x32xf32, #tpu.memory_space<vmem>>
      %dma_start3A_49 = tpu.memref_slice %arg8[%dma_start3A_45] : memref<512xi32, #tpu.memory_space<vmem>> -> memref<128xi32, #tpu.memory_space<vmem>>
      %dma_start3A_50 = arith.constant 0 : i32
      %dma_start3A_51 = arith.constant 0 : i32
      %dma_start3A_52 = tpu.memref_slice %arg4[%dma_start3A_50, %dma_start3A_51] : memref<1048576x32xf32, #tpu.memory_space<hbm>> -> memref<1048576x32xf32, #tpu.memory_space<hbm>>
      tpu.enqueue_indirect_dma source(%dma_start3A_52 : memref<1048576x32xf32, #tpu.memory_space<hbm>>) target(%dma_start3A_48 : memref<128x32xf32, #tpu.memory_space<vmem>>) offsets(%dma_start3A_49 : memref<128xi32, #tpu.memory_space<vmem>>) semaphore(%arg10 : memref<!tpu.dma_semaphore, #tpu.memory_space<semaphore_mem>>)
      %dma_start3A_53 = arith.constant 384 : i32
      %dma_start3A_54 = arith.constant 384 : i32
      %dma_start3A_55 = arith.constant 0 : i32
      %dma_start3A_56 = tpu.memref_slice %arg9[%dma_start3A_54, %dma_start3A_55] : memref<512x32xf32, #tpu.memory_space<vmem>> -> memref<128x32xf32, #tpu.memory_space<vmem>>
      %dma_start3A_57 = tpu.memref_slice %arg8[%dma_start3A_53] : memref<512xi32, #tpu.memory_space<vmem>> -> memref<128xi32, #tpu.memory_space<vmem>>
      %dma_start3A_58 = arith.constant 0 : i32
      %dma_start3A_59 = arith.constant 0 : i32
      %dma_start3A_60 = tpu.memref_slice %arg4[%dma_start3A_58, %dma_start3A_59] : memref<1048576x32xf32, #tpu.memory_space<hbm>> -> memref<1048576x32xf32, #tpu.memory_space<hbm>>
      tpu.enqueue_indirect_dma source(%dma_start3A_60 : memref<1048576x32xf32, #tpu.memory_space<hbm>>) target(%dma_start3A_56 : memref<128x32xf32, #tpu.memory_space<vmem>>) offsets(%dma_start3A_57 : memref<128xi32, #tpu.memory_space<vmem>>) semaphore(%arg10 : memref<!tpu.dma_semaphore, #tpu.memory_space<semaphore_mem>>)
      %dma_wait3A = arith.constant 0 : i32
      %dma_wait3A_61 = arith.constant 0 : i32
      %dma_wait3A_62 = arith.constant 0 : i32
      %dma_wait3A_63 = tpu.memref_slice %arg9[%dma_wait3A_61, %dma_wait3A_62] : memref<512x32xf32, #tpu.memory_space<vmem>> -> memref<128x32xf32, #tpu.memory_space<vmem>>
      %dma_wait3A_64 = tpu.memref_slice %arg8[%dma_wait3A] : memref<512xi32, #tpu.memory_space<vmem>> -> memref<128xi32, #tpu.memory_space<vmem>>
      %dma_wait3A_65 = arith.constant 0 : i32
      %dma_wait3A_66 = arith.constant 0 : i32
      %dma_wait3A_67 = tpu.memref_slice %arg4[%dma_wait3A_65, %dma_wait3A_66] : memref<1048576x32xf32, #tpu.memory_space<hbm>> -> memref<1048576x32xf32, #tpu.memory_space<hbm>>
      tpu.wait_indirect_dma semaphore(%arg10 : memref<!tpu.dma_semaphore, #tpu.memory_space<semaphore_mem>>) src(%dma_wait3A_67 : memref<1048576x32xf32, #tpu.memory_space<hbm>>) dst(%dma_wait3A_63 : memref<128x32xf32, #tpu.memory_space<vmem>>)
      %dma_wait3A_68 = arith.constant 128 : i32
      %dma_wait3A_69 = arith.constant 128 : i32
      %dma_wait3A_70 = arith.constant 0 : i32
      %dma_wait3A_71 = tpu.memref_slice %arg9[%dma_wait3A_69, %dma_wait3A_70] : memref<512x32xf32, #tpu.memory_space<vmem>> -> memref<128x32xf32, #tpu.memory_space<vmem>>
      %dma_wait3A_72 = tpu.memref_slice %arg8[%dma_wait3A_68] : memref<512xi32, #tpu.memory_space<vmem>> -> memref<128xi32, #tpu.memory_space<vmem>>
      %dma_wait3A_73 = arith.constant 0 : i32
      %dma_wait3A_74 = arith.constant 0 : i32
      %dma_wait3A_75 = tpu.memref_slice %arg4[%dma_wait3A_73, %dma_wait3A_74] : memref<1048576x32xf32, #tpu.memory_space<hbm>> -> memref<1048576x32xf32, #tpu.memory_space<hbm>>
      tpu.wait_indirect_dma semaphore(%arg10 : memref<!tpu.dma_semaphore, #tpu.memory_space<semaphore_mem>>) src(%dma_wait3A_75 : memref<1048576x32xf32, #tpu.memory_space<hbm>>) dst(%dma_wait3A_71 : memref<128x32xf32, #tpu.memory_space<vmem>>)
      %dma_wait3A_76 = arith.constant 256 : i32
      %dma_wait3A_77 = arith.constant 256 : i32
      %dma_wait3A_78 = arith.constant 0 : i32
      %dma_wait3A_79 = tpu.memref_slice %arg9[%dma_wait3A_77, %dma_wait3A_78] : memref<512x32xf32, #tpu.memory_space<vmem>> -> memref<128x32xf32, #tpu.memory_space<vmem>>
      %dma_wait3A_80 = tpu.memref_slice %arg8[%dma_wait3A_76] : memref<512xi32, #tpu.memory_space<vmem>> -> memref<128xi32, #tpu.memory_space<vmem>>
      %dma_wait3A_81 = arith.constant 0 : i32
      %dma_wait3A_82 = arith.constant 0 : i32
      %dma_wait3A_83 = tpu.memref_slice %arg4[%dma_wait3A_81, %dma_wait3A_82] : memref<1048576x32xf32, #tpu.memory_space<hbm>> -> memref<1048576x32xf32, #tpu.memory_space<hbm>>
      tpu.wait_indirect_dma semaphore(%arg10 : memref<!tpu.dma_semaphore, #tpu.memory_space<semaphore_mem>>) src(%dma_wait3A_83 : memref<1048576x32xf32, #tpu.memory_space<hbm>>) dst(%dma_wait3A_79 : memref<128x32xf32, #tpu.memory_space<vmem>>)
      %dma_wait3A_84 = arith.constant 384 : i32
      %dma_wait3A_85 = arith.constant 384 : i32
      %dma_wait3A_86 = arith.constant 0 : i32
      %dma_wait3A_87 = tpu.memref_slice %arg9[%dma_wait3A_85, %dma_wait3A_86] : memref<512x32xf32, #tpu.memory_space<vmem>> -> memref<128x32xf32, #tpu.memory_space<vmem>>
      %dma_wait3A_88 = tpu.memref_slice %arg8[%dma_wait3A_84] : memref<512xi32, #tpu.memory_space<vmem>> -> memref<128xi32, #tpu.memory_space<vmem>>
      %dma_wait3A_89 = arith.constant 0 : i32
      %dma_wait3A_90 = arith.constant 0 : i32
      %dma_wait3A_91 = tpu.memref_slice %arg4[%dma_wait3A_89, %dma_wait3A_90] : memref<1048576x32xf32, #tpu.memory_space<hbm>> -> memref<1048576x32xf32, #tpu.memory_space<hbm>>
      tpu.wait_indirect_dma semaphore(%arg10 : memref<!tpu.dma_semaphore, #tpu.memory_space<semaphore_mem>>) src(%dma_wait3A_91 : memref<1048576x32xf32, #tpu.memory_space<hbm>>) dst(%dma_wait3A_87 : memref<128x32xf32, #tpu.memory_space<vmem>>)
      "tpu.region"() ({
        %run_scoped3A = tpu.sem_alloc : memref<!tpu.dma_semaphore, #tpu.memory_space<semaphore_mem>>
        %dma_start3A_92 = arith.constant 0 : i32
        %dma_start3A_93 = tpu.memref_slice %arg5[%mul3A_18, %dma_start3A_92] : memref<204800x32xf32, #tpu.memory_space<hbm>> -> memref<512x32xf32, #tpu.memory_space<hbm>>
        %dma_start3A_94 = arith.constant 0 : i32
        %dma_start3A_95 = tpu.memref_slice %arg5[%mul3A_18, %dma_start3A_94] : memref<204800x32xf32, #tpu.memory_space<hbm>> -> memref<512x32xf32, #tpu.memory_space<hbm>>
        tpu.enqueue_dma source(%arg9 : memref<512x32xf32, #tpu.memory_space<vmem>>) target(%dma_start3A_95 : memref<512x32xf32, #tpu.memory_space<hbm>>) target_semaphore(%run_scoped3A : memref<!tpu.dma_semaphore, #tpu.memory_space<semaphore_mem>>)
        %dma_wait3A_96 = arith.constant 0 : i32
        %dma_wait3A_97 = tpu.memref_slice %arg5[%mul3A_18, %dma_wait3A_96] : memref<204800x32xf32, #tpu.memory_space<hbm>> -> memref<512x32xf32, #tpu.memory_space<hbm>>
        %dma_wait3A_98 = arith.constant 0 : i32
        %dma_wait3A_99 = tpu.memref_slice %arg5[%mul3A_18, %dma_wait3A_98] : memref<204800x32xf32, #tpu.memory_space<hbm>> -> memref<512x32xf32, #tpu.memory_space<hbm>>
        tpu.wait_dma2 semaphore(%run_scoped3A : memref<!tpu.dma_semaphore, #tpu.memory_space<semaphore_mem>>) src(%arg9 : memref<512x32xf32, #tpu.memory_space<vmem>>) dst(%dma_wait3A_99 : memref<512x32xf32, #tpu.memory_space<hbm>>)
        tpu.yield
      }) : () -> ()
    }
    %while3A_12 = arith.constant 1 : i32
    scf.for %while3A_13 = %while3A_10 to %while3A_6 step %while3A_12  : i32 {
      %mul3A_14 = arith.constant 32 : i32
      %mul3A_15 = arith.muli %while3A_13, %mul3A_14 : i32
      %add3A_16 = arith.addi %mul3A_15, %add3A : i32
      %mul3A_17 = arith.constant 512 : i32
      %mul3A_18 = arith.muli %add3A_16, %mul3A_17 : i32
      "tpu.region"() ({
        %run_scoped3A = tpu.sem_alloc : memref<!tpu.dma_semaphore, #tpu.memory_space<semaphore_mem>>
        %dma_start3A_92 = tpu.memref_slice %arg2[%mul3A_18] : memref<204800xi32, #tpu.memory_space<hbm>> -> memref<512xi32, #tpu.memory_space<hbm>>
        %dma_start3A_93 = tpu.memref_slice %arg2[%mul3A_18] : memref<204800xi32, #tpu.memory_space<hbm>> -> memref<512xi32, #tpu.memory_space<hbm>>
        tpu.enqueue_dma source(%dma_start3A_93 : memref<512xi32, #tpu.memory_space<hbm>>) target(%arg6 : memref<512xi32, #tpu.memory_space<vmem>>) target_semaphore(%run_scoped3A : memref<!tpu.dma_semaphore, #tpu.memory_space<semaphore_mem>>)
        %dma_wait3A_94 = tpu.memref_slice %arg2[%mul3A_18] : memref<204800xi32, #tpu.memory_space<hbm>> -> memref<512xi32, #tpu.memory_space<hbm>>
        %dma_wait3A_95 = tpu.memref_slice %arg2[%mul3A_18] : memref<204800xi32, #tpu.memory_space<hbm>> -> memref<512xi32, #tpu.memory_space<hbm>>
        tpu.wait_dma2 semaphore(%run_scoped3A : memref<!tpu.dma_semaphore, #tpu.memory_space<semaphore_mem>>) src(%dma_wait3A_95 : memref<512xi32, #tpu.memory_space<hbm>>) dst(%arg6 : memref<512xi32, #tpu.memory_space<vmem>>)
        tpu.yield
      }) : () -> ()
      "tpu.region"() ({
        %run_scoped3A = tpu.sem_alloc : memref<!tpu.dma_semaphore, #tpu.memory_space<semaphore_mem>>
        %dma_start3A_92 = tpu.memref_slice %arg3[%mul3A_18] : memref<204800xi32, #tpu.memory_space<hbm>> -> memref<512xi32, #tpu.memory_space<hbm>>
        %dma_start3A_93 = tpu.memref_slice %arg3[%mul3A_18] : memref<204800xi32, #tpu.memory_space<hbm>> -> memref<512xi32, #tpu.memory_space<hbm>>
        tpu.enqueue_dma source(%dma_start3A_93 : memref<512xi32, #tpu.memory_space<hbm>>) target(%arg7 : memref<512xi32, #tpu.memory_space<vmem>>) target_semaphore(%run_scoped3A : memref<!tpu.dma_semaphore, #tpu.memory_space<semaphore_mem>>)
        %dma_wait3A_94 = tpu.memref_slice %arg3[%mul3A_18] : memref<204800xi32, #tpu.memory_space<hbm>> -> memref<512xi32, #tpu.memory_space<hbm>>
        %dma_wait3A_95 = tpu.memref_slice %arg3[%mul3A_18] : memref<204800xi32, #tpu.memory_space<hbm>> -> memref<512xi32, #tpu.memory_space<hbm>>
        tpu.wait_dma2 semaphore(%run_scoped3A : memref<!tpu.dma_semaphore, #tpu.memory_space<semaphore_mem>>) src(%dma_wait3A_95 : memref<512xi32, #tpu.memory_space<hbm>>) dst(%arg7 : memref<512xi32, #tpu.memory_space<vmem>>)
        tpu.yield
      }) : () -> ()
      %while3A_19 = arith.constant 0 : i32
      %while3A_20 = arith.constant 0 : i32
      %while3A_21 = arith.constant 32 : i32
      %while3A_22 = arith.subi %while3A_21, %while3A_20 : i32
      %while3A_23 = arith.addi %while3A_20, %while3A_22 : i32
      %while3A_24 = arith.constant 1 : i32
      %while3A_25 = arith.divsi %while3A_22, %while3A_24 : i32
      %while3A_26 = arith.muli %while3A_25, %while3A_24 : i32
      %while3A_27 = arith.addi %while3A_20, %while3A_26 : i32
      %while3A_28 = arith.constant 1 : i32
      scf.for %while3A_92 = %while3A_20 to %while3A_27 step %while3A_28  : i32 {
        %mul3A_93 = arith.constant 16 : i32
        %mul3A_94 = arith.muli %while3A_92, %mul3A_93 : i32
        %get3A = arith.index_cast %mul3A_94 : i32 to index
        %get3A_95 = tpu.vector_load %arg6[%get3A] {strides = array<i32>} : memref<512xi32, #tpu.memory_space<vmem>>, vector<16xi32>,
        %get3A_96 = arith.index_cast %mul3A_94 : i32 to index
        %get3A_97 = tpu.vector_load %arg7[%get3A_96] {strides = array<i32>} : memref<512xi32, #tpu.memory_space<vmem>>, vector<16xi32>,
        %shift_right_logical3A = arith.constant 10 : i32
        %shift_right_logical3A_98 = vector.broadcast %shift_right_logical3A : i32 to vector<16xi32>
        %shift_right_logical3A_99 = arith.shrui %get3A_97, %shift_right_logical3A_98 : vector<16xi32>
        %and3A = arith.constant 1023 : i32
        %and3A_100 = vector.broadcast %and3A : i32 to vector<16xi32>
        %and3A_101 = arith.andi %get3A_97, %and3A_100 : vector<16xi32>
        %mul3A_102 = arith.constant 387584 : i32
        %mul3A_103 = vector.broadcast %mul3A_102 : i32 to vector<16xi32>
        %mul3A_104 = arith.muli %shift_right_logical3A_99, %mul3A_103 : vector<16xi32>
        %mul3A_105 = arith.constant 8191 : i32
        %mul3A_106 = vector.broadcast %mul3A_105 : i32 to vector<16xi32>
        %mul3A_107 = arith.muli %and3A_101, %mul3A_106 : vector<16xi32>
        %add3A_108 = arith.addi %mul3A_104, %mul3A_107 : vector<16xi32>
        %add3A_109 = arith.addi %add3A_108, %get3A_95 : vector<16xi32>
        %jit3A = arith.constant 1000000 : i64
        %convert_element_type3A_110 = arith.trunci %jit3A : i64 to i32
        %eq3A = arith.constant 0 : i32
        %eq3A_111 = arith.cmpi eq, %convert_element_type3A_110, %eq3A : i32
        %jit3A_112 = arith.constant 1 : i32
        %select_n3A = arith.select %eq3A_111, %jit3A_112, %convert_element_type3A_110 : i32
        %rem3A = vector.broadcast %select_n3A : i32 to vector<16xi32>
        %rem3A_113 = arith.remsi %add3A_109, %rem3A : vector<16xi32>
        %ne3A = arith.constant 0 : i32
        %ne3A_114 = vector.broadcast %ne3A : i32 to vector<16xi32>
        %ne3A_115 = arith.cmpi ne, %rem3A_113, %ne3A_114 : vector<16xi32>
        %lt3A_116 = arith.constant 0 : i32
        %lt3A_117 = vector.broadcast %lt3A_116 : i32 to vector<16xi32>
        %lt3A_118 = arith.cmpi slt, %rem3A_113, %lt3A_117 : vector<16xi32>
        %lt3A_119 = arith.constant 0 : i32
        %lt3A_120 = arith.cmpi slt, %select_n3A, %lt3A_119 : i32
        %ne3A_121 = vector.broadcast %lt3A_120 : i1 to vector<16xi1>
        %ne3A_122 = vector.broadcast %ne3A_121 : vector<16xi1> to vector<16xi1>
        %ne3A_123 = arith.xori %lt3A_118, %ne3A_122 : vector<16xi1>
        %and3A_124 = arith.andi %ne3A_123, %ne3A_115 : vector<16xi1>
        %add3A_125 = vector.broadcast %select_n3A : i32 to vector<16xi32>
        %add3A_126 = arith.addi %rem3A_113, %add3A_125 : vector<16xi32>
        %select_n3A_127 = arith.select %and3A_124, %add3A_126, %rem3A_113 : vector<16xi1>, vector<16xi32>
        %and3A_128 = arith.constant 262143 : i32
        %and3A_129 = vector.broadcast %and3A_128 : i32 to vector<16xi32>
        %and3A_130 = arith.andi %select_n3A_127, %and3A_129 : vector<16xi32>
        %shift_right_logical3A_131 = arith.constant 18 : i32
        %shift_right_logical3A_132 = vector.broadcast %shift_right_logical3A_131 : i32 to vector<16xi32>
        %shift_right_logical3A_133 = arith.shrui %select_n3A_127, %shift_right_logical3A_132 : vector<16xi32>
        %shift_left3A = arith.constant 2 : i32
        %shift_left3A_134 = vector.broadcast %shift_left3A : i32 to vector<16xi32>
        %shift_left3A_135 = arith.shli %and3A_130, %shift_left3A_134 : vector<16xi32>
        %or3A = arith.ori %shift_left3A_135, %shift_right_logical3A_133 : vector<16xi32>
        %and3A_136 = arith.constant 7 : i32
        %and3A_137 = arith.andi %while3A_92, %and3A_136 : i32
        %shift_left3A_138 = arith.constant 4 : i32
        %shift_left3A_139 = arith.shli %and3A_137, %shift_left3A_138 : i32
        %shift_right_logical3A_140 = arith.constant 3 : i32
        %shift_right_logical3A_141 = arith.shrui %while3A_92, %shift_right_logical3A_140 : i32
        %iota3A = tpu.iota {dimensions = array<i32: 0>} : vector<16xi32>
        %add3A_142 = vector.broadcast %shift_left3A_139 : i32 to vector<16xi32>
        %add3A_143 = arith.addi %add3A_142, %iota3A : vector<16xi32>
        %mul3A_144 = arith.constant 4 : i32
        %mul3A_145 = vector.broadcast %mul3A_144 : i32 to vector<16xi32>
        %mul3A_146 = arith.muli %add3A_143, %mul3A_145 : vector<16xi32>
        %add3A_147 = vector.broadcast %shift_right_logical3A_141 : i32 to vector<16xi32>
        %add3A_148 = arith.addi %mul3A_146, %add3A_147 : vector<16xi32>
        tpu.vector_store_idx %arg8[%add3A_148], %or3A : memref<512xi32, #tpu.memory_space<vmem>>[vector<16xi32>], vector<16xi32>,
      }
      %while3A_29 = arith.constant 1 : i32
      scf.for %while3A_92 = %while3A_27 to %while3A_23 step %while3A_29  : i32 {
        %mul3A_93 = arith.constant 16 : i32
        %mul3A_94 = arith.muli %while3A_92, %mul3A_93 : i32
        %get3A = arith.index_cast %mul3A_94 : i32 to index
        %get3A_95 = tpu.vector_load %arg6[%get3A] {strides = array<i32>} : memref<512xi32, #tpu.memory_space<vmem>>, vector<16xi32>,
        %get3A_96 = arith.index_cast %mul3A_94 : i32 to index
        %get3A_97 = tpu.vector_load %arg7[%get3A_96] {strides = array<i32>} : memref<512xi32, #tpu.memory_space<vmem>>, vector<16xi32>,
        %shift_right_logical3A = arith.constant 10 : i32
        %shift_right_logical3A_98 = vector.broadcast %shift_right_logical3A : i32 to vector<16xi32>
        %shift_right_logical3A_99 = arith.shrui %get3A_97, %shift_right_logical3A_98 : vector<16xi32>
        %and3A = arith.constant 1023 : i32
        %and3A_100 = vector.broadcast %and3A : i32 to vector<16xi32>
        %and3A_101 = arith.andi %get3A_97, %and3A_100 : vector<16xi32>
        %mul3A_102 = arith.constant 387584 : i32
        %mul3A_103 = vector.broadcast %mul3A_102 : i32 to vector<16xi32>
        %mul3A_104 = arith.muli %shift_right_logical3A_99, %mul3A_103 : vector<16xi32>
        %mul3A_105 = arith.constant 8191 : i32
        %mul3A_106 = vector.broadcast %mul3A_105 : i32 to vector<16xi32>
        %mul3A_107 = arith.muli %and3A_101, %mul3A_106 : vector<16xi32>
        %add3A_108 = arith.addi %mul3A_104, %mul3A_107 : vector<16xi32>
        %add3A_109 = arith.addi %add3A_108, %get3A_95 : vector<16xi32>
        %jit3A = arith.constant 1000000 : i64
        %convert_element_type3A_110 = arith.trunci %jit3A : i64 to i32
        %eq3A = arith.constant 0 : i32
        %eq3A_111 = arith.cmpi eq, %convert_element_type3A_110, %eq3A : i32
        %jit3A_112 = arith.constant 1 : i32
        %select_n3A = arith.select %eq3A_111, %jit3A_112, %convert_element_type3A_110 : i32
        %rem3A = vector.broadcast %select_n3A : i32 to vector<16xi32>
        %rem3A_113 = arith.remsi %add3A_109, %rem3A : vector<16xi32>
        %ne3A = arith.constant 0 : i32
        %ne3A_114 = vector.broadcast %ne3A : i32 to vector<16xi32>
        %ne3A_115 = arith.cmpi ne, %rem3A_113, %ne3A_114 : vector<16xi32>
        %lt3A_116 = arith.constant 0 : i32
        %lt3A_117 = vector.broadcast %lt3A_116 : i32 to vector<16xi32>
        %lt3A_118 = arith.cmpi slt, %rem3A_113, %lt3A_117 : vector<16xi32>
        %lt3A_119 = arith.constant 0 : i32
        %lt3A_120 = arith.cmpi slt, %select_n3A, %lt3A_119 : i32
        %ne3A_121 = vector.broadcast %lt3A_120 : i1 to vector<16xi1>
        %ne3A_122 = vector.broadcast %ne3A_121 : vector<16xi1> to vector<16xi1>
        %ne3A_123 = arith.xori %lt3A_118, %ne3A_122 : vector<16xi1>
        %and3A_124 = arith.andi %ne3A_123, %ne3A_115 : vector<16xi1>
        %add3A_125 = vector.broadcast %select_n3A : i32 to vector<16xi32>
        %add3A_126 = arith.addi %rem3A_113, %add3A_125 : vector<16xi32>
        %select_n3A_127 = arith.select %and3A_124, %add3A_126, %rem3A_113 : vector<16xi1>, vector<16xi32>
        %and3A_128 = arith.constant 262143 : i32
        %and3A_129 = vector.broadcast %and3A_128 : i32 to vector<16xi32>
        %and3A_130 = arith.andi %select_n3A_127, %and3A_129 : vector<16xi32>
        %shift_right_logical3A_131 = arith.constant 18 : i32
        %shift_right_logical3A_132 = vector.broadcast %shift_right_logical3A_131 : i32 to vector<16xi32>
        %shift_right_logical3A_133 = arith.shrui %select_n3A_127, %shift_right_logical3A_132 : vector<16xi32>
        %shift_left3A = arith.constant 2 : i32
        %shift_left3A_134 = vector.broadcast %shift_left3A : i32 to vector<16xi32>
        %shift_left3A_135 = arith.shli %and3A_130, %shift_left3A_134 : vector<16xi32>
        %or3A = arith.ori %shift_left3A_135, %shift_right_logical3A_133 : vector<16xi32>
        %and3A_136 = arith.constant 7 : i32
        %and3A_137 = arith.andi %while3A_92, %and3A_136 : i32
        %shift_left3A_138 = arith.constant 4 : i32
        %shift_left3A_139 = arith.shli %and3A_137, %shift_left3A_138 : i32
        %shift_right_logical3A_140 = arith.constant 3 : i32
        %shift_right_logical3A_141 = arith.shrui %while3A_92, %shift_right_logical3A_140 : i32
        %iota3A = tpu.iota {dimensions = array<i32: 0>} : vector<16xi32>
        %add3A_142 = vector.broadcast %shift_left3A_139 : i32 to vector<16xi32>
        %add3A_143 = arith.addi %add3A_142, %iota3A : vector<16xi32>
        %mul3A_144 = arith.constant 4 : i32
        %mul3A_145 = vector.broadcast %mul3A_144 : i32 to vector<16xi32>
        %mul3A_146 = arith.muli %add3A_143, %mul3A_145 : vector<16xi32>
        %add3A_147 = vector.broadcast %shift_right_logical3A_141 : i32 to vector<16xi32>
        %add3A_148 = arith.addi %mul3A_146, %add3A_147 : vector<16xi32>
        tpu.vector_store_idx %arg8[%add3A_148], %or3A : memref<512xi32, #tpu.memory_space<vmem>>[vector<16xi32>], vector<16xi32>,
      }
      %dma_start3A = arith.constant 0 : i32
      %dma_start3A_30 = arith.constant 0 : i32
      %dma_start3A_31 = arith.constant 0 : i32
      %dma_start3A_32 = tpu.memref_slice %arg9[%dma_start3A_30, %dma_start3A_31] : memref<512x32xf32, #tpu.memory_space<vmem>> -> memref<128x32xf32, #tpu.memory_space<vmem>>
      %dma_start3A_33 = tpu.memref_slice %arg8[%dma_start3A] : memref<512xi32, #tpu.memory_space<vmem>> -> memref<128xi32, #tpu.memory_space<vmem>>
      %dma_start3A_34 = arith.constant 0 : i32
      %dma_start3A_35 = arith.constant 0 : i32
      %dma_start3A_36 = tpu.memref_slice %arg4[%dma_start3A_34, %dma_start3A_35] : memref<1048576x32xf32, #tpu.memory_space<hbm>> -> memref<1048576x32xf32, #tpu.memory_space<hbm>>
      tpu.enqueue_indirect_dma source(%dma_start3A_36 : memref<1048576x32xf32, #tpu.memory_space<hbm>>) target(%dma_start3A_32 : memref<128x32xf32, #tpu.memory_space<vmem>>) offsets(%dma_start3A_33 : memref<128xi32, #tpu.memory_space<vmem>>) semaphore(%arg10 : memref<!tpu.dma_semaphore, #tpu.memory_space<semaphore_mem>>)
      %dma_start3A_37 = arith.constant 128 : i32
      %dma_start3A_38 = arith.constant 128 : i32
      %dma_start3A_39 = arith.constant 0 : i32
      %dma_start3A_40 = tpu.memref_slice %arg9[%dma_start3A_38, %dma_start3A_39] : memref<512x32xf32, #tpu.memory_space<vmem>> -> memref<128x32xf32, #tpu.memory_space<vmem>>
      %dma_start3A_41 = tpu.memref_slice %arg8[%dma_start3A_37] : memref<512xi32, #tpu.memory_space<vmem>> -> memref<128xi32, #tpu.memory_space<vmem>>
      %dma_start3A_42 = arith.constant 0 : i32
      %dma_start3A_43 = arith.constant 0 : i32
      %dma_start3A_44 = tpu.memref_slice %arg4[%dma_start3A_42, %dma_start3A_43] : memref<1048576x32xf32, #tpu.memory_space<hbm>> -> memref<1048576x32xf32, #tpu.memory_space<hbm>>
      tpu.enqueue_indirect_dma source(%dma_start3A_44 : memref<1048576x32xf32, #tpu.memory_space<hbm>>) target(%dma_start3A_40 : memref<128x32xf32, #tpu.memory_space<vmem>>) offsets(%dma_start3A_41 : memref<128xi32, #tpu.memory_space<vmem>>) semaphore(%arg10 : memref<!tpu.dma_semaphore, #tpu.memory_space<semaphore_mem>>)
      %dma_start3A_45 = arith.constant 256 : i32
      %dma_start3A_46 = arith.constant 256 : i32
      %dma_start3A_47 = arith.constant 0 : i32
      %dma_start3A_48 = tpu.memref_slice %arg9[%dma_start3A_46, %dma_start3A_47] : memref<512x32xf32, #tpu.memory_space<vmem>> -> memref<128x32xf32, #tpu.memory_space<vmem>>
      %dma_start3A_49 = tpu.memref_slice %arg8[%dma_start3A_45] : memref<512xi32, #tpu.memory_space<vmem>> -> memref<128xi32, #tpu.memory_space<vmem>>
      %dma_start3A_50 = arith.constant 0 : i32
      %dma_start3A_51 = arith.constant 0 : i32
      %dma_start3A_52 = tpu.memref_slice %arg4[%dma_start3A_50, %dma_start3A_51] : memref<1048576x32xf32, #tpu.memory_space<hbm>> -> memref<1048576x32xf32, #tpu.memory_space<hbm>>
      tpu.enqueue_indirect_dma source(%dma_start3A_52 : memref<1048576x32xf32, #tpu.memory_space<hbm>>) target(%dma_start3A_48 : memref<128x32xf32, #tpu.memory_space<vmem>>) offsets(%dma_start3A_49 : memref<128xi32, #tpu.memory_space<vmem>>) semaphore(%arg10 : memref<!tpu.dma_semaphore, #tpu.memory_space<semaphore_mem>>)
      %dma_start3A_53 = arith.constant 384 : i32
      %dma_start3A_54 = arith.constant 384 : i32
      %dma_start3A_55 = arith.constant 0 : i32
      %dma_start3A_56 = tpu.memref_slice %arg9[%dma_start3A_54, %dma_start3A_55] : memref<512x32xf32, #tpu.memory_space<vmem>> -> memref<128x32xf32, #tpu.memory_space<vmem>>
      %dma_start3A_57 = tpu.memref_slice %arg8[%dma_start3A_53] : memref<512xi32, #tpu.memory_space<vmem>> -> memref<128xi32, #tpu.memory_space<vmem>>
      %dma_start3A_58 = arith.constant 0 : i32
      %dma_start3A_59 = arith.constant 0 : i32
      %dma_start3A_60 = tpu.memref_slice %arg4[%dma_start3A_58, %dma_start3A_59] : memref<1048576x32xf32, #tpu.memory_space<hbm>> -> memref<1048576x32xf32, #tpu.memory_space<hbm>>
      tpu.enqueue_indirect_dma source(%dma_start3A_60 : memref<1048576x32xf32, #tpu.memory_space<hbm>>) target(%dma_start3A_56 : memref<128x32xf32, #tpu.memory_space<vmem>>) offsets(%dma_start3A_57 : memref<128xi32, #tpu.memory_space<vmem>>) semaphore(%arg10 : memref<!tpu.dma_semaphore, #tpu.memory_space<semaphore_mem>>)
      %dma_wait3A = arith.constant 0 : i32
      %dma_wait3A_61 = arith.constant 0 : i32
      %dma_wait3A_62 = arith.constant 0 : i32
      %dma_wait3A_63 = tpu.memref_slice %arg9[%dma_wait3A_61, %dma_wait3A_62] : memref<512x32xf32, #tpu.memory_space<vmem>> -> memref<128x32xf32, #tpu.memory_space<vmem>>
      %dma_wait3A_64 = tpu.memref_slice %arg8[%dma_wait3A] : memref<512xi32, #tpu.memory_space<vmem>> -> memref<128xi32, #tpu.memory_space<vmem>>
      %dma_wait3A_65 = arith.constant 0 : i32
      %dma_wait3A_66 = arith.constant 0 : i32
      %dma_wait3A_67 = tpu.memref_slice %arg4[%dma_wait3A_65, %dma_wait3A_66] : memref<1048576x32xf32, #tpu.memory_space<hbm>> -> memref<1048576x32xf32, #tpu.memory_space<hbm>>
      tpu.wait_indirect_dma semaphore(%arg10 : memref<!tpu.dma_semaphore, #tpu.memory_space<semaphore_mem>>) src(%dma_wait3A_67 : memref<1048576x32xf32, #tpu.memory_space<hbm>>) dst(%dma_wait3A_63 : memref<128x32xf32, #tpu.memory_space<vmem>>)
      %dma_wait3A_68 = arith.constant 128 : i32
      %dma_wait3A_69 = arith.constant 128 : i32
      %dma_wait3A_70 = arith.constant 0 : i32
      %dma_wait3A_71 = tpu.memref_slice %arg9[%dma_wait3A_69, %dma_wait3A_70] : memref<512x32xf32, #tpu.memory_space<vmem>> -> memref<128x32xf32, #tpu.memory_space<vmem>>
      %dma_wait3A_72 = tpu.memref_slice %arg8[%dma_wait3A_68] : memref<512xi32, #tpu.memory_space<vmem>> -> memref<128xi32, #tpu.memory_space<vmem>>
      %dma_wait3A_73 = arith.constant 0 : i32
      %dma_wait3A_74 = arith.constant 0 : i32
      %dma_wait3A_75 = tpu.memref_slice %arg4[%dma_wait3A_73, %dma_wait3A_74] : memref<1048576x32xf32, #tpu.memory_space<hbm>> -> memref<1048576x32xf32, #tpu.memory_space<hbm>>
      tpu.wait_indirect_dma semaphore(%arg10 : memref<!tpu.dma_semaphore, #tpu.memory_space<semaphore_mem>>) src(%dma_wait3A_75 : memref<1048576x32xf32, #tpu.memory_space<hbm>>) dst(%dma_wait3A_71 : memref<128x32xf32, #tpu.memory_space<vmem>>)
      %dma_wait3A_76 = arith.constant 256 : i32
      %dma_wait3A_77 = arith.constant 256 : i32
      %dma_wait3A_78 = arith.constant 0 : i32
      %dma_wait3A_79 = tpu.memref_slice %arg9[%dma_wait3A_77, %dma_wait3A_78] : memref<512x32xf32, #tpu.memory_space<vmem>> -> memref<128x32xf32, #tpu.memory_space<vmem>>
      %dma_wait3A_80 = tpu.memref_slice %arg8[%dma_wait3A_76] : memref<512xi32, #tpu.memory_space<vmem>> -> memref<128xi32, #tpu.memory_space<vmem>>
      %dma_wait3A_81 = arith.constant 0 : i32
      %dma_wait3A_82 = arith.constant 0 : i32
      %dma_wait3A_83 = tpu.memref_slice %arg4[%dma_wait3A_81, %dma_wait3A_82] : memref<1048576x32xf32, #tpu.memory_space<hbm>> -> memref<1048576x32xf32, #tpu.memory_space<hbm>>
      tpu.wait_indirect_dma semaphore(%arg10 : memref<!tpu.dma_semaphore, #tpu.memory_space<semaphore_mem>>) src(%dma_wait3A_83 : memref<1048576x32xf32, #tpu.memory_space<hbm>>) dst(%dma_wait3A_79 : memref<128x32xf32, #tpu.memory_space<vmem>>)
      %dma_wait3A_84 = arith.constant 384 : i32
      %dma_wait3A_85 = arith.constant 384 : i32
      %dma_wait3A_86 = arith.constant 0 : i32
      %dma_wait3A_87 = tpu.memref_slice %arg9[%dma_wait3A_85, %dma_wait3A_86] : memref<512x32xf32, #tpu.memory_space<vmem>> -> memref<128x32xf32, #tpu.memory_space<vmem>>
      %dma_wait3A_88 = tpu.memref_slice %arg8[%dma_wait3A_84] : memref<512xi32, #tpu.memory_space<vmem>> -> memref<128xi32, #tpu.memory_space<vmem>>
      %dma_wait3A_89 = arith.constant 0 : i32
      %dma_wait3A_90 = arith.constant 0 : i32
      %dma_wait3A_91 = tpu.memref_slice %arg4[%dma_wait3A_89, %dma_wait3A_90] : memref<1048576x32xf32, #tpu.memory_space<hbm>> -> memref<1048576x32xf32, #tpu.memory_space<hbm>>
      tpu.wait_indirect_dma semaphore(%arg10 : memref<!tpu.dma_semaphore, #tpu.memory_space<semaphore_mem>>) src(%dma_wait3A_91 : memref<1048576x32xf32, #tpu.memory_space<hbm>>) dst(%dma_wait3A_87 : memref<128x32xf32, #tpu.memory_space<vmem>>)
      "tpu.region"() ({
        %run_scoped3A = tpu.sem_alloc : memref<!tpu.dma_semaphore, #tpu.memory_space<semaphore_mem>>
        %dma_start3A_92 = arith.constant 0 : i32
        %dma_start3A_93 = tpu.memref_slice %arg5[%mul3A_18, %dma_start3A_92] : memref<204800x32xf32, #tpu.memory_space<hbm>> -> memref<512x32xf32, #tpu.memory_space<hbm>>
        %dma_start3A_94 = arith.constant 0 : i32
        %dma_start3A_95 = tpu.memref_slice %arg5[%mul3A_18, %dma_start3A_94] : memref<204800x32xf32, #tpu.memory_space<hbm>> -> memref<512x32xf32, #tpu.memory_space<hbm>>
        tpu.enqueue_dma source(%arg9 : memref<512x32xf32, #tpu.memory_space<vmem>>) target(%dma_start3A_95 : memref<512x32xf32, #tpu.memory_space<hbm>>) target_semaphore(%run_scoped3A : memref<!tpu.dma_semaphore, #tpu.memory_space<semaphore_mem>>)
        %dma_wait3A_96 = arith.constant 0 : i32
        %dma_wait3A_97 = tpu.memref_slice %arg5[%mul3A_18, %dma_wait3A_96] : memref<204800x32xf32, #tpu.memory_space<hbm>> -> memref<512x32xf32, #tpu.memory_space<hbm>>
        %dma_wait3A_98 = arith.constant 0 : i32
        %dma_wait3A_99 = tpu.memref_slice %arg5[%mul3A_18, %dma_wait3A_98] : memref<204800x32xf32, #tpu.memory_space<hbm>> -> memref<512x32xf32, #tpu.memory_space<hbm>>
        tpu.wait_dma2 semaphore(%run_scoped3A : memref<!tpu.dma_semaphore, #tpu.memory_space<semaphore_mem>>) src(%arg9 : memref<512x32xf32, #tpu.memory_space<vmem>>) dst(%dma_wait3A_99 : memref<512x32xf32, #tpu.memory_space<hbm>>)
        tpu.yield
      }) : () -> ()
    }
    return
  }
}

module attributes {stable_mosaic.version = 14 : i64} {
  func.func @body(%arg0: i32, %arg1: memref<32x8192xf32, #tpu.memory_space<vmem>>, %arg2: memref<32x8192xf32, #tpu.memory_space<vmem>>, %arg3: memref<32x8192xf32, #tpu.memory_space<vmem>>, %arg4: memref<32x8192xf32, #tpu.memory_space<vmem>>, %arg5: memref<8192x128xf32, #tpu.memory_space<vmem>>) attributes {dimension_semantics = [#tpu.dimension_semantics<arbitrary>], iteration_bounds = array<i64: 32>, scalar_prefetch = 0 : i64, scratch_operands = 0 : i64, tpu.core_type = #tpu.core_type<tc>, window_params = [{transform_indices = @transform_0, window_bounds = array<i64: 32, 8192>}, {transform_indices = @transform_1, window_bounds = array<i64: 32, 8192>}, {transform_indices = @transform_2, window_bounds = array<i64: 32, 8192>}, {transform_indices = @transform_3, window_bounds = array<i64: 32, 8192>}, {transform_indices = @transform_4, window_bounds = array<i64: 8192, 128>}]} {
    %iota3A = tpu.iota {dimensions = array<i32: 0>} : vector<128x128xi32>
    %iota3A_0 = tpu.iota {dimensions = array<i32: 1>} : vector<128x128xi32>
    %eq3A = arith.cmpi eq, %iota3A, %iota3A_0 : vector<128x128xi32>
    %convert_element_type3A = arith.extui %eq3A : vector<128x128xi1> to vector<128x128xi32>
    %convert_element_type3A_1 = arith.sitofp %convert_element_type3A : vector<128x128xi32> to vector<128x128xf32>
    %get3A = arith.constant 0 : index
    %get3A_2 = arith.constant 0 : index
    %get3A_3 = vector.load %arg1[%get3A, %get3A_2] : memref<32x8192xf32, #tpu.memory_space<vmem>>, vector<32x8192xf32>
    %get3A_4 = arith.constant 0 : index
    %get3A_5 = arith.constant 0 : index
    %get3A_6 = vector.load %arg2[%get3A_4, %get3A_5] : memref<32x8192xf32, #tpu.memory_space<vmem>>, vector<32x8192xf32>
    %get3A_7 = arith.constant 0 : index
    %get3A_8 = arith.constant 0 : index
    %get3A_9 = vector.load %arg3[%get3A_7, %get3A_8] : memref<32x8192xf32, #tpu.memory_space<vmem>>, vector<32x8192xf32>
    %get3A_10 = arith.constant 0 : index
    %get3A_11 = arith.constant 0 : index
    %get3A_12 = vector.load %arg4[%get3A_10, %get3A_11] : memref<32x8192xf32, #tpu.memory_space<vmem>>, vector<32x8192xf32>
    %concatenate3A = tpu.concatenate %get3A_3, %get3A_6, %get3A_9, %get3A_12 in 0 : vector<32x8192xf32>, vector<32x8192xf32>, vector<32x8192xf32>, vector<32x8192xf32> -> vector<128x8192xf32>
    %dot_general3A = arith.constant dense<0.000000e+00> : vector<8192x128xf32>
    %dot_general3A_13 = tpu.matmul %concatenate3A, %convert_element_type3A_1, %dot_general3A {dimension_numbers = #tpu.dot_dimension_numbers<[0], [0], [1], [1], [0, 1, 1, 1], [], []>, transpose_lhs_hint = false} : vector<128x8192xf32>, vector<128x128xf32>, vector<8192x128xf32> -> vector<8192x128xf32>
    %swap3A = arith.constant 0 : index
    %swap3A_14 = arith.constant 0 : index
    %swap3A_15 = vector.load %arg5[%swap3A, %swap3A_14] : memref<8192x128xf32, #tpu.memory_space<vmem>>, vector<8192x128xf32>
    tpu.vector_store %arg5[%swap3A, %swap3A_14], %dot_general3A_13 {strides = array<i32>} : memref<8192x128xf32, #tpu.memory_space<vmem>>, vector<8192x128xf32>,
    return
  }
  func.func @transform_0(%arg0: i32) -> (i32, i32) {
    %add3A = arith.constant 0 : i32
    %add3A_0 = arith.addi %add3A, %arg0 : i32
    %min3A = arith.constant 122 : i32
    %min3A_1 = arith.minsi %add3A_0, %min3A : i32
    %c0_i32 = arith.constant 0 : i32
    %c0_i32_2 = arith.constant 0 : i32
    return %c0_i32, %min3A_1 : i32, i32
  }
  func.func @transform_1(%arg0: i32) -> (i32, i32) {
    %add3A = arith.constant 32 : i32
    %add3A_0 = arith.addi %add3A, %arg0 : i32
    %min3A = arith.constant 122 : i32
    %min3A_1 = arith.minsi %add3A_0, %min3A : i32
    %c0_i32 = arith.constant 0 : i32
    %c0_i32_2 = arith.constant 0 : i32
    return %c0_i32, %min3A_1 : i32, i32
  }
  func.func @transform_2(%arg0: i32) -> (i32, i32) {
    %add3A = arith.constant 64 : i32
    %add3A_0 = arith.addi %add3A, %arg0 : i32
    %min3A = arith.constant 122 : i32
    %min3A_1 = arith.minsi %add3A_0, %min3A : i32
    %c0_i32 = arith.constant 0 : i32
    %c0_i32_2 = arith.constant 0 : i32
    return %c0_i32, %min3A_1 : i32, i32
  }
  func.func @transform_3(%arg0: i32) -> (i32, i32) {
    %add3A = arith.constant 96 : i32
    %add3A_0 = arith.addi %add3A, %arg0 : i32
    %min3A = arith.constant 122 : i32
    %min3A_1 = arith.minsi %add3A_0, %min3A : i32
    %c0_i32 = arith.constant 0 : i32
    %c0_i32_2 = arith.constant 0 : i32
    return %c0_i32, %min3A_1 : i32, i32
  }
  func.func @transform_4(%arg0: i32) -> (i32, i32) {
    %c0_i32 = arith.constant 0 : i32
    %c0_i32_0 = arith.constant 0 : i32
    return %arg0, %c0_i32 : i32, i32
  }
}

module attributes {stable_mosaic.version = 14 : i64} {
  func.func @body(%arg0: i32, %arg1: memref<512x128xf32, #tpu.memory_space<vmem>>, %arg2: memref<512x128xf32, #tpu.memory_space<vmem>>, %arg3: memref<512x128xf32, #tpu.memory_space<vmem>>, %arg4: memref<128x96xf32, #tpu.memory_space<vmem>>, %arg5: memref<2048x128xf32, #tpu.memory_space<vmem>>) attributes {dimension_semantics = [#tpu.dimension_semantics<arbitrary>], iteration_bounds = array<i64: 100>, scalar_prefetch = 0 : i64, scratch_operands = 0 : i64, tpu.core_type = #tpu.core_type<tc>, window_params = [{transform_indices = @transform_0, window_bounds = array<i64: 512, 128>}, {transform_indices = @transform_1, window_bounds = array<i64: 512, 128>}, {transform_indices = @transform_2, window_bounds = array<i64: 512, 128>}, {pipeline_mode = #tpu.pipeline_mode<synchronous>, transform_indices = @transform_3, window_bounds = array<i64: 128, 96>}, {transform_indices = @transform_4, window_bounds = array<i64: 2048, 128>}]} {
    %get3A = arith.constant 0 : index
    %get3A_0 = arith.constant 0 : index
    %get3A_1 = vector.load %arg1[%get3A, %get3A_0] : memref<512x128xf32, #tpu.memory_space<vmem>>, vector<128x32xf32>
    %get3A_2 = arith.constant 0 : index
    %get3A_3 = arith.constant 0 : index
    %get3A_4 = vector.load %arg2[%get3A_2, %get3A_3] : memref<512x128xf32, #tpu.memory_space<vmem>>, vector<128x32xf32>
    %get3A_5 = arith.constant 0 : index
    %get3A_6 = arith.constant 0 : index
    %get3A_7 = vector.load %arg3[%get3A_5, %get3A_6] : memref<512x128xf32, #tpu.memory_space<vmem>>, vector<128x32xf32>
    %concatenate3A = tpu.concatenate %get3A_1, %get3A_4, %get3A_7 in 1 : vector<128x32xf32>, vector<128x32xf32>, vector<128x32xf32> -> vector<128x96xf32>
    %get3A_8 = arith.constant 0 : index
    %get3A_9 = arith.constant 0 : index
    %get3A_10 = vector.load %arg4[%get3A_8, %get3A_9] : memref<128x96xf32, #tpu.memory_space<vmem>>, vector<128x96xf32>
    %dot_general3A = arith.constant dense<0.000000e+00> : vector<128x128xf32>
    %dot_general3A_11 = tpu.matmul %concatenate3A, %get3A_10, %dot_general3A {dimension_numbers = #tpu.dot_dimension_numbers<[1], [1], [0], [0], [0, 0, 1, 0], [], []>, transpose_lhs_hint = false} : vector<128x96xf32>, vector<128x96xf32>, vector<128x128xf32> -> vector<128x128xf32>
    %swap3A = arith.constant 0 : index
    %swap3A_12 = arith.constant 0 : index
    %swap3A_13 = vector.load %arg5[%swap3A, %swap3A_12] : memref<2048x128xf32, #tpu.memory_space<vmem>>, vector<128x128xf32>
    tpu.vector_store %arg5[%swap3A, %swap3A_12], %dot_general3A_11 {strides = array<i32>} : memref<2048x128xf32, #tpu.memory_space<vmem>>, vector<128x128xf32>,
    %get3A_14 = arith.constant 0 : index
    %get3A_15 = arith.constant 32 : index
    %get3A_16 = vector.load %arg1[%get3A_14, %get3A_15] : memref<512x128xf32, #tpu.memory_space<vmem>>, vector<128x32xf32>
    %get3A_17 = arith.constant 0 : index
    %get3A_18 = arith.constant 32 : index
    %get3A_19 = vector.load %arg2[%get3A_17, %get3A_18] : memref<512x128xf32, #tpu.memory_space<vmem>>, vector<128x32xf32>
    %get3A_20 = arith.constant 0 : index
    %get3A_21 = arith.constant 32 : index
    %get3A_22 = vector.load %arg3[%get3A_20, %get3A_21] : memref<512x128xf32, #tpu.memory_space<vmem>>, vector<128x32xf32>
    %concatenate3A_23 = tpu.concatenate %get3A_16, %get3A_19, %get3A_22 in 1 : vector<128x32xf32>, vector<128x32xf32>, vector<128x32xf32> -> vector<128x96xf32>
    %get3A_24 = arith.constant 0 : index
    %get3A_25 = arith.constant 0 : index
    %get3A_26 = vector.load %arg4[%get3A_24, %get3A_25] : memref<128x96xf32, #tpu.memory_space<vmem>>, vector<128x96xf32>
    %dot_general3A_27 = arith.constant dense<0.000000e+00> : vector<128x128xf32>
    %dot_general3A_28 = tpu.matmul %concatenate3A_23, %get3A_26, %dot_general3A_27 {dimension_numbers = #tpu.dot_dimension_numbers<[1], [1], [0], [0], [0, 0, 1, 0], [], []>, transpose_lhs_hint = false} : vector<128x96xf32>, vector<128x96xf32>, vector<128x128xf32> -> vector<128x128xf32>
    %swap3A_29 = arith.constant 128 : index
    %swap3A_30 = arith.constant 0 : index
    %swap3A_31 = vector.load %arg5[%swap3A_29, %swap3A_30] : memref<2048x128xf32, #tpu.memory_space<vmem>>, vector<128x128xf32>
    tpu.vector_store %arg5[%swap3A_29, %swap3A_30], %dot_general3A_28 {strides = array<i32>} : memref<2048x128xf32, #tpu.memory_space<vmem>>, vector<128x128xf32>,
    %get3A_32 = arith.constant 0 : index
    %get3A_33 = arith.constant 64 : index
    %get3A_34 = vector.load %arg1[%get3A_32, %get3A_33] : memref<512x128xf32, #tpu.memory_space<vmem>>, vector<128x32xf32>
    %get3A_35 = arith.constant 0 : index
    %get3A_36 = arith.constant 64 : index
    %get3A_37 = vector.load %arg2[%get3A_35, %get3A_36] : memref<512x128xf32, #tpu.memory_space<vmem>>, vector<128x32xf32>
    %get3A_38 = arith.constant 0 : index
    %get3A_39 = arith.constant 64 : index
    %get3A_40 = vector.load %arg3[%get3A_38, %get3A_39] : memref<512x128xf32, #tpu.memory_space<vmem>>, vector<128x32xf32>
    %concatenate3A_41 = tpu.concatenate %get3A_34, %get3A_37, %get3A_40 in 1 : vector<128x32xf32>, vector<128x32xf32>, vector<128x32xf32> -> vector<128x96xf32>
    %get3A_42 = arith.constant 0 : index
    %get3A_43 = arith.constant 0 : index
    %get3A_44 = vector.load %arg4[%get3A_42, %get3A_43] : memref<128x96xf32, #tpu.memory_space<vmem>>, vector<128x96xf32>
    %dot_general3A_45 = arith.constant dense<0.000000e+00> : vector<128x128xf32>
    %dot_general3A_46 = tpu.matmul %concatenate3A_41, %get3A_44, %dot_general3A_45 {dimension_numbers = #tpu.dot_dimension_numbers<[1], [1], [0], [0], [0, 0, 1, 0], [], []>, transpose_lhs_hint = false} : vector<128x96xf32>, vector<128x96xf32>, vector<128x128xf32> -> vector<128x128xf32>
    %swap3A_47 = arith.constant 256 : index
    %swap3A_48 = arith.constant 0 : index
    %swap3A_49 = vector.load %arg5[%swap3A_47, %swap3A_48] : memref<2048x128xf32, #tpu.memory_space<vmem>>, vector<128x128xf32>
    tpu.vector_store %arg5[%swap3A_47, %swap3A_48], %dot_general3A_46 {strides = array<i32>} : memref<2048x128xf32, #tpu.memory_space<vmem>>, vector<128x128xf32>,
    %get3A_50 = arith.constant 0 : index
    %get3A_51 = arith.constant 96 : index
    %get3A_52 = vector.load %arg1[%get3A_50, %get3A_51] : memref<512x128xf32, #tpu.memory_space<vmem>>, vector<128x32xf32>
    %get3A_53 = arith.constant 0 : index
    %get3A_54 = arith.constant 96 : index
    %get3A_55 = vector.load %arg2[%get3A_53, %get3A_54] : memref<512x128xf32, #tpu.memory_space<vmem>>, vector<128x32xf32>
    %get3A_56 = arith.constant 0 : index
    %get3A_57 = arith.constant 96 : index
    %get3A_58 = vector.load %arg3[%get3A_56, %get3A_57] : memref<512x128xf32, #tpu.memory_space<vmem>>, vector<128x32xf32>
    %concatenate3A_59 = tpu.concatenate %get3A_52, %get3A_55, %get3A_58 in 1 : vector<128x32xf32>, vector<128x32xf32>, vector<128x32xf32> -> vector<128x96xf32>
    %get3A_60 = arith.constant 0 : index
    %get3A_61 = arith.constant 0 : index
    %get3A_62 = vector.load %arg4[%get3A_60, %get3A_61] : memref<128x96xf32, #tpu.memory_space<vmem>>, vector<128x96xf32>
    %dot_general3A_63 = arith.constant dense<0.000000e+00> : vector<128x128xf32>
    %dot_general3A_64 = tpu.matmul %concatenate3A_59, %get3A_62, %dot_general3A_63 {dimension_numbers = #tpu.dot_dimension_numbers<[1], [1], [0], [0], [0, 0, 1, 0], [], []>, transpose_lhs_hint = false} : vector<128x96xf32>, vector<128x96xf32>, vector<128x128xf32> -> vector<128x128xf32>
    %swap3A_65 = arith.constant 384 : index
    %swap3A_66 = arith.constant 0 : index
    %swap3A_67 = vector.load %arg5[%swap3A_65, %swap3A_66] : memref<2048x128xf32, #tpu.memory_space<vmem>>, vector<128x128xf32>
    tpu.vector_store %arg5[%swap3A_65, %swap3A_66], %dot_general3A_64 {strides = array<i32>} : memref<2048x128xf32, #tpu.memory_space<vmem>>, vector<128x128xf32>,
    %get3A_68 = arith.constant 128 : index
    %get3A_69 = arith.constant 0 : index
    %get3A_70 = vector.load %arg1[%get3A_68, %get3A_69] : memref<512x128xf32, #tpu.memory_space<vmem>>, vector<128x32xf32>
    %get3A_71 = arith.constant 128 : index
    %get3A_72 = arith.constant 0 : index
    %get3A_73 = vector.load %arg2[%get3A_71, %get3A_72] : memref<512x128xf32, #tpu.memory_space<vmem>>, vector<128x32xf32>
    %get3A_74 = arith.constant 128 : index
    %get3A_75 = arith.constant 0 : index
    %get3A_76 = vector.load %arg3[%get3A_74, %get3A_75] : memref<512x128xf32, #tpu.memory_space<vmem>>, vector<128x32xf32>
    %concatenate3A_77 = tpu.concatenate %get3A_70, %get3A_73, %get3A_76 in 1 : vector<128x32xf32>, vector<128x32xf32>, vector<128x32xf32> -> vector<128x96xf32>
    %get3A_78 = arith.constant 0 : index
    %get3A_79 = arith.constant 0 : index
    %get3A_80 = vector.load %arg4[%get3A_78, %get3A_79] : memref<128x96xf32, #tpu.memory_space<vmem>>, vector<128x96xf32>
    %dot_general3A_81 = arith.constant dense<0.000000e+00> : vector<128x128xf32>
    %dot_general3A_82 = tpu.matmul %concatenate3A_77, %get3A_80, %dot_general3A_81 {dimension_numbers = #tpu.dot_dimension_numbers<[1], [1], [0], [0], [0, 0, 1, 0], [], []>, transpose_lhs_hint = false} : vector<128x96xf32>, vector<128x96xf32>, vector<128x128xf32> -> vector<128x128xf32>
    %swap3A_83 = arith.constant 512 : index
    %swap3A_84 = arith.constant 0 : index
    %swap3A_85 = vector.load %arg5[%swap3A_83, %swap3A_84] : memref<2048x128xf32, #tpu.memory_space<vmem>>, vector<128x128xf32>
    tpu.vector_store %arg5[%swap3A_83, %swap3A_84], %dot_general3A_82 {strides = array<i32>} : memref<2048x128xf32, #tpu.memory_space<vmem>>, vector<128x128xf32>,
    %get3A_86 = arith.constant 128 : index
    %get3A_87 = arith.constant 32 : index
    %get3A_88 = vector.load %arg1[%get3A_86, %get3A_87] : memref<512x128xf32, #tpu.memory_space<vmem>>, vector<128x32xf32>
    %get3A_89 = arith.constant 128 : index
    %get3A_90 = arith.constant 32 : index
    %get3A_91 = vector.load %arg2[%get3A_89, %get3A_90] : memref<512x128xf32, #tpu.memory_space<vmem>>, vector<128x32xf32>
    %get3A_92 = arith.constant 128 : index
    %get3A_93 = arith.constant 32 : index
    %get3A_94 = vector.load %arg3[%get3A_92, %get3A_93] : memref<512x128xf32, #tpu.memory_space<vmem>>, vector<128x32xf32>
    %concatenate3A_95 = tpu.concatenate %get3A_88, %get3A_91, %get3A_94 in 1 : vector<128x32xf32>, vector<128x32xf32>, vector<128x32xf32> -> vector<128x96xf32>
    %get3A_96 = arith.constant 0 : index
    %get3A_97 = arith.constant 0 : index
    %get3A_98 = vector.load %arg4[%get3A_96, %get3A_97] : memref<128x96xf32, #tpu.memory_space<vmem>>, vector<128x96xf32>
    %dot_general3A_99 = arith.constant dense<0.000000e+00> : vector<128x128xf32>
    %dot_general3A_100 = tpu.matmul %concatenate3A_95, %get3A_98, %dot_general3A_99 {dimension_numbers = #tpu.dot_dimension_numbers<[1], [1], [0], [0], [0, 0, 1, 0], [], []>, transpose_lhs_hint = false} : vector<128x96xf32>, vector<128x96xf32>, vector<128x128xf32> -> vector<128x128xf32>
    %swap3A_101 = arith.constant 640 : index
    %swap3A_102 = arith.constant 0 : index
    %swap3A_103 = vector.load %arg5[%swap3A_101, %swap3A_102] : memref<2048x128xf32, #tpu.memory_space<vmem>>, vector<128x128xf32>
    tpu.vector_store %arg5[%swap3A_101, %swap3A_102], %dot_general3A_100 {strides = array<i32>} : memref<2048x128xf32, #tpu.memory_space<vmem>>, vector<128x128xf32>,
    %get3A_104 = arith.constant 128 : index
    %get3A_105 = arith.constant 64 : index
    %get3A_106 = vector.load %arg1[%get3A_104, %get3A_105] : memref<512x128xf32, #tpu.memory_space<vmem>>, vector<128x32xf32>
    %get3A_107 = arith.constant 128 : index
    %get3A_108 = arith.constant 64 : index
    %get3A_109 = vector.load %arg2[%get3A_107, %get3A_108] : memref<512x128xf32, #tpu.memory_space<vmem>>, vector<128x32xf32>
    %get3A_110 = arith.constant 128 : index
    %get3A_111 = arith.constant 64 : index
    %get3A_112 = vector.load %arg3[%get3A_110, %get3A_111] : memref<512x128xf32, #tpu.memory_space<vmem>>, vector<128x32xf32>
    %concatenate3A_113 = tpu.concatenate %get3A_106, %get3A_109, %get3A_112 in 1 : vector<128x32xf32>, vector<128x32xf32>, vector<128x32xf32> -> vector<128x96xf32>
    %get3A_114 = arith.constant 0 : index
    %get3A_115 = arith.constant 0 : index
    %get3A_116 = vector.load %arg4[%get3A_114, %get3A_115] : memref<128x96xf32, #tpu.memory_space<vmem>>, vector<128x96xf32>
    %dot_general3A_117 = arith.constant dense<0.000000e+00> : vector<128x128xf32>
    %dot_general3A_118 = tpu.matmul %concatenate3A_113, %get3A_116, %dot_general3A_117 {dimension_numbers = #tpu.dot_dimension_numbers<[1], [1], [0], [0], [0, 0, 1, 0], [], []>, transpose_lhs_hint = false} : vector<128x96xf32>, vector<128x96xf32>, vector<128x128xf32> -> vector<128x128xf32>
    %swap3A_119 = arith.constant 768 : index
    %swap3A_120 = arith.constant 0 : index
    %swap3A_121 = vector.load %arg5[%swap3A_119, %swap3A_120] : memref<2048x128xf32, #tpu.memory_space<vmem>>, vector<128x128xf32>
    tpu.vector_store %arg5[%swap3A_119, %swap3A_120], %dot_general3A_118 {strides = array<i32>} : memref<2048x128xf32, #tpu.memory_space<vmem>>, vector<128x128xf32>,
    %get3A_122 = arith.constant 128 : index
    %get3A_123 = arith.constant 96 : index
    %get3A_124 = vector.load %arg1[%get3A_122, %get3A_123] : memref<512x128xf32, #tpu.memory_space<vmem>>, vector<128x32xf32>
    %get3A_125 = arith.constant 128 : index
    %get3A_126 = arith.constant 96 : index
    %get3A_127 = vector.load %arg2[%get3A_125, %get3A_126] : memref<512x128xf32, #tpu.memory_space<vmem>>, vector<128x32xf32>
    %get3A_128 = arith.constant 128 : index
    %get3A_129 = arith.constant 96 : index
    %get3A_130 = vector.load %arg3[%get3A_128, %get3A_129] : memref<512x128xf32, #tpu.memory_space<vmem>>, vector<128x32xf32>
    %concatenate3A_131 = tpu.concatenate %get3A_124, %get3A_127, %get3A_130 in 1 : vector<128x32xf32>, vector<128x32xf32>, vector<128x32xf32> -> vector<128x96xf32>
    %get3A_132 = arith.constant 0 : index
    %get3A_133 = arith.constant 0 : index
    %get3A_134 = vector.load %arg4[%get3A_132, %get3A_133] : memref<128x96xf32, #tpu.memory_space<vmem>>, vector<128x96xf32>
    %dot_general3A_135 = arith.constant dense<0.000000e+00> : vector<128x128xf32>
    %dot_general3A_136 = tpu.matmul %concatenate3A_131, %get3A_134, %dot_general3A_135 {dimension_numbers = #tpu.dot_dimension_numbers<[1], [1], [0], [0], [0, 0, 1, 0], [], []>, transpose_lhs_hint = false} : vector<128x96xf32>, vector<128x96xf32>, vector<128x128xf32> -> vector<128x128xf32>
    %swap3A_137 = arith.constant 896 : index
    %swap3A_138 = arith.constant 0 : index
    %swap3A_139 = vector.load %arg5[%swap3A_137, %swap3A_138] : memref<2048x128xf32, #tpu.memory_space<vmem>>, vector<128x128xf32>
    tpu.vector_store %arg5[%swap3A_137, %swap3A_138], %dot_general3A_136 {strides = array<i32>} : memref<2048x128xf32, #tpu.memory_space<vmem>>, vector<128x128xf32>,
    %get3A_140 = arith.constant 256 : index
    %get3A_141 = arith.constant 0 : index
    %get3A_142 = vector.load %arg1[%get3A_140, %get3A_141] : memref<512x128xf32, #tpu.memory_space<vmem>>, vector<128x32xf32>
    %get3A_143 = arith.constant 256 : index
    %get3A_144 = arith.constant 0 : index
    %get3A_145 = vector.load %arg2[%get3A_143, %get3A_144] : memref<512x128xf32, #tpu.memory_space<vmem>>, vector<128x32xf32>
    %get3A_146 = arith.constant 256 : index
    %get3A_147 = arith.constant 0 : index
    %get3A_148 = vector.load %arg3[%get3A_146, %get3A_147] : memref<512x128xf32, #tpu.memory_space<vmem>>, vector<128x32xf32>
    %concatenate3A_149 = tpu.concatenate %get3A_142, %get3A_145, %get3A_148 in 1 : vector<128x32xf32>, vector<128x32xf32>, vector<128x32xf32> -> vector<128x96xf32>
    %get3A_150 = arith.constant 0 : index
    %get3A_151 = arith.constant 0 : index
    %get3A_152 = vector.load %arg4[%get3A_150, %get3A_151] : memref<128x96xf32, #tpu.memory_space<vmem>>, vector<128x96xf32>
    %dot_general3A_153 = arith.constant dense<0.000000e+00> : vector<128x128xf32>
    %dot_general3A_154 = tpu.matmul %concatenate3A_149, %get3A_152, %dot_general3A_153 {dimension_numbers = #tpu.dot_dimension_numbers<[1], [1], [0], [0], [0, 0, 1, 0], [], []>, transpose_lhs_hint = false} : vector<128x96xf32>, vector<128x96xf32>, vector<128x128xf32> -> vector<128x128xf32>
    %swap3A_155 = arith.constant 1024 : index
    %swap3A_156 = arith.constant 0 : index
    %swap3A_157 = vector.load %arg5[%swap3A_155, %swap3A_156] : memref<2048x128xf32, #tpu.memory_space<vmem>>, vector<128x128xf32>
    tpu.vector_store %arg5[%swap3A_155, %swap3A_156], %dot_general3A_154 {strides = array<i32>} : memref<2048x128xf32, #tpu.memory_space<vmem>>, vector<128x128xf32>,
    %get3A_158 = arith.constant 256 : index
    %get3A_159 = arith.constant 32 : index
    %get3A_160 = vector.load %arg1[%get3A_158, %get3A_159] : memref<512x128xf32, #tpu.memory_space<vmem>>, vector<128x32xf32>
    %get3A_161 = arith.constant 256 : index
    %get3A_162 = arith.constant 32 : index
    %get3A_163 = vector.load %arg2[%get3A_161, %get3A_162] : memref<512x128xf32, #tpu.memory_space<vmem>>, vector<128x32xf32>
    %get3A_164 = arith.constant 256 : index
    %get3A_165 = arith.constant 32 : index
    %get3A_166 = vector.load %arg3[%get3A_164, %get3A_165] : memref<512x128xf32, #tpu.memory_space<vmem>>, vector<128x32xf32>
    %concatenate3A_167 = tpu.concatenate %get3A_160, %get3A_163, %get3A_166 in 1 : vector<128x32xf32>, vector<128x32xf32>, vector<128x32xf32> -> vector<128x96xf32>
    %get3A_168 = arith.constant 0 : index
    %get3A_169 = arith.constant 0 : index
    %get3A_170 = vector.load %arg4[%get3A_168, %get3A_169] : memref<128x96xf32, #tpu.memory_space<vmem>>, vector<128x96xf32>
    %dot_general3A_171 = arith.constant dense<0.000000e+00> : vector<128x128xf32>
    %dot_general3A_172 = tpu.matmul %concatenate3A_167, %get3A_170, %dot_general3A_171 {dimension_numbers = #tpu.dot_dimension_numbers<[1], [1], [0], [0], [0, 0, 1, 0], [], []>, transpose_lhs_hint = false} : vector<128x96xf32>, vector<128x96xf32>, vector<128x128xf32> -> vector<128x128xf32>
    %swap3A_173 = arith.constant 1152 : index
    %swap3A_174 = arith.constant 0 : index
    %swap3A_175 = vector.load %arg5[%swap3A_173, %swap3A_174] : memref<2048x128xf32, #tpu.memory_space<vmem>>, vector<128x128xf32>
    tpu.vector_store %arg5[%swap3A_173, %swap3A_174], %dot_general3A_172 {strides = array<i32>} : memref<2048x128xf32, #tpu.memory_space<vmem>>, vector<128x128xf32>,
    %get3A_176 = arith.constant 256 : index
    %get3A_177 = arith.constant 64 : index
    %get3A_178 = vector.load %arg1[%get3A_176, %get3A_177] : memref<512x128xf32, #tpu.memory_space<vmem>>, vector<128x32xf32>
    %get3A_179 = arith.constant 256 : index
    %get3A_180 = arith.constant 64 : index
    %get3A_181 = vector.load %arg2[%get3A_179, %get3A_180] : memref<512x128xf32, #tpu.memory_space<vmem>>, vector<128x32xf32>
    %get3A_182 = arith.constant 256 : index
    %get3A_183 = arith.constant 64 : index
    %get3A_184 = vector.load %arg3[%get3A_182, %get3A_183] : memref<512x128xf32, #tpu.memory_space<vmem>>, vector<128x32xf32>
    %concatenate3A_185 = tpu.concatenate %get3A_178, %get3A_181, %get3A_184 in 1 : vector<128x32xf32>, vector<128x32xf32>, vector<128x32xf32> -> vector<128x96xf32>
    %get3A_186 = arith.constant 0 : index
    %get3A_187 = arith.constant 0 : index
    %get3A_188 = vector.load %arg4[%get3A_186, %get3A_187] : memref<128x96xf32, #tpu.memory_space<vmem>>, vector<128x96xf32>
    %dot_general3A_189 = arith.constant dense<0.000000e+00> : vector<128x128xf32>
    %dot_general3A_190 = tpu.matmul %concatenate3A_185, %get3A_188, %dot_general3A_189 {dimension_numbers = #tpu.dot_dimension_numbers<[1], [1], [0], [0], [0, 0, 1, 0], [], []>, transpose_lhs_hint = false} : vector<128x96xf32>, vector<128x96xf32>, vector<128x128xf32> -> vector<128x128xf32>
    %swap3A_191 = arith.constant 1280 : index
    %swap3A_192 = arith.constant 0 : index
    %swap3A_193 = vector.load %arg5[%swap3A_191, %swap3A_192] : memref<2048x128xf32, #tpu.memory_space<vmem>>, vector<128x128xf32>
    tpu.vector_store %arg5[%swap3A_191, %swap3A_192], %dot_general3A_190 {strides = array<i32>} : memref<2048x128xf32, #tpu.memory_space<vmem>>, vector<128x128xf32>,
    %get3A_194 = arith.constant 256 : index
    %get3A_195 = arith.constant 96 : index
    %get3A_196 = vector.load %arg1[%get3A_194, %get3A_195] : memref<512x128xf32, #tpu.memory_space<vmem>>, vector<128x32xf32>
    %get3A_197 = arith.constant 256 : index
    %get3A_198 = arith.constant 96 : index
    %get3A_199 = vector.load %arg2[%get3A_197, %get3A_198] : memref<512x128xf32, #tpu.memory_space<vmem>>, vector<128x32xf32>
    %get3A_200 = arith.constant 256 : index
    %get3A_201 = arith.constant 96 : index
    %get3A_202 = vector.load %arg3[%get3A_200, %get3A_201] : memref<512x128xf32, #tpu.memory_space<vmem>>, vector<128x32xf32>
    %concatenate3A_203 = tpu.concatenate %get3A_196, %get3A_199, %get3A_202 in 1 : vector<128x32xf32>, vector<128x32xf32>, vector<128x32xf32> -> vector<128x96xf32>
    %get3A_204 = arith.constant 0 : index
    %get3A_205 = arith.constant 0 : index
    %get3A_206 = vector.load %arg4[%get3A_204, %get3A_205] : memref<128x96xf32, #tpu.memory_space<vmem>>, vector<128x96xf32>
    %dot_general3A_207 = arith.constant dense<0.000000e+00> : vector<128x128xf32>
    %dot_general3A_208 = tpu.matmul %concatenate3A_203, %get3A_206, %dot_general3A_207 {dimension_numbers = #tpu.dot_dimension_numbers<[1], [1], [0], [0], [0, 0, 1, 0], [], []>, transpose_lhs_hint = false} : vector<128x96xf32>, vector<128x96xf32>, vector<128x128xf32> -> vector<128x128xf32>
    %swap3A_209 = arith.constant 1408 : index
    %swap3A_210 = arith.constant 0 : index
    %swap3A_211 = vector.load %arg5[%swap3A_209, %swap3A_210] : memref<2048x128xf32, #tpu.memory_space<vmem>>, vector<128x128xf32>
    tpu.vector_store %arg5[%swap3A_209, %swap3A_210], %dot_general3A_208 {strides = array<i32>} : memref<2048x128xf32, #tpu.memory_space<vmem>>, vector<128x128xf32>,
    %get3A_212 = arith.constant 384 : index
    %get3A_213 = arith.constant 0 : index
    %get3A_214 = vector.load %arg1[%get3A_212, %get3A_213] : memref<512x128xf32, #tpu.memory_space<vmem>>, vector<128x32xf32>
    %get3A_215 = arith.constant 384 : index
    %get3A_216 = arith.constant 0 : index
    %get3A_217 = vector.load %arg2[%get3A_215, %get3A_216] : memref<512x128xf32, #tpu.memory_space<vmem>>, vector<128x32xf32>
    %get3A_218 = arith.constant 384 : index
    %get3A_219 = arith.constant 0 : index
    %get3A_220 = vector.load %arg3[%get3A_218, %get3A_219] : memref<512x128xf32, #tpu.memory_space<vmem>>, vector<128x32xf32>
    %concatenate3A_221 = tpu.concatenate %get3A_214, %get3A_217, %get3A_220 in 1 : vector<128x32xf32>, vector<128x32xf32>, vector<128x32xf32> -> vector<128x96xf32>
    %get3A_222 = arith.constant 0 : index
    %get3A_223 = arith.constant 0 : index
    %get3A_224 = vector.load %arg4[%get3A_222, %get3A_223] : memref<128x96xf32, #tpu.memory_space<vmem>>, vector<128x96xf32>
    %dot_general3A_225 = arith.constant dense<0.000000e+00> : vector<128x128xf32>
    %dot_general3A_226 = tpu.matmul %concatenate3A_221, %get3A_224, %dot_general3A_225 {dimension_numbers = #tpu.dot_dimension_numbers<[1], [1], [0], [0], [0, 0, 1, 0], [], []>, transpose_lhs_hint = false} : vector<128x96xf32>, vector<128x96xf32>, vector<128x128xf32> -> vector<128x128xf32>
    %swap3A_227 = arith.constant 1536 : index
    %swap3A_228 = arith.constant 0 : index
    %swap3A_229 = vector.load %arg5[%swap3A_227, %swap3A_228] : memref<2048x128xf32, #tpu.memory_space<vmem>>, vector<128x128xf32>
    tpu.vector_store %arg5[%swap3A_227, %swap3A_228], %dot_general3A_226 {strides = array<i32>} : memref<2048x128xf32, #tpu.memory_space<vmem>>, vector<128x128xf32>,
    %get3A_230 = arith.constant 384 : index
    %get3A_231 = arith.constant 32 : index
    %get3A_232 = vector.load %arg1[%get3A_230, %get3A_231] : memref<512x128xf32, #tpu.memory_space<vmem>>, vector<128x32xf32>
    %get3A_233 = arith.constant 384 : index
    %get3A_234 = arith.constant 32 : index
    %get3A_235 = vector.load %arg2[%get3A_233, %get3A_234] : memref<512x128xf32, #tpu.memory_space<vmem>>, vector<128x32xf32>
    %get3A_236 = arith.constant 384 : index
    %get3A_237 = arith.constant 32 : index
    %get3A_238 = vector.load %arg3[%get3A_236, %get3A_237] : memref<512x128xf32, #tpu.memory_space<vmem>>, vector<128x32xf32>
    %concatenate3A_239 = tpu.concatenate %get3A_232, %get3A_235, %get3A_238 in 1 : vector<128x32xf32>, vector<128x32xf32>, vector<128x32xf32> -> vector<128x96xf32>
    %get3A_240 = arith.constant 0 : index
    %get3A_241 = arith.constant 0 : index
    %get3A_242 = vector.load %arg4[%get3A_240, %get3A_241] : memref<128x96xf32, #tpu.memory_space<vmem>>, vector<128x96xf32>
    %dot_general3A_243 = arith.constant dense<0.000000e+00> : vector<128x128xf32>
    %dot_general3A_244 = tpu.matmul %concatenate3A_239, %get3A_242, %dot_general3A_243 {dimension_numbers = #tpu.dot_dimension_numbers<[1], [1], [0], [0], [0, 0, 1, 0], [], []>, transpose_lhs_hint = false} : vector<128x96xf32>, vector<128x96xf32>, vector<128x128xf32> -> vector<128x128xf32>
    %swap3A_245 = arith.constant 1664 : index
    %swap3A_246 = arith.constant 0 : index
    %swap3A_247 = vector.load %arg5[%swap3A_245, %swap3A_246] : memref<2048x128xf32, #tpu.memory_space<vmem>>, vector<128x128xf32>
    tpu.vector_store %arg5[%swap3A_245, %swap3A_246], %dot_general3A_244 {strides = array<i32>} : memref<2048x128xf32, #tpu.memory_space<vmem>>, vector<128x128xf32>,
    %get3A_248 = arith.constant 384 : index
    %get3A_249 = arith.constant 64 : index
    %get3A_250 = vector.load %arg1[%get3A_248, %get3A_249] : memref<512x128xf32, #tpu.memory_space<vmem>>, vector<128x32xf32>
    %get3A_251 = arith.constant 384 : index
    %get3A_252 = arith.constant 64 : index
    %get3A_253 = vector.load %arg2[%get3A_251, %get3A_252] : memref<512x128xf32, #tpu.memory_space<vmem>>, vector<128x32xf32>
    %get3A_254 = arith.constant 384 : index
    %get3A_255 = arith.constant 64 : index
    %get3A_256 = vector.load %arg3[%get3A_254, %get3A_255] : memref<512x128xf32, #tpu.memory_space<vmem>>, vector<128x32xf32>
    %concatenate3A_257 = tpu.concatenate %get3A_250, %get3A_253, %get3A_256 in 1 : vector<128x32xf32>, vector<128x32xf32>, vector<128x32xf32> -> vector<128x96xf32>
    %get3A_258 = arith.constant 0 : index
    %get3A_259 = arith.constant 0 : index
    %get3A_260 = vector.load %arg4[%get3A_258, %get3A_259] : memref<128x96xf32, #tpu.memory_space<vmem>>, vector<128x96xf32>
    %dot_general3A_261 = arith.constant dense<0.000000e+00> : vector<128x128xf32>
    %dot_general3A_262 = tpu.matmul %concatenate3A_257, %get3A_260, %dot_general3A_261 {dimension_numbers = #tpu.dot_dimension_numbers<[1], [1], [0], [0], [0, 0, 1, 0], [], []>, transpose_lhs_hint = false} : vector<128x96xf32>, vector<128x96xf32>, vector<128x128xf32> -> vector<128x128xf32>
    %swap3A_263 = arith.constant 1792 : index
    %swap3A_264 = arith.constant 0 : index
    %swap3A_265 = vector.load %arg5[%swap3A_263, %swap3A_264] : memref<2048x128xf32, #tpu.memory_space<vmem>>, vector<128x128xf32>
    tpu.vector_store %arg5[%swap3A_263, %swap3A_264], %dot_general3A_262 {strides = array<i32>} : memref<2048x128xf32, #tpu.memory_space<vmem>>, vector<128x128xf32>,
    %get3A_266 = arith.constant 384 : index
    %get3A_267 = arith.constant 96 : index
    %get3A_268 = vector.load %arg1[%get3A_266, %get3A_267] : memref<512x128xf32, #tpu.memory_space<vmem>>, vector<128x32xf32>
    %get3A_269 = arith.constant 384 : index
    %get3A_270 = arith.constant 96 : index
    %get3A_271 = vector.load %arg2[%get3A_269, %get3A_270] : memref<512x128xf32, #tpu.memory_space<vmem>>, vector<128x32xf32>
    %get3A_272 = arith.constant 384 : index
    %get3A_273 = arith.constant 96 : index
    %get3A_274 = vector.load %arg3[%get3A_272, %get3A_273] : memref<512x128xf32, #tpu.memory_space<vmem>>, vector<128x32xf32>
    %concatenate3A_275 = tpu.concatenate %get3A_268, %get3A_271, %get3A_274 in 1 : vector<128x32xf32>, vector<128x32xf32>, vector<128x32xf32> -> vector<128x96xf32>
    %get3A_276 = arith.constant 0 : index
    %get3A_277 = arith.constant 0 : index
    %get3A_278 = vector.load %arg4[%get3A_276, %get3A_277] : memref<128x96xf32, #tpu.memory_space<vmem>>, vector<128x96xf32>
    %dot_general3A_279 = arith.constant dense<0.000000e+00> : vector<128x128xf32>
    %dot_general3A_280 = tpu.matmul %concatenate3A_275, %get3A_278, %dot_general3A_279 {dimension_numbers = #tpu.dot_dimension_numbers<[1], [1], [0], [0], [0, 0, 1, 0], [], []>, transpose_lhs_hint = false} : vector<128x96xf32>, vector<128x96xf32>, vector<128x128xf32> -> vector<128x128xf32>
    %swap3A_281 = arith.constant 1920 : index
    %swap3A_282 = arith.constant 0 : index
    %swap3A_283 = vector.load %arg5[%swap3A_281, %swap3A_282] : memref<2048x128xf32, #tpu.memory_space<vmem>>, vector<128x128xf32>
    tpu.vector_store %arg5[%swap3A_281, %swap3A_282], %dot_general3A_280 {strides = array<i32>} : memref<2048x128xf32, #tpu.memory_space<vmem>>, vector<128x128xf32>,
    return
  }
  func.func @transform_0(%arg0: i32) -> (i32, i32) {
    %c0_i32 = arith.constant 0 : i32
    %c0_i32_0 = arith.constant 0 : i32
    return %arg0, %c0_i32 : i32, i32
  }
  func.func @transform_1(%arg0: i32) -> (i32, i32) {
    %c0_i32 = arith.constant 0 : i32
    %c0_i32_0 = arith.constant 0 : i32
    return %arg0, %c0_i32 : i32, i32
  }
  func.func @transform_2(%arg0: i32) -> (i32, i32) {
    %c0_i32 = arith.constant 0 : i32
    %c0_i32_0 = arith.constant 0 : i32
    return %arg0, %c0_i32 : i32, i32
  }
  func.func @transform_3(%arg0: i32) -> (i32, i32) {
    %c0_i32 = arith.constant 0 : i32
    %c0_i32_0 = arith.constant 0 : i32
    %c0_i32_1 = arith.constant 0 : i32
    return %c0_i32, %c0_i32_0 : i32, i32
  }
  func.func @transform_4(%arg0: i32) -> (i32, i32) {
    %c0_i32 = arith.constant 0 : i32
    %c0_i32_0 = arith.constant 0 : i32
    return %arg0, %c0_i32 : i32, i32
  }
}

</mosaic_0001>

<sc_bundles>
// kernel: kernel.12.cloned.1.call-start
scs
__scs_entry_jumppad:
0x0: {  	(pc) =	sbr.rel $0x88, $3  }
0x1: {  	(tag) =	ssettag $0x0;
	lr =	simm.s32 $0x1  }
0x2: {  	[smem:$0x3F9C] =	sst lr;
	_ =	strace $0xD0000000  }
0x3: {  	_ = 	snop  }
0x4: {  	_ = 	snop  }
0x5: {  	_ = 	snop  }
0x6: {  	_ = 	snop  }
0x7: {  	_ = 	snop  }
__scs_overlays_trampoline_lowered:
0x8: {  	[smem:$0x3FAB] =	sst s0  }
0x9: {  	[smem:$0x3FAC] =	sst s1  }
0xa: {  	[smem:$0x3FAD] =	sst s2  }
0xb: {  	[smem:$0x3FAE] =	sst s3  }
0xc: {  	[smem:$0x3FAF] =	sst s4  }
0xd: {  	[smem:$0x3FB0] =	sst s5  }
0xe: {  	[smem:$0x3FB1] =	sst s6  }
0xf: {  	[smem:$0x3FB2] =	sst s7  }
0x10: {  	[smem:$0x3FB3] =	sst s8  }
0x11: {  	[smem:$0x3FB4] =	sst s9;
	s0 =	simm.s32 @!p0 $0x0  }
0x12: {  	s1 =	sld [smem:$0x3F9A];
	s0 =	simm.s32 @p0 $0x1  }
0x13: {  	[smem:$0x3FB5] =	sst s0;
	s0 =	simm.s32 @!p1 $0x0  }
0x14: {  	s2 =	sld [smem:$0x3F99];
	s0 =	simm.s32 @p1 $0x1  }
0x15: {  	[smem:$0x3FB6] =	sst s0;
	s0 =	simm.s32 @!p2 $0x0  }
0x16: {  	s3 =	sld [smem:$0x3FDB];
	s0 =	simm.s32 @p2 $0x1  }
0x17: {  	s4 =	simm.s32 $0x1BF5;
	[smem:$0x3FB8] =	sst s0  }
0x18: {  	s0 =	sld [smem:$0x3F9B];
	_ =	swait.ge [sflag:s4], $0x0  }
0x19: {  	s7 =	sld [smem:$0x3F9C]  }
0x1a: {  	s8 =	sadd.s32 $0xFFFFE003, lr  }
0x1b: {  	s9 =	sadd.s32 $0xFFFFFEF7, lr;
	s5 =	simm.s32 $0xFFFFFFFF;
	p2 =	slt.u32 s8, $0xFFFFF086  }
0x1c: {  	p1 =	slt.u32 s9, $0xF7A;
	s5 =	simm.s32 @!p2 $0x0  }
0x1d: {  	s5 =	simm.s32 @p1 $0x1;
	p0 =	seq.s32 s7, s2  }
0x1e: {  	s7 =	smul.u32 @!p0 $0xF7A, s2;
	p2 =	seq.s32 @!p0 s5, $0x0  }
0x1f: {  	s9 =	smul.u32 $0xF7A, s1;
	s8 =	simm.s32 @!p0 $0x1BF5;
	p2 =	por !p2, p0  }
0x20: {  	[sflag:s8] =	ssyncset.s32 @!p0 $0xFFFFF086;
	s6 =	sadd.s32 @!p0 s3, s7;
	s7 =	simm.s32 @!p0 $0x108  }
0x21: {  	s3 =	sadd.s32 s3, s9;
	s6 =	sadd.s32 @!p0 $0x88, s6;
	s7 =	simm.s32 @p2 $0x1082  }
0x22: {  	[simem:s7], [sflag:s8] =	dma.local @!p0 [hbm:s6], $0xF7A  }
0x23: {  	s9 =	sor.u32 $0xD0000000, s2;
	s6 =	simm.s32 $0x108;
	_ =	swait.ge @!p0 [sflag:s8], $0x0  }
0x24: {  	s3 =	sadd.s32 $0x88, s3;
	s6 =	simm.s32 @!p1 $0x1082;
	[sflag:s4] =	ssyncset.s32 $0xFFFFF086  }
0x25: {  	[simem:s6], [sflag:s4] =	dma.local [hbm:s3], $0xF7A  }
0x26: {  	[smem:$0x3F9C] =	sst s1;
	(tag) =	ssettag s2;
	_ =	strace s9  }
0x27: {  	s1 =	sld [smem:$0x3FAC]  }
0x28: {  	s2 =	sld [smem:$0x3FAD]  }
0x29: {  	s4 =	sld [smem:$0x3FAF]  }
0x2a: {  	p0 =	seq.s32 s5, $0x0;
	s5 =	sld [smem:$0x3FB0]  }
0x2b: {  	s6 =	sld [smem:$0x3FB1]  }
0x2c: {  	s7 =	sld [smem:$0x3FB2]  }
0x2d: {  	s3 =	simm.s32 $0x108;
	s8 =	sld [smem:$0x3FB3]  }
0x2e: {  	s3 =	simm.s32 @!p0 $0x1082;
	s9 =	sld [smem:$0x3FB4]  }
0x2f: {  	lr =	sadd.s32 s0, s3;
	s0 =	sld [smem:$0x3FAB]  }
0x30: {  	s3 =	sld [smem:$0x3FAE]  }
0x31: {  	[smem:$0x3FB7] =	sst s10  }
0x32: {  	s10 =	sld [smem:$0x3FB5];
	_ =	sdelay $0x3  }
0x33: {  	p0 =	seq.s32 s10, $0x1;
	s10 =	sld [smem:$0x3FB7];
	_ =	sdelay $0x3  }
0x34: {  	[smem:$0x3FB7] =	sst s10  }
0x35: {  	s10 =	sld [smem:$0x3FB6];
	_ =	sdelay $0x3  }
0x36: {  	p1 =	seq.s32 s10, $0x1;
	s10 =	sld [smem:$0x3FB7];
	_ =	sdelay $0x3  }
0x37: {  	[smem:$0x3FB7] =	sst s10  }
0x38: {  	s10 =	sld [smem:$0x3FB8]  }
0x39: {  	_ = 	snop;
	(pc) =	sbr.ind lr, $3  }
0x3a: {  	_ = 	snop  }
0x3b: {  	_ = 	snop  }
0x3c: {  	p2 =	seq.s32 s10, $0x1;
	s10 =	sld [smem:$0x3FB7]  }
0x3d: {  	_ =	shalt  }
0x3e: {  	_ =	shalt  }
0x3f: {  	_ =	shalt  }
0x40: {  	_ =	shalt  }
0x41: {  	_ =	shalt  }
0x42: {  	_ =	shalt  }
0x43: {  	_ =	shalt  }
0x44: {  	_ =	shalt  }
0x45: {  	_ =	shalt  }
0x46: {  	_ =	shalt  }
0x47: {  	_ =	shalt  }
0x48: {  	_ =	shalt  }
0x49: {  	_ =	shalt  }
0x4a: {  	_ =	shalt  }
0x4b: {  	_ =	shalt  }
0x4c: {  	_ =	shalt  }
0x4d: {  	_ =	shalt  }
0x4e: {  	_ =	shalt  }
0x4f: {  	_ =	shalt  }
0x50: {  	_ =	shalt  }
0x51: {  	_ =	shalt  }
0x52: {  	_ =	shalt  }
0x53: {  	_ =	shalt  }
0x54: {  	_ =	shalt  }
0x55: {  	_ =	shalt  }
0x56: {  	_ =	shalt  }
0x57: {  	_ =	shalt  }
0x58: {  	_ =	shalt  }
0x59: {  	_ =	shalt  }
0x5a: {  	_ =	shalt  }
0x5b: {  	_ =	shalt  }
0x5c: {  	_ =	shalt  }
0x5d: {  	_ =	shalt  }
0x5e: {  	_ =	shalt  }
0x5f: {  	_ =	shalt  }
0x60: {  	_ =	shalt  }
0x61: {  	_ =	shalt  }
0x62: {  	_ =	shalt  }
0x63: {  	_ =	shalt  }
0x64: {  	_ =	shalt  }
0x65: {  	_ =	shalt  }
0x66: {  	_ =	shalt  }
0x67: {  	_ =	shalt  }
0x68: {  	_ =	shalt  }
0x69: {  	_ =	shalt  }
0x6a: {  	_ =	shalt  }
0x6b: {  	_ =	shalt  }
0x6c: {  	_ =	shalt  }
0x6d: {  	_ =	shalt  }
0x6e: {  	_ =	shalt  }
0x6f: {  	_ =	shalt  }
0x70: {  	_ =	shalt  }
0x71: {  	_ =	shalt  }
0x72: {  	_ =	shalt  }
0x73: {  	_ =	shalt  }
0x74: {  	_ =	shalt  }
0x75: {  	_ =	shalt  }
0x76: {  	_ =	shalt  }
0x77: {  	_ =	shalt  }
0x78: {  	_ =	shalt  }
0x79: {  	_ =	shalt  }
0x7a: {  	_ =	shalt  }
0x7b: {  	_ =	shalt  }
0x7c: {  	_ =	shalt  }
0x7d: {  	_ =	shalt  }
0x7e: {  	_ =	shalt  }
0x7f: {  	_ =	shalt  }
0x80: {  	_ =	shalt  }
0x81: {  	_ =	shalt  }
0x82: {  	_ =	shalt  }
0x83: {  	_ =	shalt  }
0x84: {  	_ =	shalt  }
0x85: {  	_ =	shalt  }
0x86: {  	_ =	shalt  }
0x87: {  	_ =	shalt  }
.Lfunc_end0:
.L_simem_size_0:
called_computation.1_lowered:
.L_overlay_start_0:
0x88: {  	s2 =	sld [smem:$0x3FD9]  }
0x89: {  	s3 =	sld [smem:$0x3FFE];
	_ =	sdelay $0x1  }
0x8a: {  	s1 =	srdreg.scid  }
0x8b: {  	s0 =	sand.u32 $0x1, s1  }
0x8c: {  	s17 =	sshll.u32 s0, $0xA;
	s2 =	sadd.s32 s3, s2  }
0x8d: {  	s2 =	sadd.s32 s2, s17  }
0x8e: {  	[smem:$0x3FC3] =	sst s2  }
0x8f: {  	_ = 	snop  }
0x90: {  	s2 =	sld [smem:$0x3FD0];
	(tm) =	ssettm $0x1  }
0x91: {  	s18 =	sld [smem:$0x3FFB];
	_ =	sdelay $0x3  }
0x92: {  	_ =	strace s18  }
0x93: {  	s3 =	sld [smem:$0x3FFC];
	_ =	sdelay $0x3  }
0x94: {  	_ =	strace s3  }
0x95: {  	s3 =	sld [smem:$0x3FFD];
	_ =	sdelay $0x3  }
0x96: {  	_ =	strace s3  }
0x97: {  	_ =	strace $0x8FFFFFFF  }
0x98: {  	s19 =	sld [smem:$0x3FDB];
	_ =	sdelay $0x1  }
0x99: {  	s4 =	simm.s32 $_scs_section_size  }
0x9a: {  	s5 =	simm.s32 $_size__tile_overlayer_lowered;
	s6 =	simm.s32 $_tile_overlayer_lowered  }
0x9b: {  	s22 =	simm.s32 $0x1BFF;
	s21 =	sshll.u32 s6, $0x1;
	s3 =	sadd.s32 s4, s19  }
0x9c: {  	s7 =	simm.s32 $0x0;
	s20 =	sshll.u32 s5, $0x1;
	s5 =	sadd.s32 s21, s3  }
0x9d: {  	[timem:s7], [sflag:s22] =	dma.local [hbm:s5], s20  }
0x9e: {  	_ =	swait.ge [sflag:s22], s20  }
0x9f: {  	s4 =	ssub.s32 $0x0, s20;
	[sflag:s22] =	ssyncset.done $0x0  }
0xa0: {  	[sflag:s22] =	ssyncadd.s32 s4;
	_ =	sdelay $0x1  }
0xa1: {  	s23 =	simm.s32 $0x1B8B  }
0xa2: {  	_ =	swait.ge [sflag:s23], $0x1  }
0xa3: {  	[sflag:s23] =	ssyncset.done $0x0  }
0xa4: {  	s25 =	simm.s32 $0x1B8E;
	s24 =	sld [smem:$0x3FFE];
	[sflag:s23] =	ssyncadd.s32 $0xFFFFFFFF  }
0xa5: {  	s26 =	simm.s32 $execute0_lowered;
	[smem:$0x3FD2] =	sst s25  }
0xa6: {  	s5 =	sshll.u32 s26, $0x1;
	_ =	strace $0x80000046;
	[dreg:$0x1] =	wrdreg $0xFFFFFFFF  }
0xa7: {  	s28 =	simm.s32 $_size_execute0_lowered;
	s3 =	sadd.s32 s3, s5;
	[dreg:$0x0] =	wrdreg $0x0  }
0xa8: {  	s5 =	sshll.u32 s28, $0x1;
	[dreg:$0x2] =	wrdreg s3  }
0xa9: {  	[dreg:$0x3] =	wrdreg s5  }
0xaa: {  	[dreg:$0x4] =	wrdreg $0xC0  }
0xab: {  	_ =	task [dreg:s7], $0x5FFFF  }
0xac: {  	[dreg:$0x1] =	wrdreg $0xFFFFFFFF  }
0xad: {  	[dreg:$0x0] =	wrdreg $0x60  }
0xae: {  	[dreg:$0x2] =	wrdreg s2  }
0xaf: {  	[dreg:$0x3] =	wrdreg s24  }
0xb0: {  	[dreg:$0x4] =	wrdreg $0xA  }
0xb1: {  	_ =	task.clear_ibuf [dreg:s7], $0x5FFFF;
	_ =	strace $0x90000046  }
0xb2: {  	s29 =	simm.s32 $0xA;
	_ =	strace $0x80000048  }
0xb3: {  	_ =	swait.ge [sflag:s29], $0x1  }
0xb4: {  	[sflag:s29] =	ssyncadd.s32 $0xFFFFFFFF  }
0xb5: {  	_ =	strace $0x90000048  }
0xb6: {  	_ =	sfence  }
0xb7: {  	s30 =	sld [smem:$0x0];
	_ =	sdelay $0x2  }
0xb8: {  	s31 =	sshll.u32 s1, $0xD;
	s1 =	sshrl.u32 s1, $0x2  }
0xb9: {  	s3 =	sand.u32 $0x4000, s31;
	s1 =	sadd.s32 s1, s30  }
0xba: {  	s0 =	sor.u32 s3, s0;
	s1 =	sshll.u32 s1, $0x11  }
0xbb: {  	s0 =	sor.u32 s1, s0  }
0xbc: {  	s0 =	sadd.s32 $0x8F2B, s0  }
0xbd: {  	[sflag:s0] =	ssyncadd.remote.s32 $0x1  }
0xbe: {  	_ =	sfence.sel $0xFFFF  }
0xbf: {  	[dreg:$0x0] =	wrdreg $0xFFFFFFFF;
	(pc) =	sbr.abs _section_cstart, $3  }
0xc0: {  	[dreg:$0x1] =	wrdreg $0xFFFFFFFF  }
0xc1: {  	_ =	task.clear_ibuf [dreg:s7], $0x2FFFF;
	_ =	strace $0x9FFFFFFF  }
0xc2: {  	(tm) =	ssettm $0x7FFFFFFF  }
0xc3: {  	_ =	shalt  }
tec
execute0_lowered:
.L_overlay_start_1:
0x0: {  	(tag) =	ssettag $0x1  }
0x1: {  	s0 =	rddreg [dreg:$0x1];
	s2 =	simm.s32 $0x0;
	s1 =	srdreg.scid  }
0x2: {  	s4 =	stileid.u32;
	[smem:$0x7FF] =	sst s2  }
0x3: {  	v0 =	vimm.s32 $0xECA86420;
	s1 =	sand.u32 $0x1, s1;
	s26 =	sadd.s32 $0xE00, s0;
	s3 =	sadd.s32 $0x7200, s0  }
0x4: {  	vm0 =	vcmask $0xB08;
	vm1 =	vcmask $0x1310;
	s0 =	sadd.s32 $0x407200, s0;
	_ =	strace $0x80000047;
	[dreg:$0x3] =	wrdreg s26  }
0x5: {  	vm2 =	vcmask $0x1B18;
	vm13 =	vcmask $0x300;
	vm4 =	vcmask $0x2320;
	p0 =	slt.u32 s4, $0x8;
	s31 =	sshll.u32 s4, $0xA;
	[dreg:$0x4] =	wrdreg s3  }
0x6: {  	vm5 =	vcmask $0x2B28;
	v2 =	vlaneseq.u32;
	vm6 =	vcmask $0x3330;
	s28 =	ssub.s32 $0x2, s1;
	[dreg:$0x5] =	wrdreg s0;
	s3 =	simm.s32 $0xD  }
0x7: {  	vm7 =	vcmask $0x3B38;
	vm8 =	vmmov $0xff;
	vm10 =	vcmask $0x704;
	s1 =	sshll.u32 s1, $0x9;
	s29 =	sshrl.u32 s28, $0x1;
	s3 =	simm.s32 @!p0 $0xC  }
0x8: {  	vm11 =	vcmask $0xF0C;
	vm9 =	vcmask $0x1714;
	v0 =	vunpack.c.l.s4.s8 v0;
	s1 =	sor.u32 s1, s31;
	s30 =	ssub.s32 s28, s29;
	[dreg:$0x6] =	wrdreg s3  }
0x9: {  	vm14 =	vcmask $0x2724;
	vm15 =	vcmask $0x2F2C;
	vm3 =	vcmask $0x3734;
	[dreg:$0x7] =	wrdreg s1;
	s0 =	smax.u32 s30, $0x1  }
0xa: {  	s2 =	simm.s32 $0x2;
	v1 =	vmul.u32 $0x2, v2;
	v2 =	vmul.u32 $0x4, v2;
	v0 =	vunpack.c.0.s8.s32 v0;
	s1 =	simm.s32 $0x0;
	[dreg:$0x8] =	wrdreg s0  }
.LBB2_1:
0xb: {  	[dreg:$0x9] =	wrdreg s1;
	s1 =	simm.s32 $0x0  }
.LBB2_2:
0xc: {  	s0 =	sshll.u32 s1, $0xE;
	s4 =	rddreg [dreg:$0x7]  }
0xd: {  	s5 =	rddreg [dreg:$0x0];
	s0 =	sor.u32 s4, s0  }
0xe: {  	[dreg:$0xb] =	wrdreg s0;
	s0 =	sshrl.u32 s0, $0x3  }
0xf: {  	[dreg:$0xa] =	wrdreg s1;
	s24 =	simm.s32 $0x0;
	s1 =	sadd.s32 s5, s0  }
0x10: {  	[tilespmem:s24], [sflag:$0x2] =	stream.linear.gather [hbm4b:s1+s24], $0x200, $0x38;
	[tilespmem:$0x4600] =	vst v63  }
0x11: {  	_ =	swait.ge [sflag:s2], $0x200  }
0x12: {  	[sflag:s2] =	ssyncset.done $0x0;
	s6 =	rddreg [dreg:$0x3]  }
0x13: {  	s7 =	simm.s32 $0x200;
	[sflag:s2] =	ssyncadd.s32 $0xFFFFFE00;
	s0 =	sadd.s32 s6, s0  }
0x14: {  	[tilespmem:s7], [sflag:$0x2] =	stream.linear.gather [hbm4b:s0+s24], $0x200, $0x38;
	[tilespmem:$0x4600] =	vst v63  }
0x15: {  	_ =	swait.ge [sflag:s2], $0x200  }
0x16: {  	[sflag:s2] =	ssyncset.done $0x0  }
0x17: {  	[sflag:s2] =	ssyncadd.s32 $0xFFFFFE00  }
0x18: {  	v3 =	vld [tilespmem:s7+$0x0];
	_ =	sdelay $0x2  }
0x19: {  	v4 =	vld [tilespmem:s24+$0x0];
	_ =	sdelay $0x1  }
0x1a: {  	v5 =	vand.u32 $0x3FF, v3  }
0x1b: {  	v3 =	vshrl.u32 v3, $0xA;
	v5 =	vmul.u32 $0x19919, v5  }
0x1c: {  	v3 =	vmul.u32 $0x3B340, v3  }
0x1d: {  	v4 =	vadd.s32 v4, v5  }
0x1e: {  	v3 =	vadd.s32 v3, v4  }
0x1f: {  	(v2sf) =	vpush v3, $0x8  }
0x20: {  	(v2sf) =	vpush v3, $0xD;
	_ =	sdelay $0x1  }
0x21: {  	(v2sf) =	vpush v3, $0x0;
	_ =	sdelay $0x1  }
0x22: {  	(v2sf) =	vpush v3, $0x7  }
0x23: {  	(v2sf) =	vpush v3, $0x2  }
0x24: {  	(v2sf) =	vpush v3, $0x3;
	_ =	sdelay $0x1  }
0x25: {  	(v2sf) =	vpush v3, $0x1  }
0x26: {  	(v2sf) =	vpush v3, $0xC;
	_ =	sdelay $0x2  }
0x27: {  	(v2sf) =	vpush v3, $0x5;
	_ =	sdelay $0x1  }
0x28: {  	s8 =	spop (v2sf)  }
0x29: {  	s26 =	simm.s32 $0x1;
	(v2sf) =	vpush v3, $0x6;
	s9 =	spop (v2sf);
	s18 =	smulhi.u32 $0x431BDE83, s8  }
0x2a: {  	s28 =	simm.s32 $0x210;
	(v2sf) =	vpush v3, $0x9;
	s0 =	sshra.s32 s8, $0x1F;
	s31 =	smulhi.u32 $0x431BDE83, s9  }
0x2b: {  	s29 =	simm.s32 $0x10;
	s10 =	spop (v2sf);
	s21 =	smul.u32 $0x431BDE83, s0  }
0x2c: {  	s30 =	simm.s32 $0x10;
	s4 =	smulhi.u32 $0x431BDE83, s10;
	s2 =	sshra.s32 s10, $0x1F  }
0x2d: {  	s1 =	sshra.s32 s9, $0x1F;
	s3 =	spop (v2sf);
	(v2sf) =	vpush v3, $0x4;
	s2 =	smul.u32 $0x431BDE83, s2  }
0x2e: {  	s6 =	sshra.s32 s3, $0x1F;
	s7 =	spop (v2sf);
	s14 =	smulhi.u32 $0x431BDE83, s3  }
0x2f: {  	s21 =	sadd.s32 s21, s18;
	s6 =	smul.u32 $0x431BDE83, s6;
	s15 =	spop (v2sf)  }
0x30: {  	s19 =	sshra.s32 s7, $0x1F;
	s7 =	smulhi.u32 $0x431BDE83, s7;
	s17 =	sshra.s32 s15, $0x1F  }
0x31: {  	s9 =	spop (v2sf);
	s2 =	sadd.s32 s2, s4;
	s13 =	smul.u32 $0x431BDE83, s19  }
0x32: {  	s16 =	sshra.s32 s9, $0x1F;
	s3 =	spop (v2sf);
	s11 =	smulhi.u32 $0x431BDE83, s9  }
0x33: {  	s0 =	sadd.s32 s6, s14;
	s12 =	sshra.s32 s2, $0x1F;
	s19 =	smul.u32 $0x431BDE83, s17  }
0x34: {  	(v2sf) =	vpush v3, $0xE;
	s8 =	sshra.s32 s2, $0x12;
	s25 =	smul.u32 $0x431BDE83, s16;
	s20 =	sshra.s32 s0, $0x1F  }
0x35: {  	(v2sf) =	vpush v3, $0xA;
	s2 =	sshrl.u32 s2, $0x1F;
	s6 =	smulhi.u32 $0x431BDE83, s15;
	s16 =	spop (v2sf);
	v4 =	vmov s20  }
0x36: {  	s9 =	sshra.s32 s3, $0x1F;
	v5 =	vmov s2;
	s2 =	smul.u32 $0x431BDE83, s1;
	s4 =	sadd.s32 s25, s11;
	v4 =	vsel vm13, s8, v4  }
0x37: {  	s7 =	sadd.s32 s13, s7;
	s14 =	smulhi.u32 $0x431BDE83, s16;
	v4 =	vsel vm10, s12, v4;
	s25 =	sshra.s32 s4, $0x12  }
0x38: {  	(v2sf) =	vpush v3, $0xF;
	s17 =	spop (v2sf);
	s13 =	sshra.s32 s7, $0x12;
	v4 =	vsel vm0, s25, v4;
	s25 =	sshra.s32 s4, $0x1F  }
0x39: {  	(v2sf) =	vpush v3, $0xB;
	v5 =	vnsel vm13, $0x0, v5;
	s23 =	sshra.s32 s17, $0x1F;
	s22 =	sshrl.u32 s4, $0x1F;
	s4 =	spop (v2sf);
	v6 =	vsel vm11, s25, v4  }
0x3a: {  	s15 =	smul.u32 $0x431BDE83, s23;
	v4 =	vsel vm0, s22, v5;
	s18 =	sshra.s32 s4, $0x1F;
	s25 =	simm.s32 $0x0;
	v5 =	vsel vm1, s13, v6  }
.LBB2_3:
0x3b: {  	s18 =	smul.u32 $0x431BDE83, s18;
	s8 =	sshra.s32 s16, $0x1F  }
0x3c: {  	s13 =	spop (v2sf);
	s1 =	smov.u32 s26;
	s16 =	sshrl.u32 s7, $0x1F  }
0x3d: {  	s6 =	sadd.s32 s19, s6;
	s12 =	sshra.s32 s13, $0x1F;
	s8 =	smul.u32 $0x431BDE83, s8  }
0x3e: {  	s7 =	sshra.s32 s7, $0x1F;
	p0 =	sne.s32 s26, $0x1F;
	s13 =	smulhi.u32 $0x431BDE83, s13  }
0x3f: {  	s19 =	sshrl.u32 s6, $0x1F;
	v5 =	vsel vm9, s7, v5;
	s7 =	sshra.s32 s6, $0x12;
	s12 =	smul.u32 $0x431BDE83, s12  }
0x40: {  	s26 =	sadd.s32 $0x1, s26;
	vm12 =	vcmask $0x1F1C;
	v4 =	vsel vm1, s16, v4;
	s16 =	smulhi.u32 $0x431BDE83, s17;
	s6 =	sshra.s32 s6, $0x1F;
	v5 =	vsel vm2, s7, v5  }
0x41: {  	s4 =	smulhi.u32 $0x431BDE83, s4;
	v4 =	vsel vm2, s19, v4;
	s8 =	sadd.s32 s8, s14;
	v5 =	vsel vm12, s6, v5;
	s7 =	sadd.s32 s12, s13  }
0x42: {  	s3 =	smulhi.u32 $0x431BDE83, s3;
	s6 =	sshrl.u32 s8, $0x1F;
	s12 =	sadd.s32 s15, s16  }
0x43: {  	s14 =	sshra.s32 s8, $0x12;
	s13 =	sshrl.u32 s12, $0x1F;
	s15 =	spop (v2sf)  }
0x44: {  	s16 =	sshrl.u32 s0, $0x1F;
	s8 =	sshra.s32 s8, $0x1F;
	s17 =	spop (v2sf)  }
0x45: {  	s23 =	sshra.s32 s12, $0x12;
	s19 =	smulhi.u32 $0x431BDE83, s15;
	s15 =	sshra.s32 s15, $0x1F  }
0x46: {  	s12 =	sshra.s32 s12, $0x1F;
	s5 =	smulhi.u32 $0x431BDE83, s17;
	s17 =	sshra.s32 s17, $0x1F  }
0x47: {  	s0 =	sshra.s32 s0, $0x12;
	s17 =	smul.u32 $0x431BDE83, s17;
	s10 =	spop (v2sf)  }
0x48: {  	s15 =	smul.u32 $0x431BDE83, s15;
	s20 =	sshra.s32 s10, $0x1F;
	s22 =	spop (v2sf)  }
0x49: {  	s10 =	smulhi.u32 $0x431BDE83, s10;
	s5 =	sadd.s32 s17, s5;
	s17 =	sshra.s32 s22, $0x1F  }
0x4a: {  	s15 =	sadd.s32 s15, s19;
	s19 =	smulhi.u32 $0x431BDE83, s22;
	s22 =	sshra.s32 s7, $0x12  }
0x4b: {  	s11 =	sshrl.u32 s7, $0x1F;
	s7 =	sshra.s32 s7, $0x1F;
	s17 =	smul.u32 $0x431BDE83, s17;
	v5 =	vsel vm4, s22, v5  }
0x4c: {  	s2 =	sadd.s32 s2, s31;
	v4 =	vsel vm4, s11, v4;
	v5 =	vsel vm14, s7, v5;
	s7 =	smul.u32 $0x431BDE83, s9  }
0x4d: {  	s4 =	sadd.s32 s18, s4;
	s11 =	sshra.s32 s21, $0x12;
	v4 =	vsel vm5, s6, v4;
	s9 =	sshrl.u32 s21, $0x1F;
	v5 =	vsel vm5, s14, v5  }
0x4e: {  	v4 =	vsel vm6, s13, v4;
	s6 =	smul.u32 $0x431BDE83, s20;
	v6 =	vmov s9;
	s9 =	sadd.s32 s17, s19;
	v5 =	vsel vm15, s8, v5;
	s3 =	sadd.s32 s7, s3  }
0x4f: {  	v7 =	vmov s11;
	v4 =	vsel vm7, s16, v4;
	s7 =	sshra.s32 s4, $0x12;
	s8 =	sshra.s32 s5, $0x12;
	v5 =	vsel vm6, s23, v5;
	s23 =	simm.s32 $0x400  }
0x50: {  	s6 =	sadd.s32 s6, s10;
	s11 =	sshrl.u32 s3, $0x1F;
	s3 =	sshra.s32 s3, $0x12;
	v7 =	vsel vm0, s7, v7;
	v5 =	vsel vm3, s12, v5  }
0x51: {  	s4 =	sshrl.u32 s4, $0x1F;
	s7 =	sshrl.u32 s2, $0x1F;
	s2 =	sshra.s32 s2, $0x12;
	v8 =	vmov s11;
	v9 =	vmov s3;
	v7 =	vsel vm1, s8, v7  }
0x52: {  	v6 =	vsel vm0, s4, v6;
	s4 =	sshrl.u32 s5, $0x1F;
	s3 =	sshrl.u32 s15, $0x1F;
	v8 =	vsel vm0, s7, v8;
	v9 =	vsel vm0, s2, v9;
	s2 =	sshra.s32 s15, $0x12  }
0x53: {  	v6 =	vsel vm1, s4, v6;
	s4 =	sshrl.u32 s9, $0x1F;
	v8 =	vsel vm1, s3, v8;
	s3 =	sshrl.u32 s6, $0x1F;
	v9 =	vsel vm1, s2, v9;
	s2 =	sshra.s32 s6, $0x12  }
0x54: {  	v6 =	vsel vm2, s4, v6;
	v8 =	vsel vm2, s3, v8;
	v9 =	vsel vm2, s2, v9  }
0x55: {  	v5 =	vsel vm7, s0, v5;
	s2 =	sshra.s32 s9, $0x12;
	v6 =	vcombine.low v6, v8  }
0x56: {  	v7 =	vsel vm2, s2, v7  }
0x57: {  	v7 =	vcombine.low v7, v9;
	_ =	sdelay $0x1  }
0x58: {  	v4 =	vperm.xlane v4, v1;
	v6 =	vperm.xlane v6, v0  }
0x59: {  	v5 =	vperm.xlane v5, v1;
	v7 =	vperm.xlane v7, v0;
	_ =	sdelay $0x1  }
0x5a: {  	v4 =	vsel vm8, v4, v6;
	v5 =	vsel vm8, v5, v7  }
0x5b: {  	s0 =	sand.u32 $0x70, s24;
	s24 =	smov.u32 s30;
	v4 =	vadd.s32 v4, v5  }
0x5c: {  	v5 =	vmov s0;
	v4 =	vmul.u32 $0xF4240, v4  }
0x5d: {  	v5 =	vshll.u32 v5, $0x2  }
0x5e: {  	vm12 =	vmmov vm9;
	s0 =	sshrl.u32 s25, $0x3;
	s25 =	smov.u32 s1;
	v3 =	vsub.s32 v3, v4;
	v4 =	vor.u32 v2, v5  }
0x5f: {  	vm9 =	vlt.s32 v3, $0x0;
	v5 =	vadd.s32 $0xF4240, v3;
	v4 =	vadd.s32 s0, v4  }
0x60: {  	v3 =	vsel vm9, v5, v3;
	vm9 =	vmmov vm12  }
0x61: {  	v5 =	vshll.u32 v3, $0x2  }
0x62: {  	v3 =	vshrl.u32 v3, $0x12;
	v5 =	vand.u32 $0xFFFFC, v5  }
0x63: {  	v3 =	vor.u32 v3, v5  }
0x64: {  	[tilespmem:v4+s23+$0x0] =	vst.idx.msk $0xffff, v3  }
0x65: {  	v3 =	vld [tilespmem:s28+$0x0];
	_ =	sdelay $0x2  }
0x66: {  	v4 =	vld [tilespmem:s29+$0x0];
	_ =	sdelay $0x1  }
0x67: {  	v5 =	vshrl.u32 v3, $0xA;
	v3 =	vand.u32 $0x3FF, v3  }
0x68: {  	v3 =	vmul.u32 $0x19919, v3  }
0x69: {  	v5 =	vmul.u32 $0x3B340, v5  }
0x6a: {  	v3 =	vadd.s32 v4, v3  }
0x6b: {  	v3 =	vadd.s32 v5, v3  }
0x6c: {  	(v2sf) =	vpush v3, $0x8  }
0x6d: {  	(v2sf) =	vpush v3, $0xD  }
0x6e: {  	(v2sf) =	vpush v3, $0x0  }
0x6f: {  	(v2sf) =	vpush v3, $0x7  }
0x70: {  	(v2sf) =	vpush v3, $0x2  }
0x71: {  	(v2sf) =	vpush v3, $0x3  }
0x72: {  	(v2sf) =	vpush v3, $0x1;
	_ =	sdelay $0x1  }
0x73: {  	(v2sf) =	vpush v3, $0xC;
	_ =	sdelay $0x2  }
0x74: {  	(v2sf) =	vpush v3, $0x5;
	_ =	sdelay $0x2  }
0x75: {  	(v2sf) =	vpush v3, $0x6  }
0x76: {  	s30 =	sadd.s32 $0x10, s30;
	s28 =	sadd.s32 $0x10, s28;
	s0 =	spop (v2sf)  }
0x77: {  	s29 =	sadd.s32 $0x10, s29;
	s1 =	smulhi.u32 $0x431BDE83, s0;
	s2 =	spop (v2sf);
	(v2sf) =	vpush v3, $0x9  }
0x78: {  	s0 =	sshra.s32 s0, $0x1F;
	s31 =	smulhi.u32 $0x431BDE83, s2;
	s3 =	spop (v2sf)  }
0x79: {  	s4 =	smulhi.u32 $0x431BDE83, s3;
	s3 =	sshra.s32 s3, $0x1F;
	(v2sf) =	vpush v3, $0x4;
	s5 =	spop (v2sf)  }
0x7a: {  	s13 =	smul.u32 $0x431BDE83, s0;
	s6 =	sshra.s32 s5, $0x1F;
	s7 =	spop (v2sf)  }
0x7b: {  	s2 =	sshra.s32 s2, $0x1F;
	s6 =	smul.u32 $0x431BDE83, s6;
	s8 =	spop (v2sf)  }
0x7c: {  	s3 =	smul.u32 $0x431BDE83, s3;
	s10 =	sshra.s32 s8, $0x1F;
	s9 =	spop (v2sf)  }
0x7d: {  	s5 =	smulhi.u32 $0x431BDE83, s5;
	s12 =	sshra.s32 s7, $0x1F;
	s11 =	sshra.s32 s9, $0x1F  }
0x7e: {  	s7 =	smulhi.u32 $0x431BDE83, s7;
	s4 =	sadd.s32 s3, s4;
	s3 =	spop (v2sf)  }
0x7f: {  	s14 =	smulhi.u32 $0x431BDE83, s9;
	s0 =	sadd.s32 s6, s5;
	s5 =	sshra.s32 s4, $0x1F  }
0x80: {  	s6 =	smul.u32 $0x431BDE83, s11;
	s11 =	sshra.s32 s4, $0x12;
	s9 =	sshra.s32 s0, $0x1F;
	(v2sf) =	vpush v3, $0xE  }
0x81: {  	s12 =	smul.u32 $0x431BDE83, s12;
	s4 =	sshrl.u32 s4, $0x1F;
	v4 =	vmov s9;
	(v2sf) =	vpush v3, $0xA;
	s16 =	spop (v2sf)  }
0x82: {  	s9 =	sshra.s32 s3, $0x1F;
	v5 =	vmov s4;
	s4 =	sadd.s32 s6, s14;
	v4 =	vsel vm13, s11, v4;
	s14 =	smulhi.u32 $0x431BDE83, s16  }
.Ltmp0:
0x83: {  	s6 =	sshrl.u32 s4, $0x1F;
	v4 =	vsel vm10, s5, v4;
	s5 =	sshra.s32 s4, $0x12;
	(pc) =	sbr.rel @p0 .LBB2_3-.Ltmp0, $4  }
0x84: {  	s19 =	smul.u32 $0x431BDE83, s10;
	v5 =	vnsel vm13, $0x0, v5;
	s4 =	sshra.s32 s4, $0x1F;
	v6 =	vsel vm0, s5, v4;
	(v2sf) =	vpush v3, $0xF;
	s17 =	spop (v2sf)  }
0x85: {  	s7 =	sadd.s32 s12, s7;
	v4 =	vsel vm0, s6, v5;
	s6 =	smulhi.u32 $0x431BDE83, s8;
	v5 =	vsel vm11, s4, v6;
	s5 =	sshra.s32 s17, $0x1F;
	(v2sf) =	vpush v3, $0xB  }
0x86: {  	s15 =	smul.u32 $0x431BDE83, s5;
	s5 =	sshra.s32 s7, $0x12;
	s4 =	spop (v2sf)  }
0x87: {  	s2 =	smul.u32 $0x431BDE83, s2;
	s21 =	sadd.s32 s13, s1;
	s18 =	sshra.s32 s4, $0x1F;
	v5 =	vsel vm1, s5, v5  }
0x88: {  	s5 =	smul.u32 $0x431BDE83, s18  }
0x89: {  	s22 =	smulhi.u32 $0x431BDE83, s17  }
0x8a: {  	s4 =	smulhi.u32 $0x431BDE83, s4  }
0x8b: {  	s1 =	sshra.s32 s16, $0x1F;
	s8 =	spop (v2sf);
	s3 =	smulhi.u32 $0x431BDE83, s3  }
0x8c: {  	s10 =	sshrl.u32 s7, $0x1F;
	s6 =	sadd.s32 s19, s6;
	s1 =	smul.u32 $0x431BDE83, s1  }
0x8d: {  	s7 =	sshra.s32 s7, $0x1F;
	s11 =	sshra.s32 s8, $0x1F;
	s8 =	smulhi.u32 $0x431BDE83, s8  }
0x8e: {  	s12 =	sshrl.u32 s6, $0x1F;
	s13 =	sshra.s32 s6, $0x12;
	s6 =	sshra.s32 s6, $0x1F  }
0x8f: {  	s2 =	sadd.s32 s2, s31;
	v4 =	vsel vm1, s10, v4;
	s11 =	smul.u32 $0x431BDE83, s11;
	s4 =	sadd.s32 s5, s4  }
0x90: {  	v4 =	vsel vm2, s12, v4;
	s12 =	smul.u32 $0x431BDE83, s9;
	s14 =	sadd.s32 s1, s14;
	s1 =	sadd.s32 s15, s22  }
0x91: {  	s8 =	sadd.s32 s11, s8;
	s18 =	sshrl.u32 s14, $0x1F;
	s16 =	sshrl.u32 s1, $0x1F  }
0x92: {  	v5 =	vsel vm9, s7, v5;
	s19 =	sshra.s32 s14, $0x12;
	s7 =	sshra.s32 s14, $0x1F;
	s26 =	spop (v2sf)  }
0x93: {  	v5 =	vsel vm2, s13, v5;
	s13 =	sshra.s32 s1, $0x12;
	s28 =	spop (v2sf);
	s29 =	smulhi.u32 $0x431BDE83, s26  }
0x94: {  	s3 =	sadd.s32 s12, s3;
	s11 =	sshra.s32 s26, $0x1F;
	s30 =	smulhi.u32 $0x431BDE83, s28  }
0x95: {  	s12 =	sshrl.u32 s0, $0x1F;
	s20 =	sshra.s32 s28, $0x1F;
	s11 =	smul.u32 $0x431BDE83, s11  }
0x96: {  	s1 =	sshra.s32 s1, $0x1F;
	s10 =	sshrl.u32 s8, $0x1F;
	s22 =	smul.u32 $0x431BDE83, s20  }
0x97: {  	vm9 =	vcmask $0x1F1C;
	s20 =	spop (v2sf);
	s11 =	sadd.s32 s11, s29;
	s29 =	sshra.s32 s8, $0x12  }
0x98: {  	v5 =	vsel vm9, s6, v5;
	v4 =	vsel vm4, s10, v4;
	s15 =	sadd.s32 s22, s30;
	s22 =	spop (v2sf);
	s28 =	smulhi.u32 $0x431BDE83, s20  }
0x99: {  	v4 =	vsel vm5, s18, v4;
	v5 =	vsel vm4, s29, v5;
	s30 =	sshra.s32 s8, $0x1F;
	s31 =	sshra.s32 s20, $0x1F;
	s20 =	sshra.s32 s21, $0x12  }
0x9a: {  	v4 =	vsel vm6, s16, v4;
	s29 =	sshrl.u32 s2, $0x1F;
	s14 =	smulhi.u32 $0x431BDE83, s22;
	s26 =	sshra.s32 s22, $0x1F;
	v5 =	vsel vm14, s30, v5  }
0x9b: {  	v4 =	vsel vm7, s12, v4;
	s5 =	smul.u32 $0x431BDE83, s31;
	v7 =	vmov s20;
	v5 =	vsel vm5, s19, v5;
	s19 =	sshrl.u32 s21, $0x1F;
	s21 =	sshra.s32 s4, $0x12  }
0x9c: {  	s17 =	smul.u32 $0x431BDE83, s26;
	s26 =	sshrl.u32 s3, $0x1F;
	s3 =	sshra.s32 s3, $0x12;
	v6 =	vmov s19;
	v5 =	vsel vm15, s7, v5;
	v7 =	vsel vm0, s21, v7  }
0x9d: {  	s4 =	sshrl.u32 s4, $0x1F;
	s5 =	sadd.s32 s5, s28;
	v8 =	vmov s26;
	s28 =	sshra.s32 s15, $0x12;
	v9 =	vmov s3;
	v5 =	vsel vm6, s13, v5  }
0x9e: {  	s2 =	sshra.s32 s2, $0x12;
	s30 =	sshrl.u32 s11, $0x1F;
	s31 =	sshrl.u32 s15, $0x1F;
	v7 =	vsel vm1, s28, v7;
	v8 =	vsel vm0, s29, v8;
	v6 =	vsel vm0, s4, v6  }
0x9f: {  	s7 =	sshra.s32 s11, $0x12;
	s17 =	sadd.s32 s17, s14;
	v9 =	vsel vm0, s2, v9;
	s8 =	sshrl.u32 s5, $0x1F;
	v8 =	vsel vm1, s30, v8;
	v6 =	vsel vm1, s31, v6  }
0xa0: {  	s10 =	sshra.s32 s5, $0x12;
	s9 =	sshrl.u32 s17, $0x1F;
	v9 =	vsel vm1, s7, v9;
	s11 =	sshra.s32 s17, $0x12;
	v5 =	vsel vm3, s1, v5;
	v8 =	vsel vm2, s8, v8  }
0xa1: {  	s13 =	sshra.s32 s0, $0x12;
	v6 =	vsel vm2, s9, v6;
	v9 =	vsel vm2, s10, v9;
	v7 =	vsel vm2, s11, v7  }
0xa2: {  	v5 =	vsel vm7, s13, v5;
	v6 =	vcombine.low v6, v8;
	v7 =	vcombine.low v7, v9  }
0xa3: {  	v4 =	vperm.xlane v4, v1;
	v5 =	vperm.xlane v5, v1  }
0xa4: {  	v6 =	vperm.xlane v6, v0;
	v7 =	vperm.xlane v7, v0;
	_ =	sdelay $0x1  }
0xa5: {  	v4 =	vsel vm8, v4, v6;
	v5 =	vsel vm8, v5, v7  }
0xa6: {  	s14 =	sand.u32 $0x70, s24;
	v4 =	vadd.s32 v4, v5  }
0xa7: {  	v61 =	vmov s14;
	v4 =	vmul.u32 $0xF4240, v4  }
0xa8: {  	v5 =	vshll.u32 v61, $0x2  }
0xa9: {  	s15 =	sshrl.u32 s25, $0x3;
	v62 =	vor.u32 v2, v5;
	v3 =	vsub.s32 v3, v4  }
0xaa: {  	v4 =	vadd.s32 s15, v62;
	vm9 =	vlt.s32 v3, $0x0;
	v63 =	vadd.s32 $0xF4240, v3  }
0xab: {  	v3 =	vsel vm9, v63, v3  }
0xac: {  	v5 =	vshll.u32 v3, $0x2  }
0xad: {  	v3 =	vshrl.u32 v3, $0x12;
	v5 =	vand.u32 $0xFFFFC, v5  }
0xae: {  	v3 =	vor.u32 v3, v5  }
0xaf: {  	s18 =	simm.s32 $0x600;
	s16 =	rddreg [dreg:$0x4];
	s17 =	simm.s32 $0x80;
	[tilespmem:v4+s23+$0x0] =	vst.idx.msk $0xffff, v3  }
0xb0: {  	[tilespmem:s18], [sflag:$0x1] =	stream.indirect.gather [hbm4b:s16+s17], $0x20, s23, s17, $0xb8;
	[tilespmem:$0x4600] =	vst v63  }
0xb1: {  	s20 =	simm.s32 $0x1600;
	s19 =	simm.s32 $0x480  }
0xb2: {  	[tilespmem:s20], [sflag:$0x1] =	stream.indirect.gather [hbm4b:s16+s17], $0x20, s19, s17, $0xb8;
	[tilespmem:$0x4600] =	vst v63  }
0xb3: {  	s22 =	simm.s32 $0x2600;
	s21 =	simm.s32 $0x500  }
0xb4: {  	[tilespmem:s22], [sflag:$0x1] =	stream.indirect.gather [hbm4b:s16+s17], $0x20, s21, s17, $0xb8;
	[tilespmem:$0x4600] =	vst v63  }
0xb5: {  	s25 =	simm.s32 $0x1;
	s24 =	simm.s32 $0x3600;
	s23 =	simm.s32 $0x580  }
0xb6: {  	[tilespmem:s24], [sflag:$0x1] =	stream.indirect.gather [hbm4b:s16+s17], $0x20, s23, s17, $0xb8;
	[tilespmem:$0x4600] =	vst v63  }
0xb7: {  	_ =	swait.ge [sflag:s25], $0x1000  }
0xb8: {  	[sflag:s25] =	ssyncset.done $0x0  }
0xb9: {  	[sflag:s25] =	ssyncadd.s32 $0xFFFFF000  }
0xba: {  	_ =	swait.ge [sflag:s25], $0x1000  }
0xbb: {  	[sflag:s25] =	ssyncset.done $0x0  }
0xbc: {  	[sflag:s25] =	ssyncadd.s32 $0xFFFFF000  }
0xbd: {  	_ =	swait.ge [sflag:s25], $0x1000  }
0xbe: {  	[sflag:s25] =	ssyncset.done $0x0  }
0xbf: {  	[sflag:s25] =	ssyncadd.s32 $0xFFFFF000  }
0xc0: {  	_ =	swait.ge [sflag:s25], $0x1000  }
0xc1: {  	s29 =	simm.s32 $0x0;
	s26 =	rddreg [dreg:$0xb]  }
0xc2: {  	[sflag:s25] =	ssyncset.done $0x0;
	s28 =	rddreg [dreg:$0x5];
	s0 =	sshll.u32 s26, $0x2  }
0xc3: {  	s2 =	simm.s32 $0x2;
	[sflag:s25] =	ssyncadd.s32 $0xFFFFF000;
	s0 =	sadd.s32 s28, s0  }
0xc4: {  	[hbm4b:s0+s29] =	stream.linear.scatter [tilespmem:s18], [sflag:$0x2], $0x4000, $0x38;
	[tilespmem:$0x4600] =	vst v63  }
0xc5: {  	_ =	swait.ge [sflag:s2], $0x4000  }
0xc6: {  	s30 =	rddreg [dreg:$0xa]  }
0xc7: {  	s31 =	rddreg [dreg:$0x6];
	s1 =	sadd.s32 $0x1, s30  }
0xc8: {  	p0 =	sne.s32 s1, s31  }
.Ltmp1:
0xc9: {  	_ = 	snop;
	(pc) =	sbr.rel @p0 .LBB2_2-.Ltmp1, $3  }
0xca: {  	_ =	sdelay $0x1  }
0xcb: {  	[sflag:s2] =	ssyncset.done $0x0  }
0xcc: {  	vm9 =	vmmov vm12;
	[sflag:s2] =	ssyncadd.s32 $0xFFFFC000  }
0xcd: {  	s1 =	rddreg [dreg:$0x9]  }
0xce: {  	s0 =	rddreg [dreg:$0x8];
	s1 =	sadd.s32 $0x1, s1  }
0xcf: {  	p0 =	sne.s32 s1, s0  }
.Ltmp2:
0xd0: {  	_ = 	snop;
	(pc) =	sbr.rel @p0 .LBB2_1-.Ltmp2, $1  }
0xd1: {  	_ =	sdelay $0x3  }
0xd2: {  	_ =	sfence.sel $0x180000  }
0xd3: {  	[bflag:$0x0] =	sbarrier.arrive $0xFFFF  }
0xd4: {  	_ =	strace $0x90000047  }
0xd5: {  	s0 =	stileid.u32;
	[bflag:$0x2] =	sbarrier.arrive $0xFFFF  }
0xd6: {  	p0 =	sne.s32 s0, $0x0;
	s0 =	rddreg [dreg:$0x2]  }
0xd7: {  	s0 =	sadd.s32 @!p0 $0x100000, s0  }
0xd8: {  	[sflag:s0] =	ssyncadd.tile.s32 @!p0 $0x1;
	_ =	shalt  }
.Lfunc_end2:
_tile_overlayer_lowered:
.L_overlay_start_2:
0xd9: {  	(tag) =	ssettag $0x2  }
0xda: {  	s0 =	rddreg [dreg:$0x0];
	s2 =	stileid.u32  }
0xdb: {  	s1 =	rddreg [dreg:$0x1];
	p0 =	sne.s32 s2, $0x0  }
0xdc: {  	s3 =	rddreg [dreg:$0x2];
	[bflag:$0x3] =	sbarrier.arrive $0xFFFF;
	s2 =	simm.s32 @!p0 $0x1C02  }
0xdd: {  	[timem:s3], [sflag:s2] =	dma.local @!p0 [hbm:s0], s1  }
0xde: {  	s0 =	simm.s32 @!p0 $0x2  }
0xdf: {  	_ =	swait.ge @!p0 [sflag:s0], s1  }
0xe0: {  	s1 =	ssub.s32 @!p0 $0x0, s1;
	[sflag:s0] =	ssyncset.done @!p0 $0x0  }
0xe1: {  	[sflag:s0] =	ssyncadd.s32 @!p0 s1  }
0xe2: {  	[bflag:$0x3] =	sbarrier.arrive $0xFFFF  }
0xe3: {  	_ =	shalt  }

// kernel: kernel.15.cloned.1.call-start
scs
__scs_entry_jumppad:
0x0: {  	(pc) =	sbr.rel $0x88, $3  }
0x1: {  	(tag) =	ssettag $0x0;
	lr =	simm.s32 $0x1  }
0x2: {  	[smem:$0x3F9C] =	sst lr;
	_ =	strace $0xD0000000  }
0x3: {  	_ = 	snop  }
0x4: {  	_ = 	snop  }
0x5: {  	_ = 	snop  }
0x6: {  	_ = 	snop  }
0x7: {  	_ = 	snop  }
__scs_overlays_trampoline_lowered:
0x8: {  	[smem:$0x3FAB] =	sst s0  }
0x9: {  	[smem:$0x3FAC] =	sst s1  }
0xa: {  	[smem:$0x3FAD] =	sst s2  }
0xb: {  	[smem:$0x3FAE] =	sst s3  }
0xc: {  	[smem:$0x3FAF] =	sst s4  }
0xd: {  	[smem:$0x3FB0] =	sst s5  }
0xe: {  	[smem:$0x3FB1] =	sst s6  }
0xf: {  	[smem:$0x3FB2] =	sst s7  }
0x10: {  	[smem:$0x3FB3] =	sst s8  }
0x11: {  	[smem:$0x3FB4] =	sst s9;
	s0 =	simm.s32 @!p0 $0x0  }
0x12: {  	s1 =	sld [smem:$0x3F9A];
	s0 =	simm.s32 @p0 $0x1  }
0x13: {  	[smem:$0x3FB5] =	sst s0;
	s0 =	simm.s32 @!p1 $0x0  }
0x14: {  	s2 =	sld [smem:$0x3F99];
	s0 =	simm.s32 @p1 $0x1  }
0x15: {  	[smem:$0x3FB6] =	sst s0;
	s0 =	simm.s32 @!p2 $0x0  }
0x16: {  	s3 =	sld [smem:$0x3FDB];
	s0 =	simm.s32 @p2 $0x1  }
0x17: {  	s4 =	simm.s32 $0x1BF5;
	[smem:$0x3FB8] =	sst s0  }
0x18: {  	s0 =	sld [smem:$0x3F9B];
	_ =	swait.ge [sflag:s4], $0x0  }
0x19: {  	s7 =	sld [smem:$0x3F9C]  }
0x1a: {  	s8 =	sadd.s32 $0xFFFFE003, lr  }
0x1b: {  	s9 =	sadd.s32 $0xFFFFFEF7, lr;
	s5 =	simm.s32 $0xFFFFFFFF;
	p2 =	slt.u32 s8, $0xFFFFF086  }
0x1c: {  	p1 =	slt.u32 s9, $0xF7A;
	s5 =	simm.s32 @!p2 $0x0  }
0x1d: {  	s5 =	simm.s32 @p1 $0x1;
	p0 =	seq.s32 s7, s2  }
0x1e: {  	s7 =	smul.u32 @!p0 $0xF7A, s2;
	p2 =	seq.s32 @!p0 s5, $0x0  }
0x1f: {  	s9 =	smul.u32 $0xF7A, s1;
	s8 =	simm.s32 @!p0 $0x1BF5;
	p2 =	por !p2, p0  }
0x20: {  	[sflag:s8] =	ssyncset.s32 @!p0 $0xFFFFF086;
	s6 =	sadd.s32 @!p0 s3, s7;
	s7 =	simm.s32 @!p0 $0x108  }
0x21: {  	s3 =	sadd.s32 s3, s9;
	s6 =	sadd.s32 @!p0 $0x88, s6;
	s7 =	simm.s32 @p2 $0x1082  }
0x22: {  	[simem:s7], [sflag:s8] =	dma.local @!p0 [hbm:s6], $0xF7A  }
0x23: {  	s9 =	sor.u32 $0xD0000000, s2;
	s6 =	simm.s32 $0x108;
	_ =	swait.ge @!p0 [sflag:s8], $0x0  }
0x24: {  	s3 =	sadd.s32 $0x88, s3;
	s6 =	simm.s32 @!p1 $0x1082;
	[sflag:s4] =	ssyncset.s32 $0xFFFFF086  }
0x25: {  	[simem:s6], [sflag:s4] =	dma.local [hbm:s3], $0xF7A  }
0x26: {  	[smem:$0x3F9C] =	sst s1;
	(tag) =	ssettag s2;
	_ =	strace s9  }
0x27: {  	s1 =	sld [smem:$0x3FAC]  }
0x28: {  	s2 =	sld [smem:$0x3FAD]  }
0x29: {  	s4 =	sld [smem:$0x3FAF]  }
0x2a: {  	p0 =	seq.s32 s5, $0x0;
	s5 =	sld [smem:$0x3FB0]  }
0x2b: {  	s6 =	sld [smem:$0x3FB1]  }
0x2c: {  	s7 =	sld [smem:$0x3FB2]  }
0x2d: {  	s3 =	simm.s32 $0x108;
	s8 =	sld [smem:$0x3FB3]  }
0x2e: {  	s3 =	simm.s32 @!p0 $0x1082;
	s9 =	sld [smem:$0x3FB4]  }
0x2f: {  	lr =	sadd.s32 s0, s3;
	s0 =	sld [smem:$0x3FAB]  }
0x30: {  	s3 =	sld [smem:$0x3FAE]  }
0x31: {  	[smem:$0x3FB7] =	sst s10  }
0x32: {  	s10 =	sld [smem:$0x3FB5];
	_ =	sdelay $0x3  }
0x33: {  	p0 =	seq.s32 s10, $0x1;
	s10 =	sld [smem:$0x3FB7];
	_ =	sdelay $0x3  }
0x34: {  	[smem:$0x3FB7] =	sst s10  }
0x35: {  	s10 =	sld [smem:$0x3FB6];
	_ =	sdelay $0x3  }
0x36: {  	p1 =	seq.s32 s10, $0x1;
	s10 =	sld [smem:$0x3FB7];
	_ =	sdelay $0x3  }
0x37: {  	[smem:$0x3FB7] =	sst s10  }
0x38: {  	s10 =	sld [smem:$0x3FB8]  }
0x39: {  	_ = 	snop;
	(pc) =	sbr.ind lr, $3  }
0x3a: {  	_ = 	snop  }
0x3b: {  	_ = 	snop  }
0x3c: {  	p2 =	seq.s32 s10, $0x1;
	s10 =	sld [smem:$0x3FB7]  }
0x3d: {  	_ =	shalt  }
0x3e: {  	_ =	shalt  }
0x3f: {  	_ =	shalt  }
0x40: {  	_ =	shalt  }
0x41: {  	_ =	shalt  }
0x42: {  	_ =	shalt  }
0x43: {  	_ =	shalt  }
0x44: {  	_ =	shalt  }
0x45: {  	_ =	shalt  }
0x46: {  	_ =	shalt  }
0x47: {  	_ =	shalt  }
0x48: {  	_ =	shalt  }
0x49: {  	_ =	shalt  }
0x4a: {  	_ =	shalt  }
0x4b: {  	_ =	shalt  }
0x4c: {  	_ =	shalt  }
0x4d: {  	_ =	shalt  }
0x4e: {  	_ =	shalt  }
0x4f: {  	_ =	shalt  }
0x50: {  	_ =	shalt  }
0x51: {  	_ =	shalt  }
0x52: {  	_ =	shalt  }
0x53: {  	_ =	shalt  }
0x54: {  	_ =	shalt  }
0x55: {  	_ =	shalt  }
0x56: {  	_ =	shalt  }
0x57: {  	_ =	shalt  }
0x58: {  	_ =	shalt  }
0x59: {  	_ =	shalt  }
0x5a: {  	_ =	shalt  }
0x5b: {  	_ =	shalt  }
0x5c: {  	_ =	shalt  }
0x5d: {  	_ =	shalt  }
0x5e: {  	_ =	shalt  }
0x5f: {  	_ =	shalt  }
0x60: {  	_ =	shalt  }
0x61: {  	_ =	shalt  }
0x62: {  	_ =	shalt  }
0x63: {  	_ =	shalt  }
0x64: {  	_ =	shalt  }
0x65: {  	_ =	shalt  }
0x66: {  	_ =	shalt  }
0x67: {  	_ =	shalt  }
0x68: {  	_ =	shalt  }
0x69: {  	_ =	shalt  }
0x6a: {  	_ =	shalt  }
0x6b: {  	_ =	shalt  }
0x6c: {  	_ =	shalt  }
0x6d: {  	_ =	shalt  }
0x6e: {  	_ =	shalt  }
0x6f: {  	_ =	shalt  }
0x70: {  	_ =	shalt  }
0x71: {  	_ =	shalt  }
0x72: {  	_ =	shalt  }
0x73: {  	_ =	shalt  }
0x74: {  	_ =	shalt  }
0x75: {  	_ =	shalt  }
0x76: {  	_ =	shalt  }
0x77: {  	_ =	shalt  }
0x78: {  	_ =	shalt  }
0x79: {  	_ =	shalt  }
0x7a: {  	_ =	shalt  }
0x7b: {  	_ =	shalt  }
0x7c: {  	_ =	shalt  }
0x7d: {  	_ =	shalt  }
0x7e: {  	_ =	shalt  }
0x7f: {  	_ =	shalt  }
0x80: {  	_ =	shalt  }
0x81: {  	_ =	shalt  }
0x82: {  	_ =	shalt  }
0x83: {  	_ =	shalt  }
0x84: {  	_ =	shalt  }
0x85: {  	_ =	shalt  }
0x86: {  	_ =	shalt  }
0x87: {  	_ =	shalt  }
.Lfunc_end0:
.L_simem_size_0:
called_computation.2_lowered:
.L_overlay_start_0:
0x88: {  	s2 =	sld [smem:$0x3FD9]  }
0x89: {  	s3 =	sld [smem:$0x3FFE];
	_ =	sdelay $0x1  }
0x8a: {  	s1 =	srdreg.scid  }
0x8b: {  	s0 =	sand.u32 $0x1, s1  }
0x8c: {  	s17 =	sshll.u32 s0, $0xA;
	s2 =	sadd.s32 s3, s2  }
0x8d: {  	s2 =	sadd.s32 s2, s17  }
0x8e: {  	[smem:$0x3FC3] =	sst s2  }
0x8f: {  	_ = 	snop  }
0x90: {  	s18 =	sld [smem:$0x3FD0];
	(tm) =	ssettm $0x1  }
0x91: {  	s19 =	sld [smem:$0x3FFB];
	_ =	sdelay $0x3  }
0x92: {  	_ =	strace s19  }
0x93: {  	s2 =	sld [smem:$0x3FFC];
	_ =	sdelay $0x3  }
0x94: {  	_ =	strace s2  }
0x95: {  	s2 =	sld [smem:$0x3FFD];
	_ =	sdelay $0x3  }
0x96: {  	_ =	strace s2  }
0x97: {  	_ =	strace $0x8FFFFFFF  }
0x98: {  	s20 =	sld [smem:$0x3FDB];
	_ =	sdelay $0x1  }
0x99: {  	s4 =	simm.s32 $_scs_section_size  }
0x9a: {  	s5 =	simm.s32 $_size__tile_overlayer_lowered;
	s6 =	simm.s32 $_tile_overlayer_lowered  }
0x9b: {  	s7 =	simm.s32 $0x1BFF;
	s21 =	sshll.u32 s6, $0x1;
	s4 =	sadd.s32 s4, s20  }
0x9c: {  	s22 =	simm.s32 $0x0;
	s5 =	sshll.u32 s5, $0x1;
	s6 =	sadd.s32 s21, s4  }
0x9d: {  	[timem:s22], [sflag:s7] =	dma.local [hbm:s6], s5  }
0x9e: {  	_ =	swait.ge [sflag:s7], s5  }
0x9f: {  	s5 =	ssub.s32 $0x0, s5;
	[sflag:s7] =	ssyncset.done $0x0  }
0xa0: {  	[sflag:s7] =	ssyncadd.s32 s5;
	_ =	sdelay $0x1  }
0xa1: {  	s23 =	simm.s32 $0x1B8B  }
0xa2: {  	_ =	swait.ge [sflag:s23], $0x1  }
0xa3: {  	[sflag:s23] =	ssyncset.done $0x0  }
0xa4: {  	[sflag:s23] =	ssyncadd.s32 $0xFFFFFFFF  }
0xa5: {  	s5 =	sld [smem:$0x0]  }
0xa6: {  	s6 =	sand.u32 $0xFFFFFFFE, s1  }
0xa7: {  	p0 =	sne.s32 s1, s6  }
0xa8: {  	s6 =	sshll.u32 @p0 s6, $0xE  }
0xa9: {  	s6 =	sadd.s32 @p0 $0x11B8D, s6;
	s7 =	sshll.u32 @p0 s5, $0x11  }
0xaa: {  	s6 =	sor.u32 @p0 s7, s6  }
0xab: {  	[sflag:s6] =	ssyncadd.remote.s32 @p0 $0x1;
	_ =	sdelay $0x1  }
0xac: {  	s6 =	simm.s32 @p0 $0x1B8D  }
0xad: {  	_ =	swait.eq @p0 [sflag:s6], $0x1  }
0xae: {  	[sflag:s6] =	ssyncadd.s32 @p0 $0xFFFFFFFF  }
0xaf: {  	s7 =	sshll.u32 @!p0 s1, $0xE  }
0xb0: {  	s7 =	sor.u32 @!p0 $0x4000, s7;
	s6 =	simm.s32 @!p0 $0x1B8D  }
0xb1: {  	s5 =	sshll.u32 @!p0 s5, $0x11;
	s7 =	sadd.s32 @!p0 $0x11B8D, s7;
	_ =	swait.eq @!p0 [sflag:s6], $0x1  }
0xb2: {  	s5 =	sor.u32 @!p0 s5, s7;
	[sflag:s6] =	ssyncadd.s32 @!p0 $0xFFFFFFFF  }
0xb3: {  	s25 =	simm.s32 $0x1B8E;
	s24 =	sld [smem:$0x3FFE];
	[sflag:s5] =	ssyncadd.remote.s32 @!p0 $0x1  }
0xb4: {  	s26 =	simm.s32 $execute0_lowered;
	[smem:$0x3FD2] =	sst s25  }
0xb5: {  	s6 =	sshll.u32 s26, $0x1;
	_ =	strace $0x80000049;
	[dreg:$0x1] =	wrdreg $0xFFFFFFFF  }
0xb6: {  	s28 =	simm.s32 $_size_execute0_lowered;
	s4 =	sadd.s32 s4, s6;
	[dreg:$0x0] =	wrdreg $0x0  }
0xb7: {  	s6 =	sshll.u32 s28, $0x1;
	[dreg:$0x2] =	wrdreg s4  }
0xb8: {  	[dreg:$0x3] =	wrdreg s6  }
0xb9: {  	[dreg:$0x4] =	wrdreg $0xC0  }
0xba: {  	_ =	task [dreg:s22], $0x5FFFF  }
0xbb: {  	[dreg:$0x1] =	wrdreg $0xFFFFFFFF  }
0xbc: {  	[dreg:$0x0] =	wrdreg $0x60  }
0xbd: {  	[dreg:$0x2] =	wrdreg s18  }
0xbe: {  	[dreg:$0x3] =	wrdreg s24  }
0xbf: {  	[dreg:$0x4] =	wrdreg $0xB  }
0xc0: {  	_ =	task.clear_ibuf [dreg:s22], $0x5FFFF;
	_ =	strace $0x90000049  }
0xc1: {  	s29 =	simm.s32 $0xB;
	_ =	strace $0x8000004B  }
0xc2: {  	_ =	swait.ge [sflag:s29], $0x1  }
0xc3: {  	[sflag:s29] =	ssyncadd.s32 $0xFFFFFFFF  }
0xc4: {  	_ =	strace $0x9000004B  }
0xc5: {  	_ =	sfence  }
0xc6: {  	s30 =	sld [smem:$0x0];
	_ =	sdelay $0x2  }
0xc7: {  	s31 =	sshll.u32 s1, $0xD;
	s1 =	sshrl.u32 s1, $0x2  }
0xc8: {  	s4 =	sand.u32 $0x4000, s31;
	s1 =	sadd.s32 s1, s30  }
0xc9: {  	s0 =	sor.u32 s4, s0;
	s1 =	sshll.u32 s1, $0x11  }
0xca: {  	s0 =	sor.u32 s1, s0  }
0xcb: {  	s0 =	sadd.s32 $0x8F2B, s0  }
0xcc: {  	[sflag:s0] =	ssyncadd.remote.s32 $0x1  }
0xcd: {  	_ =	sfence.sel $0xFFFF  }
0xce: {  	[dreg:$0x0] =	wrdreg $0xFFFFFFFF;
	(pc) =	sbr.abs _section_cstart, $3  }
0xcf: {  	[dreg:$0x1] =	wrdreg $0xFFFFFFFF  }
0xd0: {  	_ =	task.clear_ibuf [dreg:s22], $0x2FFFF;
	_ =	strace $0x9FFFFFFF  }
0xd1: {  	(tm) =	ssettm $0x7FFFFFFF  }
tec
execute0_lowered:
.L_overlay_start_1:
0x0: {  	(tag) =	ssettag $0x1  }
0x1: {  	s0 =	rddreg [dreg:$0x1];
	s2 =	simm.s32 $0x0;
	s1 =	srdreg.scid  }
0x2: {  	s4 =	stileid.u32;
	[smem:$0x7FF] =	sst s2  }
0x3: {  	v0 =	vimm.s32 $0xECA86420;
	s1 =	sand.u32 $0x1, s1;
	s26 =	sadd.s32 $0xE00, s0;
	s3 =	sadd.s32 $0x4CF200, s0  }
0x4: {  	vm0 =	vcmask $0xB08;
	vm1 =	vcmask $0x1310;
	s0 =	sadd.s32 $0x8CF200, s0;
	_ =	strace $0x8000004A;
	[dreg:$0x3] =	wrdreg s26  }
0x5: {  	vm2 =	vcmask $0x1B18;
	vm13 =	vcmask $0x300;
	vm4 =	vcmask $0x2320;
	p0 =	slt.u32 s4, $0x8;
	s31 =	sshll.u32 s4, $0xA;
	[dreg:$0x4] =	wrdreg s3  }
0x6: {  	vm5 =	vcmask $0x2B28;
	v2 =	vlaneseq.u32;
	vm6 =	vcmask $0x3330;
	s28 =	ssub.s32 $0x2, s1;
	[dreg:$0x5] =	wrdreg s0;
	s3 =	simm.s32 $0xD  }
0x7: {  	vm7 =	vcmask $0x3B38;
	vm8 =	vmmov $0xff;
	vm10 =	vcmask $0x704;
	s1 =	sshll.u32 s1, $0x9;
	s29 =	sshrl.u32 s28, $0x1;
	s3 =	simm.s32 @!p0 $0xC  }
0x8: {  	vm11 =	vcmask $0xF0C;
	vm9 =	vcmask $0x1714;
	v0 =	vunpack.c.l.s4.s8 v0;
	s1 =	sor.u32 s1, s31;
	s30 =	ssub.s32 s28, s29;
	[dreg:$0x6] =	wrdreg s3  }
0x9: {  	vm14 =	vcmask $0x2724;
	vm15 =	vcmask $0x2F2C;
	vm3 =	vcmask $0x3734;
	[dreg:$0x7] =	wrdreg s1;
	s0 =	smax.u32 s30, $0x1  }
0xa: {  	s2 =	simm.s32 $0x2;
	v1 =	vmul.u32 $0x2, v2;
	v2 =	vmul.u32 $0x4, v2;
	v0 =	vunpack.c.0.s8.s32 v0;
	s1 =	simm.s32 $0x0;
	[dreg:$0x8] =	wrdreg s0  }
.LBB2_1:
0xb: {  	[dreg:$0x9] =	wrdreg s1;
	s1 =	simm.s32 $0x0  }
.LBB2_2:
0xc: {  	s0 =	sshll.u32 s1, $0xE;
	s4 =	rddreg [dreg:$0x7]  }
0xd: {  	s5 =	rddreg [dreg:$0x0];
	s0 =	sor.u32 s4, s0  }
0xe: {  	[dreg:$0xb] =	wrdreg s0;
	s0 =	sshrl.u32 s0, $0x3  }
0xf: {  	[dreg:$0xa] =	wrdreg s1;
	s24 =	simm.s32 $0x0;
	s1 =	sadd.s32 s5, s0  }
0x10: {  	[tilespmem:s24], [sflag:$0x2] =	stream.linear.gather [hbm4b:s1+s24], $0x200, $0x38;
	[tilespmem:$0x4600] =	vst v63  }
0x11: {  	_ =	swait.ge [sflag:s2], $0x200  }
0x12: {  	[sflag:s2] =	ssyncset.done $0x0;
	s6 =	rddreg [dreg:$0x3]  }
0x13: {  	s7 =	simm.s32 $0x200;
	[sflag:s2] =	ssyncadd.s32 $0xFFFFFE00;
	s0 =	sadd.s32 s6, s0  }
0x14: {  	[tilespmem:s7], [sflag:$0x2] =	stream.linear.gather [hbm4b:s0+s24], $0x200, $0x38;
	[tilespmem:$0x4600] =	vst v63  }
0x15: {  	_ =	swait.ge [sflag:s2], $0x200  }
0x16: {  	[sflag:s2] =	ssyncset.done $0x0  }
0x17: {  	[sflag:s2] =	ssyncadd.s32 $0xFFFFFE00  }
0x18: {  	v3 =	vld [tilespmem:s7+$0x0];
	_ =	sdelay $0x2  }
0x19: {  	v4 =	vld [tilespmem:s24+$0x0];
	_ =	sdelay $0x1  }
0x1a: {  	v5 =	vand.u32 $0x3FF, v3  }
0x1b: {  	v3 =	vshrl.u32 v3, $0xA;
	v5 =	vmul.u32 $0x17D39, v5  }
0x1c: {  	v3 =	vmul.u32 $0xE4540, v3  }
0x1d: {  	v4 =	vadd.s32 v4, v5  }
0x1e: {  	v3 =	vadd.s32 v3, v4  }
0x1f: {  	(v2sf) =	vpush v3, $0x8  }
0x20: {  	(v2sf) =	vpush v3, $0xD;
	_ =	sdelay $0x1  }
0x21: {  	(v2sf) =	vpush v3, $0x0;
	_ =	sdelay $0x1  }
0x22: {  	(v2sf) =	vpush v3, $0x7  }
0x23: {  	(v2sf) =	vpush v3, $0x2  }
0x24: {  	(v2sf) =	vpush v3, $0x3;
	_ =	sdelay $0x1  }
0x25: {  	(v2sf) =	vpush v3, $0x1  }
0x26: {  	(v2sf) =	vpush v3, $0xC;
	_ =	sdelay $0x2  }
0x27: {  	(v2sf) =	vpush v3, $0x5;
	_ =	sdelay $0x1  }
0x28: {  	s8 =	spop (v2sf)  }
0x29: {  	s26 =	simm.s32 $0x1;
	(v2sf) =	vpush v3, $0x6;
	s9 =	spop (v2sf);
	s18 =	smulhi.u32 $0x431BDE83, s8  }
0x2a: {  	s28 =	simm.s32 $0x210;
	(v2sf) =	vpush v3, $0x9;
	s0 =	sshra.s32 s8, $0x1F;
	s31 =	smulhi.u32 $0x431BDE83, s9  }
0x2b: {  	s29 =	simm.s32 $0x10;
	s10 =	spop (v2sf);
	s21 =	smul.u32 $0x431BDE83, s0  }
0x2c: {  	s30 =	simm.s32 $0x10;
	s4 =	smulhi.u32 $0x431BDE83, s10;
	s2 =	sshra.s32 s10, $0x1F  }
0x2d: {  	s1 =	sshra.s32 s9, $0x1F;
	s3 =	spop (v2sf);
	(v2sf) =	vpush v3, $0x4;
	s2 =	smul.u32 $0x431BDE83, s2  }
0x2e: {  	s6 =	sshra.s32 s3, $0x1F;
	s7 =	spop (v2sf);
	s14 =	smulhi.u32 $0x431BDE83, s3  }
0x2f: {  	s21 =	sadd.s32 s21, s18;
	s6 =	smul.u32 $0x431BDE83, s6;
	s15 =	spop (v2sf)  }
0x30: {  	s19 =	sshra.s32 s7, $0x1F;
	s7 =	smulhi.u32 $0x431BDE83, s7;
	s17 =	sshra.s32 s15, $0x1F  }
0x31: {  	s9 =	spop (v2sf);
	s2 =	sadd.s32 s2, s4;
	s13 =	smul.u32 $0x431BDE83, s19  }
0x32: {  	s16 =	sshra.s32 s9, $0x1F;
	s3 =	spop (v2sf);
	s11 =	smulhi.u32 $0x431BDE83, s9  }
0x33: {  	s0 =	sadd.s32 s6, s14;
	s12 =	sshra.s32 s2, $0x1F;
	s19 =	smul.u32 $0x431BDE83, s17  }
0x34: {  	(v2sf) =	vpush v3, $0xE;
	s8 =	sshra.s32 s2, $0x12;
	s25 =	smul.u32 $0x431BDE83, s16;
	s20 =	sshra.s32 s0, $0x1F  }
0x35: {  	(v2sf) =	vpush v3, $0xA;
	s2 =	sshrl.u32 s2, $0x1F;
	s6 =	smulhi.u32 $0x431BDE83, s15;
	s16 =	spop (v2sf);
	v4 =	vmov s20  }
0x36: {  	s9 =	sshra.s32 s3, $0x1F;
	v5 =	vmov s2;
	s2 =	smul.u32 $0x431BDE83, s1;
	s4 =	sadd.s32 s25, s11;
	v4 =	vsel vm13, s8, v4  }
0x37: {  	s7 =	sadd.s32 s13, s7;
	s14 =	smulhi.u32 $0x431BDE83, s16;
	v4 =	vsel vm10, s12, v4;
	s25 =	sshra.s32 s4, $0x12  }
0x38: {  	(v2sf) =	vpush v3, $0xF;
	s17 =	spop (v2sf);
	s13 =	sshra.s32 s7, $0x12;
	v4 =	vsel vm0, s25, v4;
	s25 =	sshra.s32 s4, $0x1F  }
0x39: {  	(v2sf) =	vpush v3, $0xB;
	v5 =	vnsel vm13, $0x0, v5;
	s23 =	sshra.s32 s17, $0x1F;
	s22 =	sshrl.u32 s4, $0x1F;
	s4 =	spop (v2sf);
	v6 =	vsel vm11, s25, v4  }
0x3a: {  	s15 =	smul.u32 $0x431BDE83, s23;
	v4 =	vsel vm0, s22, v5;
	s18 =	sshra.s32 s4, $0x1F;
	s25 =	simm.s32 $0x0;
	v5 =	vsel vm1, s13, v6  }
.LBB2_3:
0x3b: {  	s18 =	smul.u32 $0x431BDE83, s18;
	s8 =	sshra.s32 s16, $0x1F  }
0x3c: {  	s13 =	spop (v2sf);
	s1 =	smov.u32 s26;
	s16 =	sshrl.u32 s7, $0x1F  }
0x3d: {  	s6 =	sadd.s32 s19, s6;
	s12 =	sshra.s32 s13, $0x1F;
	s8 =	smul.u32 $0x431BDE83, s8  }
0x3e: {  	s7 =	sshra.s32 s7, $0x1F;
	p0 =	sne.s32 s26, $0x1F;
	s13 =	smulhi.u32 $0x431BDE83, s13  }
0x3f: {  	s19 =	sshrl.u32 s6, $0x1F;
	v5 =	vsel vm9, s7, v5;
	s7 =	sshra.s32 s6, $0x12;
	s12 =	smul.u32 $0x431BDE83, s12  }
0x40: {  	s26 =	sadd.s32 $0x1, s26;
	vm12 =	vcmask $0x1F1C;
	v4 =	vsel vm1, s16, v4;
	s16 =	smulhi.u32 $0x431BDE83, s17;
	s6 =	sshra.s32 s6, $0x1F;
	v5 =	vsel vm2, s7, v5  }
0x41: {  	s4 =	smulhi.u32 $0x431BDE83, s4;
	v4 =	vsel vm2, s19, v4;
	s8 =	sadd.s32 s8, s14;
	v5 =	vsel vm12, s6, v5;
	s7 =	sadd.s32 s12, s13  }
0x42: {  	s3 =	smulhi.u32 $0x431BDE83, s3;
	s6 =	sshrl.u32 s8, $0x1F;
	s12 =	sadd.s32 s15, s16  }
0x43: {  	s14 =	sshra.s32 s8, $0x12;
	s13 =	sshrl.u32 s12, $0x1F;
	s15 =	spop (v2sf)  }
0x44: {  	s16 =	sshrl.u32 s0, $0x1F;
	s8 =	sshra.s32 s8, $0x1F;
	s17 =	spop (v2sf)  }
0x45: {  	s23 =	sshra.s32 s12, $0x12;
	s19 =	smulhi.u32 $0x431BDE83, s15;
	s15 =	sshra.s32 s15, $0x1F  }
0x46: {  	s12 =	sshra.s32 s12, $0x1F;
	s5 =	smulhi.u32 $0x431BDE83, s17;
	s17 =	sshra.s32 s17, $0x1F  }
0x47: {  	s0 =	sshra.s32 s0, $0x12;
	s17 =	smul.u32 $0x431BDE83, s17;
	s10 =	spop (v2sf)  }
0x48: {  	s15 =	smul.u32 $0x431BDE83, s15;
	s20 =	sshra.s32 s10, $0x1F;
	s22 =	spop (v2sf)  }
0x49: {  	s10 =	smulhi.u32 $0x431BDE83, s10;
	s5 =	sadd.s32 s17, s5;
	s17 =	sshra.s32 s22, $0x1F  }
0x4a: {  	s15 =	sadd.s32 s15, s19;
	s19 =	smulhi.u32 $0x431BDE83, s22;
	s22 =	sshra.s32 s7, $0x12  }
0x4b: {  	s11 =	sshrl.u32 s7, $0x1F;
	s7 =	sshra.s32 s7, $0x1F;
	s17 =	smul.u32 $0x431BDE83, s17;
	v5 =	vsel vm4, s22, v5  }
0x4c: {  	s2 =	sadd.s32 s2, s31;
	v4 =	vsel vm4, s11, v4;
	v5 =	vsel vm14, s7, v5;
	s7 =	smul.u32 $0x431BDE83, s9  }
0x4d: {  	s4 =	sadd.s32 s18, s4;
	s11 =	sshra.s32 s21, $0x12;
	v4 =	vsel vm5, s6, v4;
	s9 =	sshrl.u32 s21, $0x1F;
	v5 =	vsel vm5, s14, v5  }
0x4e: {  	v4 =	vsel vm6, s13, v4;
	s6 =	smul.u32 $0x431BDE83, s20;
	v6 =	vmov s9;
	s9 =	sadd.s32 s17, s19;
	v5 =	vsel vm15, s8, v5;
	s3 =	sadd.s32 s7, s3  }
0x4f: {  	v7 =	vmov s11;
	v4 =	vsel vm7, s16, v4;
	s7 =	sshra.s32 s4, $0x12;
	s8 =	sshra.s32 s5, $0x12;
	v5 =	vsel vm6, s23, v5;
	s23 =	simm.s32 $0x400  }
0x50: {  	s6 =	sadd.s32 s6, s10;
	s11 =	sshrl.u32 s3, $0x1F;
	s3 =	sshra.s32 s3, $0x12;
	v7 =	vsel vm0, s7, v7;
	v5 =	vsel vm3, s12, v5  }
0x51: {  	s4 =	sshrl.u32 s4, $0x1F;
	s7 =	sshrl.u32 s2, $0x1F;
	s2 =	sshra.s32 s2, $0x12;
	v8 =	vmov s11;
	v9 =	vmov s3;
	v7 =	vsel vm1, s8, v7  }
0x52: {  	v6 =	vsel vm0, s4, v6;
	s4 =	sshrl.u32 s5, $0x1F;
	s3 =	sshrl.u32 s15, $0x1F;
	v8 =	vsel vm0, s7, v8;
	v9 =	vsel vm0, s2, v9;
	s2 =	sshra.s32 s15, $0x12  }
0x53: {  	v6 =	vsel vm1, s4, v6;
	s4 =	sshrl.u32 s9, $0x1F;
	v8 =	vsel vm1, s3, v8;
	s3 =	sshrl.u32 s6, $0x1F;
	v9 =	vsel vm1, s2, v9;
	s2 =	sshra.s32 s6, $0x12  }
0x54: {  	v6 =	vsel vm2, s4, v6;
	v8 =	vsel vm2, s3, v8;
	v9 =	vsel vm2, s2, v9  }
0x55: {  	v5 =	vsel vm7, s0, v5;
	s2 =	sshra.s32 s9, $0x12;
	v6 =	vcombine.low v6, v8  }
0x56: {  	v7 =	vsel vm2, s2, v7  }
0x57: {  	v7 =	vcombine.low v7, v9;
	_ =	sdelay $0x1  }
0x58: {  	v4 =	vperm.xlane v4, v1;
	v6 =	vperm.xlane v6, v0  }
0x59: {  	v5 =	vperm.xlane v5, v1;
	v7 =	vperm.xlane v7, v0;
	_ =	sdelay $0x1  }
0x5a: {  	v4 =	vsel vm8, v4, v6;
	v5 =	vsel vm8, v5, v7  }
0x5b: {  	s0 =	sand.u32 $0x70, s24;
	s24 =	smov.u32 s30;
	v4 =	vadd.s32 v4, v5  }
0x5c: {  	v5 =	vmov s0;
	v4 =	vmul.u32 $0xF4240, v4  }
0x5d: {  	v5 =	vshll.u32 v5, $0x2  }
0x5e: {  	vm12 =	vmmov vm9;
	s0 =	sshrl.u32 s25, $0x3;
	s25 =	smov.u32 s1;
	v3 =	vsub.s32 v3, v4;
	v4 =	vor.u32 v2, v5  }
0x5f: {  	vm9 =	vlt.s32 v3, $0x0;
	v5 =	vadd.s32 $0xF4240, v3;
	v4 =	vadd.s32 s0, v4  }
0x60: {  	v3 =	vsel vm9, v5, v3;
	vm9 =	vmmov vm12  }
0x61: {  	v5 =	vshll.u32 v3, $0x2  }
0x62: {  	v3 =	vshrl.u32 v3, $0x12;
	v5 =	vand.u32 $0xFFFFC, v5  }
0x63: {  	v3 =	vor.u32 v3, v5  }
0x64: {  	[tilespmem:v4+s23+$0x0] =	vst.idx.msk $0xffff, v3  }
0x65: {  	v3 =	vld [tilespmem:s28+$0x0];
	_ =	sdelay $0x2  }
0x66: {  	v4 =	vld [tilespmem:s29+$0x0];
	_ =	sdelay $0x1  }
0x67: {  	v5 =	vshrl.u32 v3, $0xA;
	v3 =	vand.u32 $0x3FF, v3  }
0x68: {  	v3 =	vmul.u32 $0x17D39, v3  }
0x69: {  	v5 =	vmul.u32 $0xE4540, v5  }
0x6a: {  	v3 =	vadd.s32 v4, v3  }
0x6b: {  	v3 =	vadd.s32 v5, v3  }
0x6c: {  	(v2sf) =	vpush v3, $0x8  }
0x6d: {  	(v2sf) =	vpush v3, $0xD  }
0x6e: {  	(v2sf) =	vpush v3, $0x0  }
0x6f: {  	(v2sf) =	vpush v3, $0x7  }
0x70: {  	(v2sf) =	vpush v3, $0x2  }
0x71: {  	(v2sf) =	vpush v3, $0x3  }
0x72: {  	(v2sf) =	vpush v3, $0x1;
	_ =	sdelay $0x1  }
0x73: {  	(v2sf) =	vpush v3, $0xC;
	_ =	sdelay $0x2  }
0x74: {  	(v2sf) =	vpush v3, $0x5;
	_ =	sdelay $0x2  }
0x75: {  	(v2sf) =	vpush v3, $0x6  }
0x76: {  	s30 =	sadd.s32 $0x10, s30;
	s28 =	sadd.s32 $0x10, s28;
	s0 =	spop (v2sf)  }
0x77: {  	s29 =	sadd.s32 $0x10, s29;
	s1 =	smulhi.u32 $0x431BDE83, s0;
	s2 =	spop (v2sf);
	(v2sf) =	vpush v3, $0x9  }
0x78: {  	s0 =	sshra.s32 s0, $0x1F;
	s31 =	smulhi.u32 $0x431BDE83, s2;
	s3 =	spop (v2sf)  }
0x79: {  	s4 =	smulhi.u32 $0x431BDE83, s3;
	s3 =	sshra.s32 s3, $0x1F;
	(v2sf) =	vpush v3, $0x4;
	s5 =	spop (v2sf)  }
0x7a: {  	s13 =	smul.u32 $0x431BDE83, s0;
	s6 =	sshra.s32 s5, $0x1F;
	s7 =	spop (v2sf)  }
0x7b: {  	s2 =	sshra.s32 s2, $0x1F;
	s6 =	smul.u32 $0x431BDE83, s6;
	s8 =	spop (v2sf)  }
0x7c: {  	s3 =	smul.u32 $0x431BDE83, s3;
	s10 =	sshra.s32 s8, $0x1F;
	s9 =	spop (v2sf)  }
0x7d: {  	s5 =	smulhi.u32 $0x431BDE83, s5;
	s12 =	sshra.s32 s7, $0x1F;
	s11 =	sshra.s32 s9, $0x1F  }
0x7e: {  	s7 =	smulhi.u32 $0x431BDE83, s7;
	s4 =	sadd.s32 s3, s4;
	s3 =	spop (v2sf)  }
0x7f: {  	s14 =	smulhi.u32 $0x431BDE83, s9;
	s0 =	sadd.s32 s6, s5;
	s5 =	sshra.s32 s4, $0x1F  }
0x80: {  	s6 =	smul.u32 $0x431BDE83, s11;
	s11 =	sshra.s32 s4, $0x12;
	s9 =	sshra.s32 s0, $0x1F;
	(v2sf) =	vpush v3, $0xE  }
0x81: {  	s12 =	smul.u32 $0x431BDE83, s12;
	s4 =	sshrl.u32 s4, $0x1F;
	v4 =	vmov s9;
	(v2sf) =	vpush v3, $0xA;
	s16 =	spop (v2sf)  }
0x82: {  	s9 =	sshra.s32 s3, $0x1F;
	v5 =	vmov s4;
	s4 =	sadd.s32 s6, s14;
	v4 =	vsel vm13, s11, v4;
	s14 =	smulhi.u32 $0x431BDE83, s16  }
.Ltmp0:
0x83: {  	s6 =	sshrl.u32 s4, $0x1F;
	v4 =	vsel vm10, s5, v4;
	s5 =	sshra.s32 s4, $0x12;
	(pc) =	sbr.rel @p0 .LBB2_3-.Ltmp0, $4  }
0x84: {  	s19 =	smul.u32 $0x431BDE83, s10;
	v5 =	vnsel vm13, $0x0, v5;
	s4 =	sshra.s32 s4, $0x1F;
	v6 =	vsel vm0, s5, v4;
	(v2sf) =	vpush v3, $0xF;
	s17 =	spop (v2sf)  }
0x85: {  	s7 =	sadd.s32 s12, s7;
	v4 =	vsel vm0, s6, v5;
	s6 =	smulhi.u32 $0x431BDE83, s8;
	v5 =	vsel vm11, s4, v6;
	s5 =	sshra.s32 s17, $0x1F;
	(v2sf) =	vpush v3, $0xB  }
0x86: {  	s15 =	smul.u32 $0x431BDE83, s5;
	s5 =	sshra.s32 s7, $0x12;
	s4 =	spop (v2sf)  }
0x87: {  	s2 =	smul.u32 $0x431BDE83, s2;
	s21 =	sadd.s32 s13, s1;
	s18 =	sshra.s32 s4, $0x1F;
	v5 =	vsel vm1, s5, v5  }
0x88: {  	s5 =	smul.u32 $0x431BDE83, s18  }
0x89: {  	s22 =	smulhi.u32 $0x431BDE83, s17  }
0x8a: {  	s4 =	smulhi.u32 $0x431BDE83, s4  }
0x8b: {  	s1 =	sshra.s32 s16, $0x1F;
	s8 =	spop (v2sf);
	s3 =	smulhi.u32 $0x431BDE83, s3  }
0x8c: {  	s10 =	sshrl.u32 s7, $0x1F;
	s6 =	sadd.s32 s19, s6;
	s1 =	smul.u32 $0x431BDE83, s1  }
0x8d: {  	s7 =	sshra.s32 s7, $0x1F;
	s11 =	sshra.s32 s8, $0x1F;
	s8 =	smulhi.u32 $0x431BDE83, s8  }
0x8e: {  	s12 =	sshrl.u32 s6, $0x1F;
	s13 =	sshra.s32 s6, $0x12;
	s6 =	sshra.s32 s6, $0x1F  }
0x8f: {  	s2 =	sadd.s32 s2, s31;
	v4 =	vsel vm1, s10, v4;
	s11 =	smul.u32 $0x431BDE83, s11;
	s4 =	sadd.s32 s5, s4  }
0x90: {  	v4 =	vsel vm2, s12, v4;
	s12 =	smul.u32 $0x431BDE83, s9;
	s14 =	sadd.s32 s1, s14;
	s1 =	sadd.s32 s15, s22  }
0x91: {  	s8 =	sadd.s32 s11, s8;
	s18 =	sshrl.u32 s14, $0x1F;
	s16 =	sshrl.u32 s1, $0x1F  }
0x92: {  	v5 =	vsel vm9, s7, v5;
	s19 =	sshra.s32 s14, $0x12;
	s7 =	sshra.s32 s14, $0x1F;
	s26 =	spop (v2sf)  }
0x93: {  	v5 =	vsel vm2, s13, v5;
	s13 =	sshra.s32 s1, $0x12;
	s28 =	spop (v2sf);
	s29 =	smulhi.u32 $0x431BDE83, s26  }
0x94: {  	s3 =	sadd.s32 s12, s3;
	s11 =	sshra.s32 s26, $0x1F;
	s30 =	smulhi.u32 $0x431BDE83, s28  }
0x95: {  	s12 =	sshrl.u32 s0, $0x1F;
	s20 =	sshra.s32 s28, $0x1F;
	s11 =	smul.u32 $0x431BDE83, s11  }
0x96: {  	s1 =	sshra.s32 s1, $0x1F;
	s10 =	sshrl.u32 s8, $0x1F;
	s22 =	smul.u32 $0x431BDE83, s20  }
0x97: {  	vm9 =	vcmask $0x1F1C;
	s20 =	spop (v2sf);
	s11 =	sadd.s32 s11, s29;
	s29 =	sshra.s32 s8, $0x12  }
0x98: {  	v5 =	vsel vm9, s6, v5;
	v4 =	vsel vm4, s10, v4;
	s15 =	sadd.s32 s22, s30;
	s22 =	spop (v2sf);
	s28 =	smulhi.u32 $0x431BDE83, s20  }
0x99: {  	v4 =	vsel vm5, s18, v4;
	v5 =	vsel vm4, s29, v5;
	s30 =	sshra.s32 s8, $0x1F;
	s31 =	sshra.s32 s20, $0x1F;
	s20 =	sshra.s32 s21, $0x12  }
0x9a: {  	v4 =	vsel vm6, s16, v4;
	s29 =	sshrl.u32 s2, $0x1F;
	s14 =	smulhi.u32 $0x431BDE83, s22;
	s26 =	sshra.s32 s22, $0x1F;
	v5 =	vsel vm14, s30, v5  }
0x9b: {  	v4 =	vsel vm7, s12, v4;
	s5 =	smul.u32 $0x431BDE83, s31;
	v7 =	vmov s20;
	v5 =	vsel vm5, s19, v5;
	s19 =	sshrl.u32 s21, $0x1F;
	s21 =	sshra.s32 s4, $0x12  }
0x9c: {  	s17 =	smul.u32 $0x431BDE83, s26;
	s26 =	sshrl.u32 s3, $0x1F;
	s3 =	sshra.s32 s3, $0x12;
	v6 =	vmov s19;
	v5 =	vsel vm15, s7, v5;
	v7 =	vsel vm0, s21, v7  }
0x9d: {  	s4 =	sshrl.u32 s4, $0x1F;
	s5 =	sadd.s32 s5, s28;
	v8 =	vmov s26;
	s28 =	sshra.s32 s15, $0x12;
	v9 =	vmov s3;
	v5 =	vsel vm6, s13, v5  }
0x9e: {  	s2 =	sshra.s32 s2, $0x12;
	s30 =	sshrl.u32 s11, $0x1F;
	s31 =	sshrl.u32 s15, $0x1F;
	v7 =	vsel vm1, s28, v7;
	v8 =	vsel vm0, s29, v8;
	v6 =	vsel vm0, s4, v6  }
0x9f: {  	s7 =	sshra.s32 s11, $0x12;
	s17 =	sadd.s32 s17, s14;
	v9 =	vsel vm0, s2, v9;
	s8 =	sshrl.u32 s5, $0x1F;
	v8 =	vsel vm1, s30, v8;
	v6 =	vsel vm1, s31, v6  }
0xa0: {  	s10 =	sshra.s32 s5, $0x12;
	s9 =	sshrl.u32 s17, $0x1F;
	v9 =	vsel vm1, s7, v9;
	s11 =	sshra.s32 s17, $0x12;
	v5 =	vsel vm3, s1, v5;
	v8 =	vsel vm2, s8, v8  }
0xa1: {  	s13 =	sshra.s32 s0, $0x12;
	v6 =	vsel vm2, s9, v6;
	v9 =	vsel vm2, s10, v9;
	v7 =	vsel vm2, s11, v7  }
0xa2: {  	v5 =	vsel vm7, s13, v5;
	v6 =	vcombine.low v6, v8;
	v7 =	vcombine.low v7, v9  }
0xa3: {  	v4 =	vperm.xlane v4, v1;
	v5 =	vperm.xlane v5, v1  }
0xa4: {  	v6 =	vperm.xlane v6, v0;
	v7 =	vperm.xlane v7, v0;
	_ =	sdelay $0x1  }
0xa5: {  	v4 =	vsel vm8, v4, v6;
	v5 =	vsel vm8, v5, v7  }
0xa6: {  	s14 =	sand.u32 $0x70, s24;
	v4 =	vadd.s32 v4, v5  }
0xa7: {  	v61 =	vmov s14;
	v4 =	vmul.u32 $0xF4240, v4  }
0xa8: {  	v5 =	vshll.u32 v61, $0x2  }
0xa9: {  	s15 =	sshrl.u32 s25, $0x3;
	v62 =	vor.u32 v2, v5;
	v3 =	vsub.s32 v3, v4  }
0xaa: {  	v4 =	vadd.s32 s15, v62;
	vm9 =	vlt.s32 v3, $0x0;
	v63 =	vadd.s32 $0xF4240, v3  }
0xab: {  	v3 =	vsel vm9, v63, v3  }
0xac: {  	v5 =	vshll.u32 v3, $0x2  }
0xad: {  	v3 =	vshrl.u32 v3, $0x12;
	v5 =	vand.u32 $0xFFFFC, v5  }
0xae: {  	v3 =	vor.u32 v3, v5  }
0xaf: {  	s18 =	simm.s32 $0x600;
	s16 =	rddreg [dreg:$0x4];
	s17 =	simm.s32 $0x80;
	[tilespmem:v4+s23+$0x0] =	vst.idx.msk $0xffff, v3  }
0xb0: {  	[tilespmem:s18], [sflag:$0x1] =	stream.indirect.gather [hbm4b:s16+s17], $0x20, s23, s17, $0xb8;
	[tilespmem:$0x4600] =	vst v63  }
0xb1: {  	s20 =	simm.s32 $0x1600;
	s19 =	simm.s32 $0x480  }
0xb2: {  	[tilespmem:s20], [sflag:$0x1] =	stream.indirect.gather [hbm4b:s16+s17], $0x20, s19, s17, $0xb8;
	[tilespmem:$0x4600] =	vst v63  }
0xb3: {  	s22 =	simm.s32 $0x2600;
	s21 =	simm.s32 $0x500  }
0xb4: {  	[tilespmem:s22], [sflag:$0x1] =	stream.indirect.gather [hbm4b:s16+s17], $0x20, s21, s17, $0xb8;
	[tilespmem:$0x4600] =	vst v63  }
0xb5: {  	s25 =	simm.s32 $0x1;
	s24 =	simm.s32 $0x3600;
	s23 =	simm.s32 $0x580  }
0xb6: {  	[tilespmem:s24], [sflag:$0x1] =	stream.indirect.gather [hbm4b:s16+s17], $0x20, s23, s17, $0xb8;
	[tilespmem:$0x4600] =	vst v63  }
0xb7: {  	_ =	swait.ge [sflag:s25], $0x1000  }
0xb8: {  	[sflag:s25] =	ssyncset.done $0x0  }
0xb9: {  	[sflag:s25] =	ssyncadd.s32 $0xFFFFF000  }
0xba: {  	_ =	swait.ge [sflag:s25], $0x1000  }
0xbb: {  	[sflag:s25] =	ssyncset.done $0x0  }
0xbc: {  	[sflag:s25] =	ssyncadd.s32 $0xFFFFF000  }
0xbd: {  	_ =	swait.ge [sflag:s25], $0x1000  }
0xbe: {  	[sflag:s25] =	ssyncset.done $0x0  }
0xbf: {  	[sflag:s25] =	ssyncadd.s32 $0xFFFFF000  }
0xc0: {  	_ =	swait.ge [sflag:s25], $0x1000  }
0xc1: {  	s29 =	simm.s32 $0x0;
	s26 =	rddreg [dreg:$0xb]  }
0xc2: {  	[sflag:s25] =	ssyncset.done $0x0;
	s28 =	rddreg [dreg:$0x5];
	s0 =	sshll.u32 s26, $0x2  }
0xc3: {  	s2 =	simm.s32 $0x2;
	[sflag:s25] =	ssyncadd.s32 $0xFFFFF000;
	s0 =	sadd.s32 s28, s0  }
0xc4: {  	[hbm4b:s0+s29] =	stream.linear.scatter [tilespmem:s18], [sflag:$0x2], $0x4000, $0x38;
	[tilespmem:$0x4600] =	vst v63  }
0xc5: {  	_ =	swait.ge [sflag:s2], $0x4000  }
0xc6: {  	s30 =	rddreg [dreg:$0xa]  }
0xc7: {  	s31 =	rddreg [dreg:$0x6];
	s1 =	sadd.s32 $0x1, s30  }
0xc8: {  	p0 =	sne.s32 s1, s31  }
.Ltmp1:
0xc9: {  	_ = 	snop;
	(pc) =	sbr.rel @p0 .LBB2_2-.Ltmp1, $3  }
0xca: {  	_ =	sdelay $0x1  }
0xcb: {  	[sflag:s2] =	ssyncset.done $0x0  }
0xcc: {  	vm9 =	vmmov vm12;
	[sflag:s2] =	ssyncadd.s32 $0xFFFFC000  }
0xcd: {  	s1 =	rddreg [dreg:$0x9]  }
0xce: {  	s0 =	rddreg [dreg:$0x8];
	s1 =	sadd.s32 $0x1, s1  }
0xcf: {  	p0 =	sne.s32 s1, s0  }
.Ltmp2:
0xd0: {  	_ = 	snop;
	(pc) =	sbr.rel @p0 .LBB2_1-.Ltmp2, $1  }
0xd1: {  	_ =	sdelay $0x3  }
0xd2: {  	_ =	sfence.sel $0x180000  }
0xd3: {  	[bflag:$0x0] =	sbarrier.arrive $0xFFFF  }
0xd4: {  	_ =	strace $0x9000004A  }
0xd5: {  	s0 =	stileid.u32;
	[bflag:$0x2] =	sbarrier.arrive $0xFFFF  }
0xd6: {  	p0 =	sne.s32 s0, $0x0;
	s0 =	rddreg [dreg:$0x2]  }
0xd7: {  	s0 =	sadd.s32 @!p0 $0x100000, s0  }
0xd8: {  	[sflag:s0] =	ssyncadd.tile.s32 @!p0 $0x1;
	_ =	shalt  }
.Lfunc_end2:
_tile_overlayer_lowered:
.L_overlay_start_2:
0xd9: {  	(tag) =	ssettag $0x2  }
0xda: {  	s0 =	rddreg [dreg:$0x0];
	s2 =	stileid.u32  }
0xdb: {  	s1 =	rddreg [dreg:$0x1];
	p0 =	sne.s32 s2, $0x0  }
0xdc: {  	s3 =	rddreg [dreg:$0x2];
	[bflag:$0x3] =	sbarrier.arrive $0xFFFF;
	s2 =	simm.s32 @!p0 $0x1C02  }
0xdd: {  	[timem:s3], [sflag:s2] =	dma.local @!p0 [hbm:s0], s1  }
0xde: {  	s0 =	simm.s32 @!p0 $0x2  }
0xdf: {  	_ =	swait.ge @!p0 [sflag:s0], s1  }
0xe0: {  	s1 =	ssub.s32 @!p0 $0x0, s1;
	[sflag:s0] =	ssyncset.done @!p0 $0x0  }
0xe1: {  	[sflag:s0] =	ssyncadd.s32 @!p0 s1  }
0xe2: {  	[bflag:$0x3] =	sbarrier.arrive $0xFFFF  }
0xe3: {  	_ =	shalt  }

// kernel: kernel.9.cloned.1.call-start
scs
__scs_entry_jumppad:
0x0: {  	(pc) =	sbr.rel $0x88, $3  }
0x1: {  	(tag) =	ssettag $0x0;
	lr =	simm.s32 $0x1  }
0x2: {  	[smem:$0x3F9C] =	sst lr;
	_ =	strace $0xD0000000  }
0x3: {  	_ = 	snop  }
0x4: {  	_ = 	snop  }
0x5: {  	_ = 	snop  }
0x6: {  	_ = 	snop  }
0x7: {  	_ = 	snop  }
__scs_overlays_trampoline_lowered:
0x8: {  	[smem:$0x3FAB] =	sst s0  }
0x9: {  	[smem:$0x3FAC] =	sst s1  }
0xa: {  	[smem:$0x3FAD] =	sst s2  }
0xb: {  	[smem:$0x3FAE] =	sst s3  }
0xc: {  	[smem:$0x3FAF] =	sst s4  }
0xd: {  	[smem:$0x3FB0] =	sst s5  }
0xe: {  	[smem:$0x3FB1] =	sst s6  }
0xf: {  	[smem:$0x3FB2] =	sst s7  }
0x10: {  	[smem:$0x3FB3] =	sst s8  }
0x11: {  	[smem:$0x3FB4] =	sst s9;
	s0 =	simm.s32 @!p0 $0x0  }
0x12: {  	s1 =	sld [smem:$0x3F9A];
	s0 =	simm.s32 @p0 $0x1  }
0x13: {  	[smem:$0x3FB5] =	sst s0;
	s0 =	simm.s32 @!p1 $0x0  }
0x14: {  	s2 =	sld [smem:$0x3F99];
	s0 =	simm.s32 @p1 $0x1  }
0x15: {  	[smem:$0x3FB6] =	sst s0;
	s0 =	simm.s32 @!p2 $0x0  }
0x16: {  	s3 =	sld [smem:$0x3FDB];
	s0 =	simm.s32 @p2 $0x1  }
0x17: {  	s4 =	simm.s32 $0x1BF5;
	[smem:$0x3FB8] =	sst s0  }
0x18: {  	s0 =	sld [smem:$0x3F9B];
	_ =	swait.ge [sflag:s4], $0x0  }
0x19: {  	s7 =	sld [smem:$0x3F9C]  }
0x1a: {  	s8 =	sadd.s32 $0xFFFFE003, lr  }
0x1b: {  	s9 =	sadd.s32 $0xFFFFFEF7, lr;
	s5 =	simm.s32 $0xFFFFFFFF;
	p2 =	slt.u32 s8, $0xFFFFF086  }
0x1c: {  	p1 =	slt.u32 s9, $0xF7A;
	s5 =	simm.s32 @!p2 $0x0  }
0x1d: {  	s5 =	simm.s32 @p1 $0x1;
	p0 =	seq.s32 s7, s2  }
0x1e: {  	s7 =	smul.u32 @!p0 $0xF7A, s2;
	p2 =	seq.s32 @!p0 s5, $0x0  }
0x1f: {  	s9 =	smul.u32 $0xF7A, s1;
	s8 =	simm.s32 @!p0 $0x1BF5;
	p2 =	por !p2, p0  }
0x20: {  	[sflag:s8] =	ssyncset.s32 @!p0 $0xFFFFF086;
	s6 =	sadd.s32 @!p0 s3, s7;
	s7 =	simm.s32 @!p0 $0x108  }
0x21: {  	s3 =	sadd.s32 s3, s9;
	s6 =	sadd.s32 @!p0 $0x88, s6;
	s7 =	simm.s32 @p2 $0x1082  }
0x22: {  	[simem:s7], [sflag:s8] =	dma.local @!p0 [hbm:s6], $0xF7A  }
0x23: {  	s9 =	sor.u32 $0xD0000000, s2;
	s6 =	simm.s32 $0x108;
	_ =	swait.ge @!p0 [sflag:s8], $0x0  }
0x24: {  	s3 =	sadd.s32 $0x88, s3;
	s6 =	simm.s32 @!p1 $0x1082;
	[sflag:s4] =	ssyncset.s32 $0xFFFFF086  }
0x25: {  	[simem:s6], [sflag:s4] =	dma.local [hbm:s3], $0xF7A  }
0x26: {  	[smem:$0x3F9C] =	sst s1;
	(tag) =	ssettag s2;
	_ =	strace s9  }
0x27: {  	s1 =	sld [smem:$0x3FAC]  }
0x28: {  	s2 =	sld [smem:$0x3FAD]  }
0x29: {  	s4 =	sld [smem:$0x3FAF]  }
0x2a: {  	p0 =	seq.s32 s5, $0x0;
	s5 =	sld [smem:$0x3FB0]  }
0x2b: {  	s6 =	sld [smem:$0x3FB1]  }
0x2c: {  	s7 =	sld [smem:$0x3FB2]  }
0x2d: {  	s3 =	simm.s32 $0x108;
	s8 =	sld [smem:$0x3FB3]  }
0x2e: {  	s3 =	simm.s32 @!p0 $0x1082;
	s9 =	sld [smem:$0x3FB4]  }
0x2f: {  	lr =	sadd.s32 s0, s3;
	s0 =	sld [smem:$0x3FAB]  }
0x30: {  	s3 =	sld [smem:$0x3FAE]  }
0x31: {  	[smem:$0x3FB7] =	sst s10  }
0x32: {  	s10 =	sld [smem:$0x3FB5];
	_ =	sdelay $0x3  }
0x33: {  	p0 =	seq.s32 s10, $0x1;
	s10 =	sld [smem:$0x3FB7];
	_ =	sdelay $0x3  }
0x34: {  	[smem:$0x3FB7] =	sst s10  }
0x35: {  	s10 =	sld [smem:$0x3FB6];
	_ =	sdelay $0x3  }
0x36: {  	p1 =	seq.s32 s10, $0x1;
	s10 =	sld [smem:$0x3FB7];
	_ =	sdelay $0x3  }
0x37: {  	[smem:$0x3FB7] =	sst s10  }
0x38: {  	s10 =	sld [smem:$0x3FB8]  }
0x39: {  	_ = 	snop;
	(pc) =	sbr.ind lr, $3  }
0x3a: {  	_ = 	snop  }
0x3b: {  	_ = 	snop  }
0x3c: {  	p2 =	seq.s32 s10, $0x1;
	s10 =	sld [smem:$0x3FB7]  }
0x3d: {  	_ =	shalt  }
0x3e: {  	_ =	shalt  }
0x3f: {  	_ =	shalt  }
0x40: {  	_ =	shalt  }
0x41: {  	_ =	shalt  }
0x42: {  	_ =	shalt  }
0x43: {  	_ =	shalt  }
0x44: {  	_ =	shalt  }
0x45: {  	_ =	shalt  }
0x46: {  	_ =	shalt  }
0x47: {  	_ =	shalt  }
0x48: {  	_ =	shalt  }
0x49: {  	_ =	shalt  }
0x4a: {  	_ =	shalt  }
0x4b: {  	_ =	shalt  }
0x4c: {  	_ =	shalt  }
0x4d: {  	_ =	shalt  }
0x4e: {  	_ =	shalt  }
0x4f: {  	_ =	shalt  }
0x50: {  	_ =	shalt  }
0x51: {  	_ =	shalt  }
0x52: {  	_ =	shalt  }
0x53: {  	_ =	shalt  }
0x54: {  	_ =	shalt  }
0x55: {  	_ =	shalt  }
0x56: {  	_ =	shalt  }
0x57: {  	_ =	shalt  }
0x58: {  	_ =	shalt  }
0x59: {  	_ =	shalt  }
0x5a: {  	_ =	shalt  }
0x5b: {  	_ =	shalt  }
0x5c: {  	_ =	shalt  }
0x5d: {  	_ =	shalt  }
0x5e: {  	_ =	shalt  }
0x5f: {  	_ =	shalt  }
0x60: {  	_ =	shalt  }
0x61: {  	_ =	shalt  }
0x62: {  	_ =	shalt  }
0x63: {  	_ =	shalt  }
0x64: {  	_ =	shalt  }
0x65: {  	_ =	shalt  }
0x66: {  	_ =	shalt  }
0x67: {  	_ =	shalt  }
0x68: {  	_ =	shalt  }
0x69: {  	_ =	shalt  }
0x6a: {  	_ =	shalt  }
0x6b: {  	_ =	shalt  }
0x6c: {  	_ =	shalt  }
0x6d: {  	_ =	shalt  }
0x6e: {  	_ =	shalt  }
0x6f: {  	_ =	shalt  }
0x70: {  	_ =	shalt  }
0x71: {  	_ =	shalt  }
0x72: {  	_ =	shalt  }
0x73: {  	_ =	shalt  }
0x74: {  	_ =	shalt  }
0x75: {  	_ =	shalt  }
0x76: {  	_ =	shalt  }
0x77: {  	_ =	shalt  }
0x78: {  	_ =	shalt  }
0x79: {  	_ =	shalt  }
0x7a: {  	_ =	shalt  }
0x7b: {  	_ =	shalt  }
0x7c: {  	_ =	shalt  }
0x7d: {  	_ =	shalt  }
0x7e: {  	_ =	shalt  }
0x7f: {  	_ =	shalt  }
0x80: {  	_ =	shalt  }
0x81: {  	_ =	shalt  }
0x82: {  	_ =	shalt  }
0x83: {  	_ =	shalt  }
0x84: {  	_ =	shalt  }
0x85: {  	_ =	shalt  }
0x86: {  	_ =	shalt  }
0x87: {  	_ =	shalt  }
.Lfunc_end0:
.L_simem_size_0:
called_computation_lowered:
.L_overlay_start_0:
0x88: {  	s2 =	sld [smem:$0x3FD9]  }
0x89: {  	s3 =	sld [smem:$0x3FFE];
	_ =	sdelay $0x1  }
0x8a: {  	s1 =	srdreg.scid  }
0x8b: {  	s0 =	sand.u32 $0x1, s1  }
0x8c: {  	s17 =	sshll.u32 s0, $0xA;
	s2 =	sadd.s32 s3, s2  }
0x8d: {  	s2 =	sadd.s32 s2, s17  }
0x8e: {  	[smem:$0x3FC3] =	sst s2  }
0x8f: {  	_ = 	snop  }
0x90: {  	s18 =	sld [smem:$0x3FD0];
	(tm) =	ssettm $0x1  }
0x91: {  	s19 =	sld [smem:$0x3FFB];
	_ =	sdelay $0x3  }
0x92: {  	_ =	strace s19  }
0x93: {  	s2 =	sld [smem:$0x3FFC];
	_ =	sdelay $0x3  }
0x94: {  	_ =	strace s2  }
0x95: {  	s2 =	sld [smem:$0x3FFD];
	_ =	sdelay $0x3  }
0x96: {  	_ =	strace s2  }
0x97: {  	_ =	strace $0x8FFFFFFF  }
0x98: {  	s20 =	sld [smem:$0x3FDB];
	_ =	sdelay $0x1  }
0x99: {  	s4 =	simm.s32 $_scs_section_size  }
0x9a: {  	s5 =	simm.s32 $_size__tile_overlayer_lowered;
	s6 =	simm.s32 $_tile_overlayer_lowered  }
0x9b: {  	s7 =	simm.s32 $0x1BFF;
	s21 =	sshll.u32 s6, $0x1;
	s4 =	sadd.s32 s4, s20  }
0x9c: {  	s22 =	simm.s32 $0x0;
	s5 =	sshll.u32 s5, $0x1;
	s6 =	sadd.s32 s21, s4  }
0x9d: {  	[timem:s22], [sflag:s7] =	dma.local [hbm:s6], s5  }
0x9e: {  	_ =	swait.ge [sflag:s7], s5  }
0x9f: {  	s5 =	ssub.s32 $0x0, s5;
	[sflag:s7] =	ssyncset.done $0x0  }
0xa0: {  	[sflag:s7] =	ssyncadd.s32 s5;
	_ =	sdelay $0x1  }
0xa1: {  	s23 =	simm.s32 $0x1B8B  }
0xa2: {  	_ =	swait.ge [sflag:s23], $0x1  }
0xa3: {  	[sflag:s23] =	ssyncset.done $0x0  }
0xa4: {  	[sflag:s23] =	ssyncadd.s32 $0xFFFFFFFF  }
0xa5: {  	s5 =	sld [smem:$0x0]  }
0xa6: {  	s6 =	sand.u32 $0xFFFFFFFE, s1  }
0xa7: {  	p0 =	sne.s32 s1, s6  }
0xa8: {  	s6 =	sshll.u32 @p0 s6, $0xE  }
0xa9: {  	s6 =	sadd.s32 @p0 $0x11B8D, s6;
	s7 =	sshll.u32 @p0 s5, $0x11  }
0xaa: {  	s6 =	sor.u32 @p0 s7, s6  }
0xab: {  	[sflag:s6] =	ssyncadd.remote.s32 @p0 $0x1;
	_ =	sdelay $0x1  }
0xac: {  	s6 =	simm.s32 @p0 $0x1B8D  }
0xad: {  	_ =	swait.eq @p0 [sflag:s6], $0x1  }
0xae: {  	[sflag:s6] =	ssyncadd.s32 @p0 $0xFFFFFFFF  }
0xaf: {  	s7 =	sshll.u32 @!p0 s1, $0xE  }
0xb0: {  	s7 =	sor.u32 @!p0 $0x4000, s7;
	s6 =	simm.s32 @!p0 $0x1B8D  }
0xb1: {  	s5 =	sshll.u32 @!p0 s5, $0x11;
	s7 =	sadd.s32 @!p0 $0x11B8D, s7;
	_ =	swait.eq @!p0 [sflag:s6], $0x1  }
0xb2: {  	s5 =	sor.u32 @!p0 s5, s7;
	[sflag:s6] =	ssyncadd.s32 @!p0 $0xFFFFFFFF  }
0xb3: {  	s25 =	simm.s32 $0x1B8E;
	s24 =	sld [smem:$0x3FFE];
	[sflag:s5] =	ssyncadd.remote.s32 @!p0 $0x1  }
0xb4: {  	s26 =	simm.s32 $execute0_lowered;
	[smem:$0x3FD2] =	sst s25  }
0xb5: {  	s6 =	sshll.u32 s26, $0x1;
	_ =	strace $0x8000004C;
	[dreg:$0x1] =	wrdreg $0xFFFFFFFF  }
0xb6: {  	s28 =	simm.s32 $_size_execute0_lowered;
	s4 =	sadd.s32 s4, s6;
	[dreg:$0x0] =	wrdreg $0x0  }
0xb7: {  	s6 =	sshll.u32 s28, $0x1;
	[dreg:$0x2] =	wrdreg s4  }
0xb8: {  	[dreg:$0x3] =	wrdreg s6  }
0xb9: {  	[dreg:$0x4] =	wrdreg $0xC0  }
0xba: {  	_ =	task [dreg:s22], $0x5FFFF  }
0xbb: {  	[dreg:$0x1] =	wrdreg $0xFFFFFFFF  }
0xbc: {  	[dreg:$0x0] =	wrdreg $0x60  }
0xbd: {  	[dreg:$0x2] =	wrdreg s18  }
0xbe: {  	[dreg:$0x3] =	wrdreg s24  }
0xbf: {  	[dreg:$0x4] =	wrdreg $0x9  }
0xc0: {  	_ =	task.clear_ibuf [dreg:s22], $0x5FFFF;
	_ =	strace $0x9000004C  }
0xc1: {  	s29 =	simm.s32 $0x9;
	_ =	strace $0x8000004E  }
0xc2: {  	_ =	swait.ge [sflag:s29], $0x1  }
0xc3: {  	[sflag:s29] =	ssyncadd.s32 $0xFFFFFFFF  }
0xc4: {  	_ =	strace $0x9000004E  }
0xc5: {  	_ =	sfence  }
0xc6: {  	s30 =	sld [smem:$0x0];
	_ =	sdelay $0x2  }
0xc7: {  	s31 =	sshll.u32 s1, $0xD;
	s1 =	sshrl.u32 s1, $0x2  }
0xc8: {  	s4 =	sand.u32 $0x4000, s31;
	s1 =	sadd.s32 s1, s30  }
0xc9: {  	s0 =	sor.u32 s4, s0;
	s1 =	sshll.u32 s1, $0x11  }
0xca: {  	s0 =	sor.u32 s1, s0  }
0xcb: {  	s0 =	sadd.s32 $0x8F2B, s0  }
0xcc: {  	[sflag:s0] =	ssyncadd.remote.s32 $0x1  }
0xcd: {  	_ =	sfence.sel $0xFFFF  }
0xce: {  	[dreg:$0x0] =	wrdreg $0xFFFFFFFF;
	(pc) =	sbr.abs _section_cstart, $3  }
0xcf: {  	[dreg:$0x1] =	wrdreg $0xFFFFFFFF  }
0xd0: {  	_ =	task.clear_ibuf [dreg:s22], $0x2FFFF;
	_ =	strace $0x9FFFFFFF  }
0xd1: {  	(tm) =	ssettm $0x7FFFFFFF  }
tec
execute0_lowered:
.L_overlay_start_1:
0x0: {  	(tag) =	ssettag $0x1  }
0x1: {  	s0 =	rddreg [dreg:$0x1];
	s2 =	simm.s32 $0x0;
	s1 =	srdreg.scid  }
0x2: {  	s4 =	stileid.u32;
	[smem:$0x7FF] =	sst s2  }
0x3: {  	v0 =	vimm.s32 $0xECA86420;
	s1 =	sand.u32 $0x1, s1;
	s26 =	sadd.s32 $0xE00, s0;
	s3 =	sadd.s32 $0x997200, s0  }
0x4: {  	vm0 =	vcmask $0xB08;
	vm1 =	vcmask $0x1310;
	s0 =	sadd.s32 $0xD97200, s0;
	_ =	strace $0x8000004D;
	[dreg:$0x3] =	wrdreg s26  }
0x5: {  	vm2 =	vcmask $0x1B18;
	vm13 =	vcmask $0x300;
	vm4 =	vcmask $0x2320;
	p0 =	slt.u32 s4, $0x8;
	s31 =	sshll.u32 s4, $0xA;
	[dreg:$0x4] =	wrdreg s3  }
0x6: {  	vm5 =	vcmask $0x2B28;
	v2 =	vlaneseq.u32;
	vm6 =	vcmask $0x3330;
	s28 =	ssub.s32 $0x2, s1;
	[dreg:$0x5] =	wrdreg s0;
	s3 =	simm.s32 $0xD  }
0x7: {  	vm7 =	vcmask $0x3B38;
	vm8 =	vmmov $0xff;
	vm10 =	vcmask $0x704;
	s1 =	sshll.u32 s1, $0x9;
	s29 =	sshrl.u32 s28, $0x1;
	s3 =	simm.s32 @!p0 $0xC  }
0x8: {  	vm11 =	vcmask $0xF0C;
	vm9 =	vcmask $0x1714;
	v0 =	vunpack.c.l.s4.s8 v0;
	s1 =	sor.u32 s1, s31;
	s30 =	ssub.s32 s28, s29;
	[dreg:$0x6] =	wrdreg s3  }
0x9: {  	vm14 =	vcmask $0x2724;
	vm15 =	vcmask $0x2F2C;
	vm3 =	vcmask $0x3734;
	[dreg:$0x7] =	wrdreg s1;
	s0 =	smax.u32 s30, $0x1  }
0xa: {  	s2 =	simm.s32 $0x2;
	v1 =	vmul.u32 $0x2, v2;
	v2 =	vmul.u32 $0x4, v2;
	v0 =	vunpack.c.0.s8.s32 v0;
	s1 =	simm.s32 $0x0;
	[dreg:$0x8] =	wrdreg s0  }
.LBB2_1:
0xb: {  	[dreg:$0x9] =	wrdreg s1;
	s1 =	simm.s32 $0x0  }
.LBB2_2:
0xc: {  	s0 =	sshll.u32 s1, $0xE;
	s4 =	rddreg [dreg:$0x7]  }
0xd: {  	s5 =	rddreg [dreg:$0x0];
	s0 =	sor.u32 s4, s0  }
0xe: {  	[dreg:$0xb] =	wrdreg s0;
	s0 =	sshrl.u32 s0, $0x3  }
0xf: {  	[dreg:$0xa] =	wrdreg s1;
	s24 =	simm.s32 $0x0;
	s1 =	sadd.s32 s5, s0  }
0x10: {  	[tilespmem:s24], [sflag:$0x2] =	stream.linear.gather [hbm4b:s1+s24], $0x200, $0x38;
	[tilespmem:$0x4600] =	vst v63  }
0x11: {  	_ =	swait.ge [sflag:s2], $0x200  }
0x12: {  	[sflag:s2] =	ssyncset.done $0x0;
	s6 =	rddreg [dreg:$0x3]  }
0x13: {  	s7 =	simm.s32 $0x200;
	[sflag:s2] =	ssyncadd.s32 $0xFFFFFE00;
	s0 =	sadd.s32 s6, s0  }
0x14: {  	[tilespmem:s7], [sflag:$0x2] =	stream.linear.gather [hbm4b:s0+s24], $0x200, $0x38;
	[tilespmem:$0x4600] =	vst v63  }
0x15: {  	_ =	swait.ge [sflag:s2], $0x200  }
0x16: {  	[sflag:s2] =	ssyncset.done $0x0  }
0x17: {  	[sflag:s2] =	ssyncadd.s32 $0xFFFFFE00  }
0x18: {  	v3 =	vld [tilespmem:s7+$0x0];
	_ =	sdelay $0x2  }
0x19: {  	v4 =	vld [tilespmem:s24+$0x0];
	_ =	sdelay $0x1  }
0x1a: {  	v5 =	vand.u32 $0x3FF, v3  }
0x1b: {  	v3 =	vshrl.u32 v3, $0xA;
	v5 =	vmul.u32 $0x1FFF, v5  }
0x1c: {  	v3 =	vmul.u32 $0x5EA00, v3  }
0x1d: {  	v4 =	vadd.s32 v4, v5  }
0x1e: {  	v3 =	vadd.s32 v3, v4  }
0x1f: {  	(v2sf) =	vpush v3, $0x8  }
0x20: {  	(v2sf) =	vpush v3, $0xD;
	_ =	sdelay $0x1  }
0x21: {  	(v2sf) =	vpush v3, $0x0;
	_ =	sdelay $0x1  }
0x22: {  	(v2sf) =	vpush v3, $0x7  }
0x23: {  	(v2sf) =	vpush v3, $0x2  }
0x24: {  	(v2sf) =	vpush v3, $0x3;
	_ =	sdelay $0x1  }
0x25: {  	(v2sf) =	vpush v3, $0x1  }
0x26: {  	(v2sf) =	vpush v3, $0xC;
	_ =	sdelay $0x2  }
0x27: {  	(v2sf) =	vpush v3, $0x5;
	_ =	sdelay $0x1  }
0x28: {  	s8 =	spop (v2sf)  }
0x29: {  	s26 =	simm.s32 $0x1;
	(v2sf) =	vpush v3, $0x6;
	s9 =	spop (v2sf);
	s18 =	smulhi.u32 $0x431BDE83, s8  }
0x2a: {  	s28 =	simm.s32 $0x210;
	(v2sf) =	vpush v3, $0x9;
	s0 =	sshra.s32 s8, $0x1F;
	s31 =	smulhi.u32 $0x431BDE83, s9  }
0x2b: {  	s29 =	simm.s32 $0x10;
	s10 =	spop (v2sf);
	s21 =	smul.u32 $0x431BDE83, s0  }
0x2c: {  	s30 =	simm.s32 $0x10;
	s4 =	smulhi.u32 $0x431BDE83, s10;
	s2 =	sshra.s32 s10, $0x1F  }
0x2d: {  	s1 =	sshra.s32 s9, $0x1F;
	s3 =	spop (v2sf);
	(v2sf) =	vpush v3, $0x4;
	s2 =	smul.u32 $0x431BDE83, s2  }
0x2e: {  	s6 =	sshra.s32 s3, $0x1F;
	s7 =	spop (v2sf);
	s14 =	smulhi.u32 $0x431BDE83, s3  }
0x2f: {  	s21 =	sadd.s32 s21, s18;
	s6 =	smul.u32 $0x431BDE83, s6;
	s15 =	spop (v2sf)  }
0x30: {  	s19 =	sshra.s32 s7, $0x1F;
	s7 =	smulhi.u32 $0x431BDE83, s7;
	s17 =	sshra.s32 s15, $0x1F  }
0x31: {  	s9 =	spop (v2sf);
	s2 =	sadd.s32 s2, s4;
	s13 =	smul.u32 $0x431BDE83, s19  }
0x32: {  	s16 =	sshra.s32 s9, $0x1F;
	s3 =	spop (v2sf);
	s11 =	smulhi.u32 $0x431BDE83, s9  }
0x33: {  	s0 =	sadd.s32 s6, s14;
	s12 =	sshra.s32 s2, $0x1F;
	s19 =	smul.u32 $0x431BDE83, s17  }
0x34: {  	(v2sf) =	vpush v3, $0xE;
	s8 =	sshra.s32 s2, $0x12;
	s25 =	smul.u32 $0x431BDE83, s16;
	s20 =	sshra.s32 s0, $0x1F  }
0x35: {  	(v2sf) =	vpush v3, $0xA;
	s2 =	sshrl.u32 s2, $0x1F;
	s6 =	smulhi.u32 $0x431BDE83, s15;
	s16 =	spop (v2sf);
	v4 =	vmov s20  }
0x36: {  	s9 =	sshra.s32 s3, $0x1F;
	v5 =	vmov s2;
	s2 =	smul.u32 $0x431BDE83, s1;
	s4 =	sadd.s32 s25, s11;
	v4 =	vsel vm13, s8, v4  }
0x37: {  	s7 =	sadd.s32 s13, s7;
	s14 =	smulhi.u32 $0x431BDE83, s16;
	v4 =	vsel vm10, s12, v4;
	s25 =	sshra.s32 s4, $0x12  }
0x38: {  	(v2sf) =	vpush v3, $0xF;
	s17 =	spop (v2sf);
	s13 =	sshra.s32 s7, $0x12;
	v4 =	vsel vm0, s25, v4;
	s25 =	sshra.s32 s4, $0x1F  }
0x39: {  	(v2sf) =	vpush v3, $0xB;
	v5 =	vnsel vm13, $0x0, v5;
	s23 =	sshra.s32 s17, $0x1F;
	s22 =	sshrl.u32 s4, $0x1F;
	s4 =	spop (v2sf);
	v6 =	vsel vm11, s25, v4  }
0x3a: {  	s15 =	smul.u32 $0x431BDE83, s23;
	v4 =	vsel vm0, s22, v5;
	s18 =	sshra.s32 s4, $0x1F;
	s25 =	simm.s32 $0x0;
	v5 =	vsel vm1, s13, v6  }
.LBB2_3:
0x3b: {  	s18 =	smul.u32 $0x431BDE83, s18;
	s8 =	sshra.s32 s16, $0x1F  }
0x3c: {  	s13 =	spop (v2sf);
	s1 =	smov.u32 s26;
	s16 =	sshrl.u32 s7, $0x1F  }
0x3d: {  	s6 =	sadd.s32 s19, s6;
	s12 =	sshra.s32 s13, $0x1F;
	s8 =	smul.u32 $0x431BDE83, s8  }
0x3e: {  	s7 =	sshra.s32 s7, $0x1F;
	p0 =	sne.s32 s26, $0x1F;
	s13 =	smulhi.u32 $0x431BDE83, s13  }
0x3f: {  	s19 =	sshrl.u32 s6, $0x1F;
	v5 =	vsel vm9, s7, v5;
	s7 =	sshra.s32 s6, $0x12;
	s12 =	smul.u32 $0x431BDE83, s12  }
0x40: {  	s26 =	sadd.s32 $0x1, s26;
	vm12 =	vcmask $0x1F1C;
	v4 =	vsel vm1, s16, v4;
	s16 =	smulhi.u32 $0x431BDE83, s17;
	s6 =	sshra.s32 s6, $0x1F;
	v5 =	vsel vm2, s7, v5  }
0x41: {  	s4 =	smulhi.u32 $0x431BDE83, s4;
	v4 =	vsel vm2, s19, v4;
	s8 =	sadd.s32 s8, s14;
	v5 =	vsel vm12, s6, v5;
	s7 =	sadd.s32 s12, s13  }
0x42: {  	s3 =	smulhi.u32 $0x431BDE83, s3;
	s6 =	sshrl.u32 s8, $0x1F;
	s12 =	sadd.s32 s15, s16  }
0x43: {  	s14 =	sshra.s32 s8, $0x12;
	s13 =	sshrl.u32 s12, $0x1F;
	s15 =	spop (v2sf)  }
0x44: {  	s16 =	sshrl.u32 s0, $0x1F;
	s8 =	sshra.s32 s8, $0x1F;
	s17 =	spop (v2sf)  }
0x45: {  	s23 =	sshra.s32 s12, $0x12;
	s19 =	smulhi.u32 $0x431BDE83, s15;
	s15 =	sshra.s32 s15, $0x1F  }
0x46: {  	s12 =	sshra.s32 s12, $0x1F;
	s5 =	smulhi.u32 $0x431BDE83, s17;
	s17 =	sshra.s32 s17, $0x1F  }
0x47: {  	s0 =	sshra.s32 s0, $0x12;
	s17 =	smul.u32 $0x431BDE83, s17;
	s10 =	spop (v2sf)  }
0x48: {  	s15 =	smul.u32 $0x431BDE83, s15;
	s20 =	sshra.s32 s10, $0x1F;
	s22 =	spop (v2sf)  }
0x49: {  	s10 =	smulhi.u32 $0x431BDE83, s10;
	s5 =	sadd.s32 s17, s5;
	s17 =	sshra.s32 s22, $0x1F  }
0x4a: {  	s15 =	sadd.s32 s15, s19;
	s19 =	smulhi.u32 $0x431BDE83, s22;
	s22 =	sshra.s32 s7, $0x12  }
0x4b: {  	s11 =	sshrl.u32 s7, $0x1F;
	s7 =	sshra.s32 s7, $0x1F;
	s17 =	smul.u32 $0x431BDE83, s17;
	v5 =	vsel vm4, s22, v5  }
0x4c: {  	s2 =	sadd.s32 s2, s31;
	v4 =	vsel vm4, s11, v4;
	v5 =	vsel vm14, s7, v5;
	s7 =	smul.u32 $0x431BDE83, s9  }
0x4d: {  	s4 =	sadd.s32 s18, s4;
	s11 =	sshra.s32 s21, $0x12;
	v4 =	vsel vm5, s6, v4;
	s9 =	sshrl.u32 s21, $0x1F;
	v5 =	vsel vm5, s14, v5  }
0x4e: {  	v4 =	vsel vm6, s13, v4;
	s6 =	smul.u32 $0x431BDE83, s20;
	v6 =	vmov s9;
	s9 =	sadd.s32 s17, s19;
	v5 =	vsel vm15, s8, v5;
	s3 =	sadd.s32 s7, s3  }
0x4f: {  	v7 =	vmov s11;
	v4 =	vsel vm7, s16, v4;
	s7 =	sshra.s32 s4, $0x12;
	s8 =	sshra.s32 s5, $0x12;
	v5 =	vsel vm6, s23, v5;
	s23 =	simm.s32 $0x400  }
0x50: {  	s6 =	sadd.s32 s6, s10;
	s11 =	sshrl.u32 s3, $0x1F;
	s3 =	sshra.s32 s3, $0x12;
	v7 =	vsel vm0, s7, v7;
	v5 =	vsel vm3, s12, v5  }
0x51: {  	s4 =	sshrl.u32 s4, $0x1F;
	s7 =	sshrl.u32 s2, $0x1F;
	s2 =	sshra.s32 s2, $0x12;
	v8 =	vmov s11;
	v9 =	vmov s3;
	v7 =	vsel vm1, s8, v7  }
0x52: {  	v6 =	vsel vm0, s4, v6;
	s4 =	sshrl.u32 s5, $0x1F;
	s3 =	sshrl.u32 s15, $0x1F;
	v8 =	vsel vm0, s7, v8;
	v9 =	vsel vm0, s2, v9;
	s2 =	sshra.s32 s15, $0x12  }
0x53: {  	v6 =	vsel vm1, s4, v6;
	s4 =	sshrl.u32 s9, $0x1F;
	v8 =	vsel vm1, s3, v8;
	s3 =	sshrl.u32 s6, $0x1F;
	v9 =	vsel vm1, s2, v9;
	s2 =	sshra.s32 s6, $0x12  }
0x54: {  	v6 =	vsel vm2, s4, v6;
	v8 =	vsel vm2, s3, v8;
	v9 =	vsel vm2, s2, v9  }
0x55: {  	v5 =	vsel vm7, s0, v5;
	s2 =	sshra.s32 s9, $0x12;
	v6 =	vcombine.low v6, v8  }
0x56: {  	v7 =	vsel vm2, s2, v7  }
0x57: {  	v7 =	vcombine.low v7, v9;
	_ =	sdelay $0x1  }
0x58: {  	v4 =	vperm.xlane v4, v1;
	v6 =	vperm.xlane v6, v0  }
0x59: {  	v5 =	vperm.xlane v5, v1;
	v7 =	vperm.xlane v7, v0;
	_ =	sdelay $0x1  }
0x5a: {  	v4 =	vsel vm8, v4, v6;
	v5 =	vsel vm8, v5, v7  }
0x5b: {  	s0 =	sand.u32 $0x70, s24;
	s24 =	smov.u32 s30;
	v4 =	vadd.s32 v4, v5  }
0x5c: {  	v5 =	vmov s0;
	v4 =	vmul.u32 $0xF4240, v4  }
0x5d: {  	v5 =	vshll.u32 v5, $0x2  }
0x5e: {  	vm12 =	vmmov vm9;
	s0 =	sshrl.u32 s25, $0x3;
	s25 =	smov.u32 s1;
	v3 =	vsub.s32 v3, v4;
	v4 =	vor.u32 v2, v5  }
0x5f: {  	vm9 =	vlt.s32 v3, $0x0;
	v5 =	vadd.s32 $0xF4240, v3;
	v4 =	vadd.s32 s0, v4  }
0x60: {  	v3 =	vsel vm9, v5, v3;
	vm9 =	vmmov vm12  }
0x61: {  	v5 =	vshll.u32 v3, $0x2  }
0x62: {  	v3 =	vshrl.u32 v3, $0x12;
	v5 =	vand.u32 $0xFFFFC, v5  }
0x63: {  	v3 =	vor.u32 v3, v5  }
0x64: {  	[tilespmem:v4+s23+$0x0] =	vst.idx.msk $0xffff, v3  }
0x65: {  	v3 =	vld [tilespmem:s28+$0x0];
	_ =	sdelay $0x2  }
0x66: {  	v4 =	vld [tilespmem:s29+$0x0];
	_ =	sdelay $0x1  }
0x67: {  	v5 =	vshrl.u32 v3, $0xA;
	v3 =	vand.u32 $0x3FF, v3  }
0x68: {  	v3 =	vmul.u32 $0x1FFF, v3  }
0x69: {  	v5 =	vmul.u32 $0x5EA00, v5  }
0x6a: {  	v3 =	vadd.s32 v4, v3  }
0x6b: {  	v3 =	vadd.s32 v5, v3  }
0x6c: {  	(v2sf) =	vpush v3, $0x8  }
0x6d: {  	(v2sf) =	vpush v3, $0xD  }
0x6e: {  	(v2sf) =	vpush v3, $0x0  }
0x6f: {  	(v2sf) =	vpush v3, $0x7  }
0x70: {  	(v2sf) =	vpush v3, $0x2  }
0x71: {  	(v2sf) =	vpush v3, $0x3  }
0x72: {  	(v2sf) =	vpush v3, $0x1;
	_ =	sdelay $0x1  }
0x73: {  	(v2sf) =	vpush v3, $0xC;
	_ =	sdelay $0x2  }
0x74: {  	(v2sf) =	vpush v3, $0x5;
	_ =	sdelay $0x2  }
0x75: {  	(v2sf) =	vpush v3, $0x6  }
0x76: {  	s30 =	sadd.s32 $0x10, s30;
	s28 =	sadd.s32 $0x10, s28;
	s0 =	spop (v2sf)  }
0x77: {  	s29 =	sadd.s32 $0x10, s29;
	s1 =	smulhi.u32 $0x431BDE83, s0;
	s2 =	spop (v2sf);
	(v2sf) =	vpush v3, $0x9  }
0x78: {  	s0 =	sshra.s32 s0, $0x1F;
	s31 =	smulhi.u32 $0x431BDE83, s2;
	s3 =	spop (v2sf)  }
0x79: {  	s4 =	smulhi.u32 $0x431BDE83, s3;
	s3 =	sshra.s32 s3, $0x1F;
	(v2sf) =	vpush v3, $0x4;
	s5 =	spop (v2sf)  }
0x7a: {  	s13 =	smul.u32 $0x431BDE83, s0;
	s6 =	sshra.s32 s5, $0x1F;
	s7 =	spop (v2sf)  }
0x7b: {  	s2 =	sshra.s32 s2, $0x1F;
	s6 =	smul.u32 $0x431BDE83, s6;
	s8 =	spop (v2sf)  }
0x7c: {  	s3 =	smul.u32 $0x431BDE83, s3;
	s10 =	sshra.s32 s8, $0x1F;
	s9 =	spop (v2sf)  }
0x7d: {  	s5 =	smulhi.u32 $0x431BDE83, s5;
	s12 =	sshra.s32 s7, $0x1F;
	s11 =	sshra.s32 s9, $0x1F  }
0x7e: {  	s7 =	smulhi.u32 $0x431BDE83, s7;
	s4 =	sadd.s32 s3, s4;
	s3 =	spop (v2sf)  }
0x7f: {  	s14 =	smulhi.u32 $0x431BDE83, s9;
	s0 =	sadd.s32 s6, s5;
	s5 =	sshra.s32 s4, $0x1F  }
0x80: {  	s6 =	smul.u32 $0x431BDE83, s11;
	s11 =	sshra.s32 s4, $0x12;
	s9 =	sshra.s32 s0, $0x1F;
	(v2sf) =	vpush v3, $0xE  }
0x81: {  	s12 =	smul.u32 $0x431BDE83, s12;
	s4 =	sshrl.u32 s4, $0x1F;
	v4 =	vmov s9;
	(v2sf) =	vpush v3, $0xA;
	s16 =	spop (v2sf)  }
0x82: {  	s9 =	sshra.s32 s3, $0x1F;
	v5 =	vmov s4;
	s4 =	sadd.s32 s6, s14;
	v4 =	vsel vm13, s11, v4;
	s14 =	smulhi.u32 $0x431BDE83, s16  }
.Ltmp0:
0x83: {  	s6 =	sshrl.u32 s4, $0x1F;
	v4 =	vsel vm10, s5, v4;
	s5 =	sshra.s32 s4, $0x12;
	(pc) =	sbr.rel @p0 .LBB2_3-.Ltmp0, $4  }
0x84: {  	s19 =	smul.u32 $0x431BDE83, s10;
	v5 =	vnsel vm13, $0x0, v5;
	s4 =	sshra.s32 s4, $0x1F;
	v6 =	vsel vm0, s5, v4;
	(v2sf) =	vpush v3, $0xF;
	s17 =	spop (v2sf)  }
0x85: {  	s7 =	sadd.s32 s12, s7;
	v4 =	vsel vm0, s6, v5;
	s6 =	smulhi.u32 $0x431BDE83, s8;
	v5 =	vsel vm11, s4, v6;
	s5 =	sshra.s32 s17, $0x1F;
	(v2sf) =	vpush v3, $0xB  }
0x86: {  	s15 =	smul.u32 $0x431BDE83, s5;
	s5 =	sshra.s32 s7, $0x12;
	s4 =	spop (v2sf)  }
0x87: {  	s2 =	smul.u32 $0x431BDE83, s2;
	s21 =	sadd.s32 s13, s1;
	s18 =	sshra.s32 s4, $0x1F;
	v5 =	vsel vm1, s5, v5  }
0x88: {  	s5 =	smul.u32 $0x431BDE83, s18  }
0x89: {  	s22 =	smulhi.u32 $0x431BDE83, s17  }
0x8a: {  	s4 =	smulhi.u32 $0x431BDE83, s4  }
0x8b: {  	s1 =	sshra.s32 s16, $0x1F;
	s8 =	spop (v2sf);
	s3 =	smulhi.u32 $0x431BDE83, s3  }
0x8c: {  	s10 =	sshrl.u32 s7, $0x1F;
	s6 =	sadd.s32 s19, s6;
	s1 =	smul.u32 $0x431BDE83, s1  }
0x8d: {  	s7 =	sshra.s32 s7, $0x1F;
	s11 =	sshra.s32 s8, $0x1F;
	s8 =	smulhi.u32 $0x431BDE83, s8  }
0x8e: {  	s12 =	sshrl.u32 s6, $0x1F;
	s13 =	sshra.s32 s6, $0x12;
	s6 =	sshra.s32 s6, $0x1F  }
0x8f: {  	s2 =	sadd.s32 s2, s31;
	v4 =	vsel vm1, s10, v4;
	s11 =	smul.u32 $0x431BDE83, s11;
	s4 =	sadd.s32 s5, s4  }
0x90: {  	v4 =	vsel vm2, s12, v4;
	s12 =	smul.u32 $0x431BDE83, s9;
	s14 =	sadd.s32 s1, s14;
	s1 =	sadd.s32 s15, s22  }
0x91: {  	s8 =	sadd.s32 s11, s8;
	s18 =	sshrl.u32 s14, $0x1F;
	s16 =	sshrl.u32 s1, $0x1F  }
0x92: {  	v5 =	vsel vm9, s7, v5;
	s19 =	sshra.s32 s14, $0x12;
	s7 =	sshra.s32 s14, $0x1F;
	s26 =	spop (v2sf)  }
0x93: {  	v5 =	vsel vm2, s13, v5;
	s13 =	sshra.s32 s1, $0x12;
	s28 =	spop (v2sf);
	s29 =	smulhi.u32 $0x431BDE83, s26  }
0x94: {  	s3 =	sadd.s32 s12, s3;
	s11 =	sshra.s32 s26, $0x1F;
	s30 =	smulhi.u32 $0x431BDE83, s28  }
0x95: {  	s12 =	sshrl.u32 s0, $0x1F;
	s20 =	sshra.s32 s28, $0x1F;
	s11 =	smul.u32 $0x431BDE83, s11  }
0x96: {  	s1 =	sshra.s32 s1, $0x1F;
	s10 =	sshrl.u32 s8, $0x1F;
	s22 =	smul.u32 $0x431BDE83, s20  }
0x97: {  	vm9 =	vcmask $0x1F1C;
	s20 =	spop (v2sf);
	s11 =	sadd.s32 s11, s29;
	s29 =	sshra.s32 s8, $0x12  }
0x98: {  	v5 =	vsel vm9, s6, v5;
	v4 =	vsel vm4, s10, v4;
	s15 =	sadd.s32 s22, s30;
	s22 =	spop (v2sf);
	s28 =	smulhi.u32 $0x431BDE83, s20  }
0x99: {  	v4 =	vsel vm5, s18, v4;
	v5 =	vsel vm4, s29, v5;
	s30 =	sshra.s32 s8, $0x1F;
	s31 =	sshra.s32 s20, $0x1F;
	s20 =	sshra.s32 s21, $0x12  }
0x9a: {  	v4 =	vsel vm6, s16, v4;
	s29 =	sshrl.u32 s2, $0x1F;
	s14 =	smulhi.u32 $0x431BDE83, s22;
	s26 =	sshra.s32 s22, $0x1F;
	v5 =	vsel vm14, s30, v5  }
0x9b: {  	v4 =	vsel vm7, s12, v4;
	s5 =	smul.u32 $0x431BDE83, s31;
	v7 =	vmov s20;
	v5 =	vsel vm5, s19, v5;
	s19 =	sshrl.u32 s21, $0x1F;
	s21 =	sshra.s32 s4, $0x12  }
0x9c: {  	s17 =	smul.u32 $0x431BDE83, s26;
	s26 =	sshrl.u32 s3, $0x1F;
	s3 =	sshra.s32 s3, $0x12;
	v6 =	vmov s19;
	v5 =	vsel vm15, s7, v5;
	v7 =	vsel vm0, s21, v7  }
0x9d: {  	s4 =	sshrl.u32 s4, $0x1F;
	s5 =	sadd.s32 s5, s28;
	v8 =	vmov s26;
	s28 =	sshra.s32 s15, $0x12;
	v9 =	vmov s3;
	v5 =	vsel vm6, s13, v5  }
0x9e: {  	s2 =	sshra.s32 s2, $0x12;
	s30 =	sshrl.u32 s11, $0x1F;
	s31 =	sshrl.u32 s15, $0x1F;
	v7 =	vsel vm1, s28, v7;
	v8 =	vsel vm0, s29, v8;
	v6 =	vsel vm0, s4, v6  }
0x9f: {  	s7 =	sshra.s32 s11, $0x12;
	s17 =	sadd.s32 s17, s14;
	v9 =	vsel vm0, s2, v9;
	s8 =	sshrl.u32 s5, $0x1F;
	v8 =	vsel vm1, s30, v8;
	v6 =	vsel vm1, s31, v6  }
0xa0: {  	s10 =	sshra.s32 s5, $0x12;
	s9 =	sshrl.u32 s17, $0x1F;
	v9 =	vsel vm1, s7, v9;
	s11 =	sshra.s32 s17, $0x12;
	v5 =	vsel vm3, s1, v5;
	v8 =	vsel vm2, s8, v8  }
0xa1: {  	s13 =	sshra.s32 s0, $0x12;
	v6 =	vsel vm2, s9, v6;
	v9 =	vsel vm2, s10, v9;
	v7 =	vsel vm2, s11, v7  }
0xa2: {  	v5 =	vsel vm7, s13, v5;
	v6 =	vcombine.low v6, v8;
	v7 =	vcombine.low v7, v9  }
0xa3: {  	v4 =	vperm.xlane v4, v1;
	v5 =	vperm.xlane v5, v1  }
0xa4: {  	v6 =	vperm.xlane v6, v0;
	v7 =	vperm.xlane v7, v0;
	_ =	sdelay $0x1  }
0xa5: {  	v4 =	vsel vm8, v4, v6;
	v5 =	vsel vm8, v5, v7  }
0xa6: {  	s14 =	sand.u32 $0x70, s24;
	v4 =	vadd.s32 v4, v5  }
0xa7: {  	v61 =	vmov s14;
	v4 =	vmul.u32 $0xF4240, v4  }
0xa8: {  	v5 =	vshll.u32 v61, $0x2  }
0xa9: {  	s15 =	sshrl.u32 s25, $0x3;
	v62 =	vor.u32 v2, v5;
	v3 =	vsub.s32 v3, v4  }
0xaa: {  	v4 =	vadd.s32 s15, v62;
	vm9 =	vlt.s32 v3, $0x0;
	v63 =	vadd.s32 $0xF4240, v3  }
0xab: {  	v3 =	vsel vm9, v63, v3  }
0xac: {  	v5 =	vshll.u32 v3, $0x2  }
0xad: {  	v3 =	vshrl.u32 v3, $0x12;
	v5 =	vand.u32 $0xFFFFC, v5  }
0xae: {  	v3 =	vor.u32 v3, v5  }
0xaf: {  	s18 =	simm.s32 $0x600;
	s16 =	rddreg [dreg:$0x4];
	s17 =	simm.s32 $0x80;
	[tilespmem:v4+s23+$0x0] =	vst.idx.msk $0xffff, v3  }
0xb0: {  	[tilespmem:s18], [sflag:$0x1] =	stream.indirect.gather [hbm4b:s16+s17], $0x20, s23, s17, $0xb8;
	[tilespmem:$0x4600] =	vst v63  }
0xb1: {  	s20 =	simm.s32 $0x1600;
	s19 =	simm.s32 $0x480  }
0xb2: {  	[tilespmem:s20], [sflag:$0x1] =	stream.indirect.gather [hbm4b:s16+s17], $0x20, s19, s17, $0xb8;
	[tilespmem:$0x4600] =	vst v63  }
0xb3: {  	s22 =	simm.s32 $0x2600;
	s21 =	simm.s32 $0x500  }
0xb4: {  	[tilespmem:s22], [sflag:$0x1] =	stream.indirect.gather [hbm4b:s16+s17], $0x20, s21, s17, $0xb8;
	[tilespmem:$0x4600] =	vst v63  }
0xb5: {  	s25 =	simm.s32 $0x1;
	s24 =	simm.s32 $0x3600;
	s23 =	simm.s32 $0x580  }
0xb6: {  	[tilespmem:s24], [sflag:$0x1] =	stream.indirect.gather [hbm4b:s16+s17], $0x20, s23, s17, $0xb8;
	[tilespmem:$0x4600] =	vst v63  }
0xb7: {  	_ =	swait.ge [sflag:s25], $0x1000  }
0xb8: {  	[sflag:s25] =	ssyncset.done $0x0  }
0xb9: {  	[sflag:s25] =	ssyncadd.s32 $0xFFFFF000  }
0xba: {  	_ =	swait.ge [sflag:s25], $0x1000  }
0xbb: {  	[sflag:s25] =	ssyncset.done $0x0  }
0xbc: {  	[sflag:s25] =	ssyncadd.s32 $0xFFFFF000  }
0xbd: {  	_ =	swait.ge [sflag:s25], $0x1000  }
0xbe: {  	[sflag:s25] =	ssyncset.done $0x0  }
0xbf: {  	[sflag:s25] =	ssyncadd.s32 $0xFFFFF000  }
0xc0: {  	_ =	swait.ge [sflag:s25], $0x1000  }
0xc1: {  	s29 =	simm.s32 $0x0;
	s26 =	rddreg [dreg:$0xb]  }
0xc2: {  	[sflag:s25] =	ssyncset.done $0x0;
	s28 =	rddreg [dreg:$0x5];
	s0 =	sshll.u32 s26, $0x2  }
0xc3: {  	s2 =	simm.s32 $0x2;
	[sflag:s25] =	ssyncadd.s32 $0xFFFFF000;
	s0 =	sadd.s32 s28, s0  }
0xc4: {  	[hbm4b:s0+s29] =	stream.linear.scatter [tilespmem:s18], [sflag:$0x2], $0x4000, $0x38;
	[tilespmem:$0x4600] =	vst v63  }
0xc5: {  	_ =	swait.ge [sflag:s2], $0x4000  }
0xc6: {  	s30 =	rddreg [dreg:$0xa]  }
0xc7: {  	s31 =	rddreg [dreg:$0x6];
	s1 =	sadd.s32 $0x1, s30  }
0xc8: {  	p0 =	sne.s32 s1, s31  }
.Ltmp1:
0xc9: {  	_ = 	snop;
	(pc) =	sbr.rel @p0 .LBB2_2-.Ltmp1, $3  }
0xca: {  	_ =	sdelay $0x1  }
0xcb: {  	[sflag:s2] =	ssyncset.done $0x0  }
0xcc: {  	vm9 =	vmmov vm12;
	[sflag:s2] =	ssyncadd.s32 $0xFFFFC000  }
0xcd: {  	s1 =	rddreg [dreg:$0x9]  }
0xce: {  	s0 =	rddreg [dreg:$0x8];
	s1 =	sadd.s32 $0x1, s1  }
0xcf: {  	p0 =	sne.s32 s1, s0  }
.Ltmp2:
0xd0: {  	_ = 	snop;
	(pc) =	sbr.rel @p0 .LBB2_1-.Ltmp2, $1  }
0xd1: {  	_ =	sdelay $0x3  }
0xd2: {  	_ =	sfence.sel $0x180000  }
0xd3: {  	[bflag:$0x0] =	sbarrier.arrive $0xFFFF  }
0xd4: {  	_ =	strace $0x9000004D  }
0xd5: {  	s0 =	stileid.u32;
	[bflag:$0x2] =	sbarrier.arrive $0xFFFF  }
0xd6: {  	p0 =	sne.s32 s0, $0x0;
	s0 =	rddreg [dreg:$0x2]  }
0xd7: {  	s0 =	sadd.s32 @!p0 $0x100000, s0  }
0xd8: {  	[sflag:s0] =	ssyncadd.tile.s32 @!p0 $0x1;
	_ =	shalt  }
.Lfunc_end2:
_tile_overlayer_lowered:
.L_overlay_start_2:
0xd9: {  	(tag) =	ssettag $0x2  }
0xda: {  	s0 =	rddreg [dreg:$0x0];
	s2 =	stileid.u32  }
0xdb: {  	s1 =	rddreg [dreg:$0x1];
	p0 =	sne.s32 s2, $0x0  }
0xdc: {  	s3 =	rddreg [dreg:$0x2];
	[bflag:$0x3] =	sbarrier.arrive $0xFFFF;
	s2 =	simm.s32 @!p0 $0x1C02  }
0xdd: {  	[timem:s3], [sflag:s2] =	dma.local @!p0 [hbm:s0], s1  }
0xde: {  	s0 =	simm.s32 @!p0 $0x2  }
0xdf: {  	_ =	swait.ge @!p0 [sflag:s0], s1  }
0xe0: {  	s1 =	ssub.s32 @!p0 $0x0, s1;
	[sflag:s0] =	ssyncset.done @!p0 $0x0  }
0xe1: {  	[sflag:s0] =	ssyncadd.s32 @!p0 s1  }
0xe2: {  	[bflag:$0x3] =	sbarrier.arrive $0xFFFF  }
0xe3: {  	_ =	shalt  }

</sc_bundles>
